<compile_context>
chip_gen: v7x
topology: tpu7x:2x2x1
jax: 0.10.2.dev20260603
libtpu: 0.0.44.dev20260713+nightly
codegen_flags: <defaults>
</compile_context>

<pallas_src>
import jax
import jax.numpy as jnp
from jax import lax
from jax.experimental import pallas as pl
from jax.experimental.pallas import tpu as pltpu
from jax.experimental.pallas import tpu_sc as plsc

NC = 2
NS = 16
NW = NC * NS

EMB_DIM = 32
CHUNK = 128
K = 8
GROUP = K * CHUNK

TBLK = 512
NBLK = 1954
NB_PT = 62
LROWS = NBLK * (TBLK // 4)


def _transpose_body(tT_hbm, lin_hbm, bin0, bin1, bout0, bout1,
                    gi0, gi1, so0, so1):
    t = lax.axis_index("s") * NC + lax.axis_index("c")
    lo = t * 61 + jnp.minimum(t, 2)
    cnt = 61 + (t < 2).astype(jnp.int32)

    bins = (bin0, bin1)
    bouts = (bout0, bout1)
    isems = (gi0, gi1)
    osems = (so0, so1)
    jv0 = lax.iota(jnp.int32, 16)
    jv1 = jv0 + 16

    def blk(k):
        return jnp.where(k < cnt, lo + k, lo)

    def fire_in(k, s):
        cb = blk(k)
        src = tT_hbm.at[:, pl.ds(cb * TBLK, TBLK)]
        is_tail = cb == NBLK - 1

        @pl.when(jnp.logical_not(is_tail))
        def _():
            pltpu.async_copy(src, bins[s], isems[s])

        @pl.when(is_tail)
        def _():
            pltpu.async_copy(
                tT_hbm.at[:, pl.ds(cb * TBLK, 128)],
                bins[s].at[:, pl.ds(0, 128)], isems[s])
            for q in range(1, 4):
                pltpu.async_copy(
                    tT_hbm.at[:, pl.ds(cb * TBLK, 128)],
                    bins[s].at[:, pl.ds(q * 128, 128)], isems[s])

    def drain_in(s):
        pltpu.make_async_copy(
            lin_hbm.at[pl.ds(0, EMB_DIM * TBLK // 128)], bins[s],
            isems[s]).wait()

    def transpose(s):
        bi, bo = bins[s], bouts[s]

        @plsc.parallel_loop(0, TBLK, unroll=16)
        def _(r):
            row = r >> 2
            col = (r & 3) * EMB_DIM
            rv = jnp.full((16,), r, jnp.int32)
            bo[row, pl.ds(col, 16)] = plsc.load_gather(bi, [jv0, rv])
            bo[row, pl.ds(col + 16, 16)] = plsc.load_gather(bi, [jv1, rv])

    def fire_out(k, s):
        cb = blk(k)
        pltpu.async_copy(
            bouts[s], lin_hbm.at[pl.ds(cb * (TBLK // 4), TBLK // 4)],
            osems[s])

    def drain_out(s):
        pltpu.make_async_copy(
            bouts[s], lin_hbm.at[pl.ds(0, TBLK // 4)], osems[s]).wait()

    fire_in(0, 0)
    fire_in(1, 1)

    @pl.loop(0, NB_PT, step=2)
    def _(k):
        for s in range(2):
            drain_in(s)
            transpose(s)
            fire_out(k + s, s)
            drain_out(s)
            fire_in(k + s + 2, s)

    drain_in(0)
    drain_in(1)


def _gather_body(idxT_hbm, table_hbm, out_hbm, idx_v, rows0, rows1,
                 g0, g1, s0, s1):
    nwalk, nbatch = idxT_hbm.shape
    bp = nbatch // NW
    cpw = bp // CHUNK
    ngroups = (nwalk * cpw) // K
    t = lax.axis_index("s") * NC + lax.axis_index("c")
    b0 = t * bp

    pltpu.sync_copy(idxT_hbm.at[:, pl.ds(b0, bp)], idx_v)

    bufs = (rows0, rows1)
    gsems = (g0, g1)
    ssems = (s0, s1)
    wpg = K // cpw

    def fire_gathers(grp, b):
        for i in range(K):
            w = grp * wpg + i // cpw
            c = i % cpw
            pltpu.async_copy(
                table_hbm.at[idx_v.at[w, pl.ds(c * CHUNK, CHUNK)]],
                bufs[b].at[pl.ds(i * CHUNK, CHUNK)],
                gsems[b])

    def drain_gathers(b):
        pltpu.make_async_copy(
            out_hbm.at[0, pl.ds(0, GROUP)], bufs[b], gsems[b]).wait()

    def fire_stores(grp, b):
        for i in range(K):
            w = grp * wpg + i // cpw
            c = i % cpw
            pltpu.async_copy(
                bufs[b].at[pl.ds(i * CHUNK, CHUNK)],
                out_hbm.at[w, pl.ds(b0 + c * CHUNK, CHUNK)],
                ssems[b])

    def drain_stores(b):
        pltpu.make_async_copy(
            bufs[b], out_hbm.at[0, pl.ds(0, GROUP)], ssems[b]).wait()

    fire_gathers(0, 0)
    fire_gathers(1, 1)

    @pl.loop(0, ngroups - 2, step=2)
    def _(g):
        drain_gathers(0)
        fire_stores(g, 0)
        drain_gathers(1)
        fire_stores(g + 1, 1)
        drain_stores(0)
        fire_gathers(g + 2, 0)
        drain_stores(1)
        fire_gathers(g + 3, 1)

    drain_gathers(0)
    fire_stores(ngroups - 2, 0)
    drain_gathers(1)
    fire_stores(ngroups - 1, 1)
    drain_stores(0)
    drain_stores(1)


def kernel(indices, emb_table):
    b, w = indices.shape
    n_nodes, d = emb_table.shape
    idxT = indices.astype(jnp.int32).T
    tT = emb_table.T

    mesh = plsc.VectorSubcoreMesh(
        core_axis_name="c", subcore_axis_name="s",
        num_cores=NC, num_subcores=NS)

    lin = pl.kernel(
        _transpose_body,
        out_type=jax.ShapeDtypeStruct((LROWS, 128), jnp.float32),
        mesh=mesh,
        scratch_types=[
            pltpu.VMEM((d, TBLK), jnp.float32),
            pltpu.VMEM((d, TBLK), jnp.float32),
            pltpu.VMEM((TBLK // 4, 128), jnp.float32),
            pltpu.VMEM((TBLK // 4, 128), jnp.float32),
            pltpu.SemaphoreType.DMA,
            pltpu.SemaphoreType.DMA,
            pltpu.SemaphoreType.DMA,
            pltpu.SemaphoreType.DMA,
        ],
        compiler_params=pltpu.CompilerParams(
            use_tc_tiling_on_sc=True, disable_bounds_checks=True,
            needs_layout_passes=False),
    )(tT)
    table_lin = lin.reshape(LROWS * 128 // d, d)

    run = pl.kernel(
        _gather_body,
        out_type=jax.ShapeDtypeStruct((w, b, EMB_DIM), jnp.float32),
        mesh=plsc.VectorSubcoreMesh(
            core_axis_name="c", subcore_axis_name="s",
            num_cores=NC, num_subcores=NS),
        scratch_types=[
            pltpu.VMEM((w, b // NW), jnp.int32),
            pltpu.VMEM((GROUP, EMB_DIM), jnp.float32),
            pltpu.VMEM((GROUP, EMB_DIM), jnp.float32),
            pltpu.SemaphoreType.DMA,
            pltpu.SemaphoreType.DMA,
            pltpu.SemaphoreType.DMA,
            pltpu.SemaphoreType.DMA,
        ],
        compiler_params=pltpu.CompilerParams(use_tc_tiling_on_sc=False),
    )
    out = run(idxT, table_lin)
    return out.transpose(1, 0, 2)

# --- scband reference (transcript-rebuilt; emitter-appended) ---
"""Pipeline reference for scband-deepwalk-79190607004115 (READ-ONLY COPY).

The authoritative reference and input builder live on the scoring server;
editing this copy changes nothing except your own understanding.
"""

import jax, jax.numpy as jnp
import numpy as np

NODE_NUM = 1000000
EMB_DIM = 32

def setup_inputs(seed: int = 0) -> dict:
    key = jax.random.key(seed)
    k1, k2 = jax.random.split(key)
    indices = jax.random.randint(k1, (16384, 20), 0, NODE_NUM, dtype=jnp.int64 if jax.config.jax_enable_x64 else jnp.int32)
    # Embedding table (Glorot-uniform style init)
    limit = np.sqrt(6.0 / (NODE_NUM + EMB_DIM))
    emb_table = jax.random.uniform(k2, (NODE_NUM, EMB_DIM), minval=-limit, maxval=limit, dtype=jnp.float32)
    return {"indices": indices, "emb_table": emb_table}

def reference(indices, emb_table):
    # Deepwalk node embedding lookup: tf.keras.layers.Embedding(node_num, emb_dim)(indices)
    # Equivalent to tf.nn.embedding_lookup(emb_table, indices)
    return jnp.take(emb_table, indices, axis=0)

if __name__ == "__main__":
    import jax
    _d = setup_inputs()
    print(jax.jit(kernel)(*tuple(_d.values())))

</pallas_src>

<mosaic_0001>
#map = affine_map<(d0, d1) -> (0, 0)>
module attributes {stable_mosaic.version = 14 : i64} {
  func.func @_transpose_body(%arg0: i32, %arg1: i32, %arg2: memref<32x1000000xf32, #tpu.memory_space<hbm>>, %arg3: memref<250112x128xf32, #tpu.memory_space<hbm>>, %arg4: memref<32x512xf32, #tpu.memory_space<vmem>>, %arg5: memref<32x512xf32, #tpu.memory_space<vmem>>, %arg6: memref<128x128xf32, #tpu.memory_space<vmem>>, %arg7: memref<128x128xf32, #tpu.memory_space<vmem>>, %arg8: memref<!tpu.dma_semaphore, #tpu.memory_space<semaphore_mem>>, %arg9: memref<!tpu.dma_semaphore, #tpu.memory_space<semaphore_mem>>, %arg10: memref<!tpu.dma_semaphore, #tpu.memory_space<semaphore_mem>>, %arg11: memref<!tpu.dma_semaphore, #tpu.memory_space<semaphore_mem>>) attributes {dimension_semantics = [#tpu.dimension_semantics<core_parallel>, #tpu.dimension_semantics<subcore_parallel>], iteration_bounds = array<i64: 2, 16>, scalar_prefetch = 0 : i64, scratch_operands = 8 : i64, tpu.core_type = #tpu.core_type<sc_vector_subcore>, window_params = [{transform_indices = #map}, {transform_indices = #map}]} {
    %mul3A = arith.constant 2 : i32
    %mul3A_0 = arith.muli %arg1, %mul3A : i32
    %add3A = arith.addi %mul3A_0, %arg0 : i32
    %mul3A_1 = arith.constant 61 : i32
    %mul3A_2 = arith.muli %add3A, %mul3A_1 : i32
    %min3A = arith.constant 2 : i32
    %min3A_3 = arith.minsi %add3A, %min3A : i32
    %add3A_4 = arith.addi %mul3A_2, %min3A_3 : i32
    %lt3A = arith.constant 2 : i32
    %lt3A_5 = arith.cmpi slt, %add3A, %lt3A : i32
    %convert_element_type3A = arith.extui %lt3A_5 : i1 to i32
    %add3A_6 = arith.constant 61 : i32
    %add3A_7 = arith.addi %add3A_6, %convert_element_type3A : i32
    %iota3A = tpu.iota {dimensions = array<i32: 0>} : vector<16xi32>
    %add3A_8 = arith.constant 16 : i32
    %add3A_9 = vector.broadcast %add3A_8 : i32 to vector<16xi32>
    %add3A_10 = arith.addi %iota3A, %add3A_9 : vector<16xi32>
    %gt3A = arith.constant 0 : i32
    %gt3A_11 = arith.cmpi sgt, %add3A_7, %gt3A : i32
    %add3A_12 = arith.constant 0 : i32
    %add3A_13 = arith.addi %add3A_4, %add3A_12 : i32
    %select_n3A = arith.select %gt3A_11, %add3A_13, %add3A_4 : i32
    %mul3A_14 = arith.constant 512 : i32
    %mul3A_15 = arith.muli %select_n3A, %mul3A_14 : i32
    %eq3A = arith.constant 1953 : i32
    %eq3A_16 = arith.cmpi eq, %select_n3A, %eq3A : i32
    %not3A = arith.constant true
    %not3A_17 = arith.xori %eq3A_16, %not3A : i1
    %convert_element_type3A_18 = arith.extui %not3A_17 : i1 to i32
    %cond3A = arith.constant 0 : i32
    %cond3A_19 = arith.cmpi ne, %convert_element_type3A_18, %cond3A : i32
    scf.if %cond3A_19 {
      %dma_start3A = arith.constant 0 : i32
      %dma_start3A_55 = tpu.memref_slice %arg2[%dma_start3A, %mul3A_15] : memref<32x1000000xf32, #tpu.memory_space<hbm>> -> memref<32x512xf32, #tpu.memory_space<hbm>>
      %dma_start3A_56 = arith.constant 0 : i32
      %dma_start3A_57 = tpu.memref_slice %arg2[%dma_start3A_56, %mul3A_15] : memref<32x1000000xf32, #tpu.memory_space<hbm>> -> memref<32x512xf32, #tpu.memory_space<hbm>>
      tpu.enqueue_dma source(%dma_start3A_57 : memref<32x512xf32, #tpu.memory_space<hbm>>) target(%arg4 : memref<32x512xf32, #tpu.memory_space<vmem>>) target_semaphore(%arg8 : memref<!tpu.dma_semaphore, #tpu.memory_space<semaphore_mem>>)
    } else {
    }
    %convert_element_type3A_20 = arith.extui %eq3A_16 : i1 to i32
    %cond3A_21 = arith.constant 0 : i32
    %cond3A_22 = arith.cmpi ne, %convert_element_type3A_20, %cond3A_21 : i32
    scf.if %cond3A_22 {
      %mul3A_55 = arith.constant 512 : i32
      %mul3A_56 = arith.muli %select_n3A, %mul3A_55 : i32
      %dma_start3A = arith.constant 0 : i32
      %dma_start3A_57 = arith.constant 0 : i32
      %dma_start3A_58 = tpu.memref_slice %arg4[%dma_start3A, %dma_start3A_57] : memref<32x512xf32, #tpu.memory_space<vmem>> -> memref<32x128xf32, #tpu.memory_space<vmem>>
      %dma_start3A_59 = arith.constant 0 : i32
      %dma_start3A_60 = tpu.memref_slice %arg2[%dma_start3A_59, %mul3A_56] : memref<32x1000000xf32, #tpu.memory_space<hbm>> -> memref<32x128xf32, #tpu.memory_space<hbm>>
      %dma_start3A_61 = arith.constant 0 : i32
      %dma_start3A_62 = arith.constant 0 : i32
      %dma_start3A_63 = tpu.memref_slice %arg4[%dma_start3A_61, %dma_start3A_62] : memref<32x512xf32, #tpu.memory_space<vmem>> -> memref<32x128xf32, #tpu.memory_space<vmem>>
      %dma_start3A_64 = arith.constant 0 : i32
      %dma_start3A_65 = tpu.memref_slice %arg2[%dma_start3A_64, %mul3A_56] : memref<32x1000000xf32, #tpu.memory_space<hbm>> -> memref<32x128xf32, #tpu.memory_space<hbm>>
      tpu.enqueue_dma source(%dma_start3A_65 : memref<32x128xf32, #tpu.memory_space<hbm>>) target(%dma_start3A_63 : memref<32x128xf32, #tpu.memory_space<vmem>>) target_semaphore(%arg8 : memref<!tpu.dma_semaphore, #tpu.memory_space<semaphore_mem>>)
      %mul3A_66 = arith.constant 512 : i32
      %mul3A_67 = arith.muli %select_n3A, %mul3A_66 : i32
      %dma_start3A_68 = arith.constant 0 : i32
      %dma_start3A_69 = arith.constant 128 : i32
      %dma_start3A_70 = tpu.memref_slice %arg4[%dma_start3A_68, %dma_start3A_69] : memref<32x512xf32, #tpu.memory_space<vmem>> -> memref<32x128xf32, #tpu.memory_space<vmem>>
      %dma_start3A_71 = arith.constant 0 : i32
      %dma_start3A_72 = tpu.memref_slice %arg2[%dma_start3A_71, %mul3A_67] : memref<32x1000000xf32, #tpu.memory_space<hbm>> -> memref<32x128xf32, #tpu.memory_space<hbm>>
      %dma_start3A_73 = arith.constant 0 : i32
      %dma_start3A_74 = arith.constant 128 : i32
      %dma_start3A_75 = tpu.memref_slice %arg4[%dma_start3A_73, %dma_start3A_74] : memref<32x512xf32, #tpu.memory_space<vmem>> -> memref<32x128xf32, #tpu.memory_space<vmem>>
      %dma_start3A_76 = arith.constant 0 : i32
      %dma_start3A_77 = tpu.memref_slice %arg2[%dma_start3A_76, %mul3A_67] : memref<32x1000000xf32, #tpu.memory_space<hbm>> -> memref<32x128xf32, #tpu.memory_space<hbm>>
      tpu.enqueue_dma source(%dma_start3A_77 : memref<32x128xf32, #tpu.memory_space<hbm>>) target(%dma_start3A_75 : memref<32x128xf32, #tpu.memory_space<vmem>>) target_semaphore(%arg8 : memref<!tpu.dma_semaphore, #tpu.memory_space<semaphore_mem>>)
      %mul3A_78 = arith.constant 512 : i32
      %mul3A_79 = arith.muli %select_n3A, %mul3A_78 : i32
      %dma_start3A_80 = arith.constant 0 : i32
      %dma_start3A_81 = arith.constant 256 : i32
      %dma_start3A_82 = tpu.memref_slice %arg4[%dma_start3A_80, %dma_start3A_81] : memref<32x512xf32, #tpu.memory_space<vmem>> -> memref<32x128xf32, #tpu.memory_space<vmem>>
      %dma_start3A_83 = arith.constant 0 : i32
      %dma_start3A_84 = tpu.memref_slice %arg2[%dma_start3A_83, %mul3A_79] : memref<32x1000000xf32, #tpu.memory_space<hbm>> -> memref<32x128xf32, #tpu.memory_space<hbm>>
      %dma_start3A_85 = arith.constant 0 : i32
      %dma_start3A_86 = arith.constant 256 : i32
      %dma_start3A_87 = tpu.memref_slice %arg4[%dma_start3A_85, %dma_start3A_86] : memref<32x512xf32, #tpu.memory_space<vmem>> -> memref<32x128xf32, #tpu.memory_space<vmem>>
      %dma_start3A_88 = arith.constant 0 : i32
      %dma_start3A_89 = tpu.memref_slice %arg2[%dma_start3A_88, %mul3A_79] : memref<32x1000000xf32, #tpu.memory_space<hbm>> -> memref<32x128xf32, #tpu.memory_space<hbm>>
      tpu.enqueue_dma source(%dma_start3A_89 : memref<32x128xf32, #tpu.memory_space<hbm>>) target(%dma_start3A_87 : memref<32x128xf32, #tpu.memory_space<vmem>>) target_semaphore(%arg8 : memref<!tpu.dma_semaphore, #tpu.memory_space<semaphore_mem>>)
      %mul3A_90 = arith.constant 512 : i32
      %mul3A_91 = arith.muli %select_n3A, %mul3A_90 : i32
      %dma_start3A_92 = arith.constant 0 : i32
      %dma_start3A_93 = arith.constant 384 : i32
      %dma_start3A_94 = tpu.memref_slice %arg4[%dma_start3A_92, %dma_start3A_93] : memref<32x512xf32, #tpu.memory_space<vmem>> -> memref<32x128xf32, #tpu.memory_space<vmem>>
      %dma_start3A_95 = arith.constant 0 : i32
      %dma_start3A_96 = tpu.memref_slice %arg2[%dma_start3A_95, %mul3A_91] : memref<32x1000000xf32, #tpu.memory_space<hbm>> -> memref<32x128xf32, #tpu.memory_space<hbm>>
      %dma_start3A_97 = arith.constant 0 : i32
      %dma_start3A_98 = arith.constant 384 : i32
      %dma_start3A_99 = tpu.memref_slice %arg4[%dma_start3A_97, %dma_start3A_98] : memref<32x512xf32, #tpu.memory_space<vmem>> -> memref<32x128xf32, #tpu.memory_space<vmem>>
      %dma_start3A_100 = arith.constant 0 : i32
      %dma_start3A_101 = tpu.memref_slice %arg2[%dma_start3A_100, %mul3A_91] : memref<32x1000000xf32, #tpu.memory_space<hbm>> -> memref<32x128xf32, #tpu.memory_space<hbm>>
      tpu.enqueue_dma source(%dma_start3A_101 : memref<32x128xf32, #tpu.memory_space<hbm>>) target(%dma_start3A_99 : memref<32x128xf32, #tpu.memory_space<vmem>>) target_semaphore(%arg8 : memref<!tpu.dma_semaphore, #tpu.memory_space<semaphore_mem>>)
    } else {
    }
    %gt3A_23 = arith.constant 1 : i32
    %gt3A_24 = arith.cmpi sgt, %add3A_7, %gt3A_23 : i32
    %add3A_25 = arith.constant 1 : i32
    %add3A_26 = arith.addi %add3A_4, %add3A_25 : i32
    %select_n3A_27 = arith.select %gt3A_24, %add3A_26, %add3A_4 : i32
    %mul3A_28 = arith.constant 512 : i32
    %mul3A_29 = arith.muli %select_n3A_27, %mul3A_28 : i32
    %eq3A_30 = arith.constant 1953 : i32
    %eq3A_31 = arith.cmpi eq, %select_n3A_27, %eq3A_30 : i32
    %not3A_32 = arith.constant true
    %not3A_33 = arith.xori %eq3A_31, %not3A_32 : i1
    %convert_element_type3A_34 = arith.extui %not3A_33 : i1 to i32
    %cond3A_35 = arith.constant 0 : i32
    %cond3A_36 = arith.cmpi ne, %convert_element_type3A_34, %cond3A_35 : i32
    scf.if %cond3A_36 {
      %dma_start3A = arith.constant 0 : i32
      %dma_start3A_55 = tpu.memref_slice %arg2[%dma_start3A, %mul3A_29] : memref<32x1000000xf32, #tpu.memory_space<hbm>> -> memref<32x512xf32, #tpu.memory_space<hbm>>
      %dma_start3A_56 = arith.constant 0 : i32
      %dma_start3A_57 = tpu.memref_slice %arg2[%dma_start3A_56, %mul3A_29] : memref<32x1000000xf32, #tpu.memory_space<hbm>> -> memref<32x512xf32, #tpu.memory_space<hbm>>
      tpu.enqueue_dma source(%dma_start3A_57 : memref<32x512xf32, #tpu.memory_space<hbm>>) target(%arg5 : memref<32x512xf32, #tpu.memory_space<vmem>>) target_semaphore(%arg9 : memref<!tpu.dma_semaphore, #tpu.memory_space<semaphore_mem>>)
    } else {
    }
    %convert_element_type3A_37 = arith.extui %eq3A_31 : i1 to i32
    %cond3A_38 = arith.constant 0 : i32
    %cond3A_39 = arith.cmpi ne, %convert_element_type3A_37, %cond3A_38 : i32
    scf.if %cond3A_39 {
      %mul3A_55 = arith.constant 512 : i32
      %mul3A_56 = arith.muli %select_n3A_27, %mul3A_55 : i32
      %dma_start3A = arith.constant 0 : i32
      %dma_start3A_57 = arith.constant 0 : i32
      %dma_start3A_58 = tpu.memref_slice %arg5[%dma_start3A, %dma_start3A_57] : memref<32x512xf32, #tpu.memory_space<vmem>> -> memref<32x128xf32, #tpu.memory_space<vmem>>
      %dma_start3A_59 = arith.constant 0 : i32
      %dma_start3A_60 = tpu.memref_slice %arg2[%dma_start3A_59, %mul3A_56] : memref<32x1000000xf32, #tpu.memory_space<hbm>> -> memref<32x128xf32, #tpu.memory_space<hbm>>
      %dma_start3A_61 = arith.constant 0 : i32
      %dma_start3A_62 = arith.constant 0 : i32
      %dma_start3A_63 = tpu.memref_slice %arg5[%dma_start3A_61, %dma_start3A_62] : memref<32x512xf32, #tpu.memory_space<vmem>> -> memref<32x128xf32, #tpu.memory_space<vmem>>
      %dma_start3A_64 = arith.constant 0 : i32
      %dma_start3A_65 = tpu.memref_slice %arg2[%dma_start3A_64, %mul3A_56] : memref<32x1000000xf32, #tpu.memory_space<hbm>> -> memref<32x128xf32, #tpu.memory_space<hbm>>
      tpu.enqueue_dma source(%dma_start3A_65 : memref<32x128xf32, #tpu.memory_space<hbm>>) target(%dma_start3A_63 : memref<32x128xf32, #tpu.memory_space<vmem>>) target_semaphore(%arg9 : memref<!tpu.dma_semaphore, #tpu.memory_space<semaphore_mem>>)
      %mul3A_66 = arith.constant 512 : i32
      %mul3A_67 = arith.muli %select_n3A_27, %mul3A_66 : i32
      %dma_start3A_68 = arith.constant 0 : i32
      %dma_start3A_69 = arith.constant 128 : i32
      %dma_start3A_70 = tpu.memref_slice %arg5[%dma_start3A_68, %dma_start3A_69] : memref<32x512xf32, #tpu.memory_space<vmem>> -> memref<32x128xf32, #tpu.memory_space<vmem>>
      %dma_start3A_71 = arith.constant 0 : i32
      %dma_start3A_72 = tpu.memref_slice %arg2[%dma_start3A_71, %mul3A_67] : memref<32x1000000xf32, #tpu.memory_space<hbm>> -> memref<32x128xf32, #tpu.memory_space<hbm>>
      %dma_start3A_73 = arith.constant 0 : i32
      %dma_start3A_74 = arith.constant 128 : i32
      %dma_start3A_75 = tpu.memref_slice %arg5[%dma_start3A_73, %dma_start3A_74] : memref<32x512xf32, #tpu.memory_space<vmem>> -> memref<32x128xf32, #tpu.memory_space<vmem>>
      %dma_start3A_76 = arith.constant 0 : i32
      %dma_start3A_77 = tpu.memref_slice %arg2[%dma_start3A_76, %mul3A_67] : memref<32x1000000xf32, #tpu.memory_space<hbm>> -> memref<32x128xf32, #tpu.memory_space<hbm>>
      tpu.enqueue_dma source(%dma_start3A_77 : memref<32x128xf32, #tpu.memory_space<hbm>>) target(%dma_start3A_75 : memref<32x128xf32, #tpu.memory_space<vmem>>) target_semaphore(%arg9 : memref<!tpu.dma_semaphore, #tpu.memory_space<semaphore_mem>>)
      %mul3A_78 = arith.constant 512 : i32
      %mul3A_79 = arith.muli %select_n3A_27, %mul3A_78 : i32
      %dma_start3A_80 = arith.constant 0 : i32
      %dma_start3A_81 = arith.constant 256 : i32
      %dma_start3A_82 = tpu.memref_slice %arg5[%dma_start3A_80, %dma_start3A_81] : memref<32x512xf32, #tpu.memory_space<vmem>> -> memref<32x128xf32, #tpu.memory_space<vmem>>
      %dma_start3A_83 = arith.constant 0 : i32
      %dma_start3A_84 = tpu.memref_slice %arg2[%dma_start3A_83, %mul3A_79] : memref<32x1000000xf32, #tpu.memory_space<hbm>> -> memref<32x128xf32, #tpu.memory_space<hbm>>
      %dma_start3A_85 = arith.constant 0 : i32
      %dma_start3A_86 = arith.constant 256 : i32
      %dma_start3A_87 = tpu.memref_slice %arg5[%dma_start3A_85, %dma_start3A_86] : memref<32x512xf32, #tpu.memory_space<vmem>> -> memref<32x128xf32, #tpu.memory_space<vmem>>
      %dma_start3A_88 = arith.constant 0 : i32
      %dma_start3A_89 = tpu.memref_slice %arg2[%dma_start3A_88, %mul3A_79] : memref<32x1000000xf32, #tpu.memory_space<hbm>> -> memref<32x128xf32, #tpu.memory_space<hbm>>
      tpu.enqueue_dma source(%dma_start3A_89 : memref<32x128xf32, #tpu.memory_space<hbm>>) target(%dma_start3A_87 : memref<32x128xf32, #tpu.memory_space<vmem>>) target_semaphore(%arg9 : memref<!tpu.dma_semaphore, #tpu.memory_space<semaphore_mem>>)
      %mul3A_90 = arith.constant 512 : i32
      %mul3A_91 = arith.muli %select_n3A_27, %mul3A_90 : i32
      %dma_start3A_92 = arith.constant 0 : i32
      %dma_start3A_93 = arith.constant 384 : i32
      %dma_start3A_94 = tpu.memref_slice %arg5[%dma_start3A_92, %dma_start3A_93] : memref<32x512xf32, #tpu.memory_space<vmem>> -> memref<32x128xf32, #tpu.memory_space<vmem>>
      %dma_start3A_95 = arith.constant 0 : i32
      %dma_start3A_96 = tpu.memref_slice %arg2[%dma_start3A_95, %mul3A_91] : memref<32x1000000xf32, #tpu.memory_space<hbm>> -> memref<32x128xf32, #tpu.memory_space<hbm>>
      %dma_start3A_97 = arith.constant 0 : i32
      %dma_start3A_98 = arith.constant 384 : i32
      %dma_start3A_99 = tpu.memref_slice %arg5[%dma_start3A_97, %dma_start3A_98] : memref<32x512xf32, #tpu.memory_space<vmem>> -> memref<32x128xf32, #tpu.memory_space<vmem>>
      %dma_start3A_100 = arith.constant 0 : i32
      %dma_start3A_101 = tpu.memref_slice %arg2[%dma_start3A_100, %mul3A_91] : memref<32x1000000xf32, #tpu.memory_space<hbm>> -> memref<32x128xf32, #tpu.memory_space<hbm>>
      tpu.enqueue_dma source(%dma_start3A_101 : memref<32x128xf32, #tpu.memory_space<hbm>>) target(%dma_start3A_99 : memref<32x128xf32, #tpu.memory_space<vmem>>) target_semaphore(%arg9 : memref<!tpu.dma_semaphore, #tpu.memory_space<semaphore_mem>>)
    } else {
    }
    %scan3A = arith.constant 0 : i32
    %scan3A_40 = arith.constant 31 : i32
    %scan3A_41 = arith.addi %scan3A, %scan3A_40 : i32
    %scan3A_42 = arith.constant 1 : i32
    scf.for %scan3A_55 = %scan3A to %scan3A_41 step %scan3A_42  : i32 {
      %mul3A_56 = arith.constant 2 : i32
      %mul3A_57 = arith.muli %scan3A_55, %mul3A_56 : i32
      %add3A_58 = arith.constant 0 : i32
      %add3A_59 = arith.addi %add3A_58, %mul3A_57 : i32
      %dma_wait3A_60 = arith.constant 0 : i32
      %dma_wait3A_61 = arith.constant 0 : i32
      %dma_wait3A_62 = tpu.memref_slice %arg3[%dma_wait3A_60, %dma_wait3A_61] : memref<250112x128xf32, #tpu.memory_space<hbm>> -> memref<128x128xf32, #tpu.memory_space<hbm>>
      %dma_wait3A_63 = arith.constant 0 : i32
      %dma_wait3A_64 = arith.constant 0 : i32
      %dma_wait3A_65 = tpu.memref_slice %arg3[%dma_wait3A_63, %dma_wait3A_64] : memref<250112x128xf32, #tpu.memory_space<hbm>> -> memref<128x128xf32, #tpu.memory_space<hbm>>
      tpu.wait_dma2 semaphore(%arg8 : memref<!tpu.dma_semaphore, #tpu.memory_space<semaphore_mem>>) src(%dma_wait3A_65 : memref<128x128xf32, #tpu.memory_space<hbm>>) dst(%arg4 : memref<32x512xf32, #tpu.memory_space<vmem>>)
      %parallel_loop3A = arith.constant 0 : i32
      %parallel_loop3A_66 = arith.constant 512 : i32
      %parallel_loop3A_67 = arith.constant 1 : i32
      scf.for %parallel_loop3A_148 = %parallel_loop3A to %parallel_loop3A_66 step %parallel_loop3A_67  : i32 {
        %parallel_loop3A_149 = arith.constant 2 : i32
        %parallel_loop3A_150 = arith.shrsi %parallel_loop3A_148, %parallel_loop3A_149 : i32
        %parallel_loop3A_151 = arith.constant 3 : i32
        %parallel_loop3A_152 = arith.andi %parallel_loop3A_148, %parallel_loop3A_151 : i32
        %parallel_loop3A_153 = arith.constant 32 : i32
        %parallel_loop3A_154 = arith.muli %parallel_loop3A_152, %parallel_loop3A_153 : i32
        %parallel_loop3A_155 = vector.broadcast %parallel_loop3A_148 : i32 to vector<16xi32>
        %parallel_loop3A_156 = tpu.vector_load_idx %arg4[%iota3A, %parallel_loop3A_155] : memref<32x512xf32, #tpu.memory_space<vmem>>[vector<16xi32>, vector<16xi32>], vector<16xf32>,
        %parallel_loop3A_157 = arith.index_cast %parallel_loop3A_150 : i32 to index
        %parallel_loop3A_158 = arith.index_cast %parallel_loop3A_154 : i32 to index
        %parallel_loop3A_159 = tpu.vector_load %arg6[%parallel_loop3A_157, %parallel_loop3A_158] {strides = array<i32>} : memref<128x128xf32, #tpu.memory_space<vmem>>, vector<16xf32>,
        tpu.vector_store %arg6[%parallel_loop3A_157, %parallel_loop3A_158], %parallel_loop3A_156 {strides = array<i32>} : memref<128x128xf32, #tpu.memory_space<vmem>>, vector<16xf32>,
        %parallel_loop3A_160 = tpu.vector_load_idx %arg4[%add3A_10, %parallel_loop3A_155] : memref<32x512xf32, #tpu.memory_space<vmem>>[vector<16xi32>, vector<16xi32>], vector<16xf32>,
        %parallel_loop3A_161 = arith.constant 16 : i32
        %parallel_loop3A_162 = arith.addi %parallel_loop3A_154, %parallel_loop3A_161 : i32
        %parallel_loop3A_163 = arith.index_cast %parallel_loop3A_150 : i32 to index
        %parallel_loop3A_164 = arith.index_cast %parallel_loop3A_162 : i32 to index
        %parallel_loop3A_165 = tpu.vector_load %arg6[%parallel_loop3A_163, %parallel_loop3A_164] {strides = array<i32>} : memref<128x128xf32, #tpu.memory_space<vmem>>, vector<16xf32>,
        tpu.vector_store %arg6[%parallel_loop3A_163, %parallel_loop3A_164], %parallel_loop3A_160 {strides = array<i32>} : memref<128x128xf32, #tpu.memory_space<vmem>>, vector<16xf32>,
      } {sc.loop_unroll_factor = 16 : i64, sc.parallel_access}
      %add3A_68 = arith.constant 0 : i32
      %add3A_69 = arith.addi %add3A_59, %add3A_68 : i32
      %lt3A_70 = arith.cmpi slt, %add3A_69, %add3A_7 : i32
      %add3A_71 = arith.addi %add3A_4, %add3A_69 : i32
      %select_n3A_72 = arith.select %lt3A_70, %add3A_71, %add3A_4 : i32
      %mul3A_73 = arith.constant 128 : i32
      %mul3A_74 = arith.muli %select_n3A_72, %mul3A_73 : i32
      %dma_start3A = arith.constant 0 : i32
      %dma_start3A_75 = tpu.memref_slice %arg3[%mul3A_74, %dma_start3A] : memref<250112x128xf32, #tpu.memory_space<hbm>> -> memref<128x128xf32, #tpu.memory_space<hbm>>
      %dma_start3A_76 = arith.constant 0 : i32
      %dma_start3A_77 = tpu.memref_slice %arg3[%mul3A_74, %dma_start3A_76] : memref<250112x128xf32, #tpu.memory_space<hbm>> -> memref<128x128xf32, #tpu.memory_space<hbm>>
      tpu.enqueue_dma source(%arg6 : memref<128x128xf32, #tpu.memory_space<vmem>>) target(%dma_start3A_77 : memref<128x128xf32, #tpu.memory_space<hbm>>) target_semaphore(%arg10 : memref<!tpu.dma_semaphore, #tpu.memory_space<semaphore_mem>>)
      %dma_wait3A_78 = arith.constant 0 : i32
      %dma_wait3A_79 = arith.constant 0 : i32
      %dma_wait3A_80 = tpu.memref_slice %arg3[%dma_wait3A_78, %dma_wait3A_79] : memref<250112x128xf32, #tpu.memory_space<hbm>> -> memref<128x128xf32, #tpu.memory_space<hbm>>
      %dma_wait3A_81 = arith.constant 0 : i32
      %dma_wait3A_82 = arith.constant 0 : i32
      %dma_wait3A_83 = tpu.memref_slice %arg3[%dma_wait3A_81, %dma_wait3A_82] : memref<250112x128xf32, #tpu.memory_space<hbm>> -> memref<128x128xf32, #tpu.memory_space<hbm>>
      tpu.wait_dma2 semaphore(%arg10 : memref<!tpu.dma_semaphore, #tpu.memory_space<semaphore_mem>>) src(%arg6 : memref<128x128xf32, #tpu.memory_space<vmem>>) dst(%dma_wait3A_83 : memref<128x128xf32, #tpu.memory_space<hbm>>)
      %add3A_84 = arith.constant 0 : i32
      %add3A_85 = arith.addi %add3A_59, %add3A_84 : i32
      %add3A_86 = arith.constant 2 : i32
      %add3A_87 = arith.addi %add3A_85, %add3A_86 : i32
      %lt3A_88 = arith.cmpi slt, %add3A_87, %add3A_7 : i32
      %add3A_89 = arith.addi %add3A_4, %add3A_87 : i32
      %select_n3A_90 = arith.select %lt3A_88, %add3A_89, %add3A_4 : i32
      %mul3A_91 = arith.constant 512 : i32
      %mul3A_92 = arith.muli %select_n3A_90, %mul3A_91 : i32
      %eq3A_93 = arith.constant 1953 : i32
      %eq3A_94 = arith.cmpi eq, %select_n3A_90, %eq3A_93 : i32
      %not3A_95 = arith.constant true
      %not3A_96 = arith.xori %eq3A_94, %not3A_95 : i1
      %convert_element_type3A_97 = arith.extui %not3A_96 : i1 to i32
      %cond3A_98 = arith.constant 0 : i32
      %cond3A_99 = arith.cmpi ne, %convert_element_type3A_97, %cond3A_98 : i32
      scf.if %cond3A_99 {
        %dma_start3A_148 = arith.constant 0 : i32
        %dma_start3A_149 = tpu.memref_slice %arg2[%dma_start3A_148, %mul3A_92] : memref<32x1000000xf32, #tpu.memory_space<hbm>> -> memref<32x512xf32, #tpu.memory_space<hbm>>
        %dma_start3A_150 = arith.constant 0 : i32
        %dma_start3A_151 = tpu.memref_slice %arg2[%dma_start3A_150, %mul3A_92] : memref<32x1000000xf32, #tpu.memory_space<hbm>> -> memref<32x512xf32, #tpu.memory_space<hbm>>
        tpu.enqueue_dma source(%dma_start3A_151 : memref<32x512xf32, #tpu.memory_space<hbm>>) target(%arg4 : memref<32x512xf32, #tpu.memory_space<vmem>>) target_semaphore(%arg8 : memref<!tpu.dma_semaphore, #tpu.memory_space<semaphore_mem>>)
      } else {
      }
      %convert_element_type3A_100 = arith.extui %eq3A_94 : i1 to i32
      %cond3A_101 = arith.constant 0 : i32
      %cond3A_102 = arith.cmpi ne, %convert_element_type3A_100, %cond3A_101 : i32
      scf.if %cond3A_102 {
        %mul3A_148 = arith.constant 512 : i32
        %mul3A_149 = arith.muli %select_n3A_90, %mul3A_148 : i32
        %dma_start3A_150 = arith.constant 0 : i32
        %dma_start3A_151 = arith.constant 0 : i32
        %dma_start3A_152 = tpu.memref_slice %arg4[%dma_start3A_150, %dma_start3A_151] : memref<32x512xf32, #tpu.memory_space<vmem>> -> memref<32x128xf32, #tpu.memory_space<vmem>>
        %dma_start3A_153 = arith.constant 0 : i32
        %dma_start3A_154 = tpu.memref_slice %arg2[%dma_start3A_153, %mul3A_149] : memref<32x1000000xf32, #tpu.memory_space<hbm>> -> memref<32x128xf32, #tpu.memory_space<hbm>>
        %dma_start3A_155 = arith.constant 0 : i32
        %dma_start3A_156 = arith.constant 0 : i32
        %dma_start3A_157 = tpu.memref_slice %arg4[%dma_start3A_155, %dma_start3A_156] : memref<32x512xf32, #tpu.memory_space<vmem>> -> memref<32x128xf32, #tpu.memory_space<vmem>>
        %dma_start3A_158 = arith.constant 0 : i32
        %dma_start3A_159 = tpu.memref_slice %arg2[%dma_start3A_158, %mul3A_149] : memref<32x1000000xf32, #tpu.memory_space<hbm>> -> memref<32x128xf32, #tpu.memory_space<hbm>>
        tpu.enqueue_dma source(%dma_start3A_159 : memref<32x128xf32, #tpu.memory_space<hbm>>) target(%dma_start3A_157 : memref<32x128xf32, #tpu.memory_space<vmem>>) target_semaphore(%arg8 : memref<!tpu.dma_semaphore, #tpu.memory_space<semaphore_mem>>)
        %mul3A_160 = arith.constant 512 : i32
        %mul3A_161 = arith.muli %select_n3A_90, %mul3A_160 : i32
        %dma_start3A_162 = arith.constant 0 : i32
        %dma_start3A_163 = arith.constant 128 : i32
        %dma_start3A_164 = tpu.memref_slice %arg4[%dma_start3A_162, %dma_start3A_163] : memref<32x512xf32, #tpu.memory_space<vmem>> -> memref<32x128xf32, #tpu.memory_space<vmem>>
        %dma_start3A_165 = arith.constant 0 : i32
        %dma_start3A_166 = tpu.memref_slice %arg2[%dma_start3A_165, %mul3A_161] : memref<32x1000000xf32, #tpu.memory_space<hbm>> -> memref<32x128xf32, #tpu.memory_space<hbm>>
        %dma_start3A_167 = arith.constant 0 : i32
        %dma_start3A_168 = arith.constant 128 : i32
        %dma_start3A_169 = tpu.memref_slice %arg4[%dma_start3A_167, %dma_start3A_168] : memref<32x512xf32, #tpu.memory_space<vmem>> -> memref<32x128xf32, #tpu.memory_space<vmem>>
        %dma_start3A_170 = arith.constant 0 : i32
        %dma_start3A_171 = tpu.memref_slice %arg2[%dma_start3A_170, %mul3A_161] : memref<32x1000000xf32, #tpu.memory_space<hbm>> -> memref<32x128xf32, #tpu.memory_space<hbm>>
        tpu.enqueue_dma source(%dma_start3A_171 : memref<32x128xf32, #tpu.memory_space<hbm>>) target(%dma_start3A_169 : memref<32x128xf32, #tpu.memory_space<vmem>>) target_semaphore(%arg8 : memref<!tpu.dma_semaphore, #tpu.memory_space<semaphore_mem>>)
        %mul3A_172 = arith.constant 512 : i32
        %mul3A_173 = arith.muli %select_n3A_90, %mul3A_172 : i32
        %dma_start3A_174 = arith.constant 0 : i32
        %dma_start3A_175 = arith.constant 256 : i32
        %dma_start3A_176 = tpu.memref_slice %arg4[%dma_start3A_174, %dma_start3A_175] : memref<32x512xf32, #tpu.memory_space<vmem>> -> memref<32x128xf32, #tpu.memory_space<vmem>>
        %dma_start3A_177 = arith.constant 0 : i32
        %dma_start3A_178 = tpu.memref_slice %arg2[%dma_start3A_177, %mul3A_173] : memref<32x1000000xf32, #tpu.memory_space<hbm>> -> memref<32x128xf32, #tpu.memory_space<hbm>>
        %dma_start3A_179 = arith.constant 0 : i32
        %dma_start3A_180 = arith.constant 256 : i32
        %dma_start3A_181 = tpu.memref_slice %arg4[%dma_start3A_179, %dma_start3A_180] : memref<32x512xf32, #tpu.memory_space<vmem>> -> memref<32x128xf32, #tpu.memory_space<vmem>>
        %dma_start3A_182 = arith.constant 0 : i32
        %dma_start3A_183 = tpu.memref_slice %arg2[%dma_start3A_182, %mul3A_173] : memref<32x1000000xf32, #tpu.memory_space<hbm>> -> memref<32x128xf32, #tpu.memory_space<hbm>>
        tpu.enqueue_dma source(%dma_start3A_183 : memref<32x128xf32, #tpu.memory_space<hbm>>) target(%dma_start3A_181 : memref<32x128xf32, #tpu.memory_space<vmem>>) target_semaphore(%arg8 : memref<!tpu.dma_semaphore, #tpu.memory_space<semaphore_mem>>)
        %mul3A_184 = arith.constant 512 : i32
        %mul3A_185 = arith.muli %select_n3A_90, %mul3A_184 : i32
        %dma_start3A_186 = arith.constant 0 : i32
        %dma_start3A_187 = arith.constant 384 : i32
        %dma_start3A_188 = tpu.memref_slice %arg4[%dma_start3A_186, %dma_start3A_187] : memref<32x512xf32, #tpu.memory_space<vmem>> -> memref<32x128xf32, #tpu.memory_space<vmem>>
        %dma_start3A_189 = arith.constant 0 : i32
        %dma_start3A_190 = tpu.memref_slice %arg2[%dma_start3A_189, %mul3A_185] : memref<32x1000000xf32, #tpu.memory_space<hbm>> -> memref<32x128xf32, #tpu.memory_space<hbm>>
        %dma_start3A_191 = arith.constant 0 : i32
        %dma_start3A_192 = arith.constant 384 : i32
        %dma_start3A_193 = tpu.memref_slice %arg4[%dma_start3A_191, %dma_start3A_192] : memref<32x512xf32, #tpu.memory_space<vmem>> -> memref<32x128xf32, #tpu.memory_space<vmem>>
        %dma_start3A_194 = arith.constant 0 : i32
        %dma_start3A_195 = tpu.memref_slice %arg2[%dma_start3A_194, %mul3A_185] : memref<32x1000000xf32, #tpu.memory_space<hbm>> -> memref<32x128xf32, #tpu.memory_space<hbm>>
        tpu.enqueue_dma source(%dma_start3A_195 : memref<32x128xf32, #tpu.memory_space<hbm>>) target(%dma_start3A_193 : memref<32x128xf32, #tpu.memory_space<vmem>>) target_semaphore(%arg8 : memref<!tpu.dma_semaphore, #tpu.memory_space<semaphore_mem>>)
      } else {
      }
      %dma_wait3A_103 = arith.constant 0 : i32
      %dma_wait3A_104 = arith.constant 0 : i32
      %dma_wait3A_105 = tpu.memref_slice %arg3[%dma_wait3A_103, %dma_wait3A_104] : memref<250112x128xf32, #tpu.memory_space<hbm>> -> memref<128x128xf32, #tpu.memory_space<hbm>>
      %dma_wait3A_106 = arith.constant 0 : i32
      %dma_wait3A_107 = arith.constant 0 : i32
      %dma_wait3A_108 = tpu.memref_slice %arg3[%dma_wait3A_106, %dma_wait3A_107] : memref<250112x128xf32, #tpu.memory_space<hbm>> -> memref<128x128xf32, #tpu.memory_space<hbm>>
      tpu.wait_dma2 semaphore(%arg9 : memref<!tpu.dma_semaphore, #tpu.memory_space<semaphore_mem>>) src(%dma_wait3A_108 : memref<128x128xf32, #tpu.memory_space<hbm>>) dst(%arg5 : memref<32x512xf32, #tpu.memory_space<vmem>>)
      %parallel_loop3A_109 = arith.constant 0 : i32
      %parallel_loop3A_110 = arith.constant 512 : i32
      %parallel_loop3A_111 = arith.constant 1 : i32
      scf.for %parallel_loop3A_148 = %parallel_loop3A_109 to %parallel_loop3A_110 step %parallel_loop3A_111  : i32 {
        %parallel_loop3A_149 = arith.constant 2 : i32
        %parallel_loop3A_150 = arith.shrsi %parallel_loop3A_148, %parallel_loop3A_149 : i32
        %parallel_loop3A_151 = arith.constant 3 : i32
        %parallel_loop3A_152 = arith.andi %parallel_loop3A_148, %parallel_loop3A_151 : i32
        %parallel_loop3A_153 = arith.constant 32 : i32
        %parallel_loop3A_154 = arith.muli %parallel_loop3A_152, %parallel_loop3A_153 : i32
        %parallel_loop3A_155 = vector.broadcast %parallel_loop3A_148 : i32 to vector<16xi32>
        %parallel_loop3A_156 = tpu.vector_load_idx %arg5[%iota3A, %parallel_loop3A_155] : memref<32x512xf32, #tpu.memory_space<vmem>>[vector<16xi32>, vector<16xi32>], vector<16xf32>,
        %parallel_loop3A_157 = arith.index_cast %parallel_loop3A_150 : i32 to index
        %parallel_loop3A_158 = arith.index_cast %parallel_loop3A_154 : i32 to index
        %parallel_loop3A_159 = tpu.vector_load %arg7[%parallel_loop3A_157, %parallel_loop3A_158] {strides = array<i32>} : memref<128x128xf32, #tpu.memory_space<vmem>>, vector<16xf32>,
        tpu.vector_store %arg7[%parallel_loop3A_157, %parallel_loop3A_158], %parallel_loop3A_156 {strides = array<i32>} : memref<128x128xf32, #tpu.memory_space<vmem>>, vector<16xf32>,
        %parallel_loop3A_160 = tpu.vector_load_idx %arg5[%add3A_10, %parallel_loop3A_155] : memref<32x512xf32, #tpu.memory_space<vmem>>[vector<16xi32>, vector<16xi32>], vector<16xf32>,
        %parallel_loop3A_161 = arith.constant 16 : i32
        %parallel_loop3A_162 = arith.addi %parallel_loop3A_154, %parallel_loop3A_161 : i32
        %parallel_loop3A_163 = arith.index_cast %parallel_loop3A_150 : i32 to index
        %parallel_loop3A_164 = arith.index_cast %parallel_loop3A_162 : i32 to index
        %parallel_loop3A_165 = tpu.vector_load %arg7[%parallel_loop3A_163, %parallel_loop3A_164] {strides = array<i32>} : memref<128x128xf32, #tpu.memory_space<vmem>>, vector<16xf32>,
        tpu.vector_store %arg7[%parallel_loop3A_163, %parallel_loop3A_164], %parallel_loop3A_160 {strides = array<i32>} : memref<128x128xf32, #tpu.memory_space<vmem>>, vector<16xf32>,
      } {sc.loop_unroll_factor = 16 : i64, sc.parallel_access}
      %add3A_112 = arith.constant 1 : i32
      %add3A_113 = arith.addi %add3A_59, %add3A_112 : i32
      %lt3A_114 = arith.cmpi slt, %add3A_113, %add3A_7 : i32
      %add3A_115 = arith.addi %add3A_4, %add3A_113 : i32
      %select_n3A_116 = arith.select %lt3A_114, %add3A_115, %add3A_4 : i32
      %mul3A_117 = arith.constant 128 : i32
      %mul3A_118 = arith.muli %select_n3A_116, %mul3A_117 : i32
      %dma_start3A_119 = arith.constant 0 : i32
      %dma_start3A_120 = tpu.memref_slice %arg3[%mul3A_118, %dma_start3A_119] : memref<250112x128xf32, #tpu.memory_space<hbm>> -> memref<128x128xf32, #tpu.memory_space<hbm>>
      %dma_start3A_121 = arith.constant 0 : i32
      %dma_start3A_122 = tpu.memref_slice %arg3[%mul3A_118, %dma_start3A_121] : memref<250112x128xf32, #tpu.memory_space<hbm>> -> memref<128x128xf32, #tpu.memory_space<hbm>>
      tpu.enqueue_dma source(%arg7 : memref<128x128xf32, #tpu.memory_space<vmem>>) target(%dma_start3A_122 : memref<128x128xf32, #tpu.memory_space<hbm>>) target_semaphore(%arg11 : memref<!tpu.dma_semaphore, #tpu.memory_space<semaphore_mem>>)
      %dma_wait3A_123 = arith.constant 0 : i32
      %dma_wait3A_124 = arith.constant 0 : i32
      %dma_wait3A_125 = tpu.memref_slice %arg3[%dma_wait3A_123, %dma_wait3A_124] : memref<250112x128xf32, #tpu.memory_space<hbm>> -> memref<128x128xf32, #tpu.memory_space<hbm>>
      %dma_wait3A_126 = arith.constant 0 : i32
      %dma_wait3A_127 = arith.constant 0 : i32
      %dma_wait3A_128 = tpu.memref_slice %arg3[%dma_wait3A_126, %dma_wait3A_127] : memref<250112x128xf32, #tpu.memory_space<hbm>> -> memref<128x128xf32, #tpu.memory_space<hbm>>
      tpu.wait_dma2 semaphore(%arg11 : memref<!tpu.dma_semaphore, #tpu.memory_space<semaphore_mem>>) src(%arg7 : memref<128x128xf32, #tpu.memory_space<vmem>>) dst(%dma_wait3A_128 : memref<128x128xf32, #tpu.memory_space<hbm>>)
      %add3A_129 = arith.constant 1 : i32
      %add3A_130 = arith.addi %add3A_59, %add3A_129 : i32
      %add3A_131 = arith.constant 2 : i32
      %add3A_132 = arith.addi %add3A_130, %add3A_131 : i32
      %lt3A_133 = arith.cmpi slt, %add3A_132, %add3A_7 : i32
      %add3A_134 = arith.addi %add3A_4, %add3A_132 : i32
      %select_n3A_135 = arith.select %lt3A_133, %add3A_134, %add3A_4 : i32
      %mul3A_136 = arith.constant 512 : i32
      %mul3A_137 = arith.muli %select_n3A_135, %mul3A_136 : i32
      %eq3A_138 = arith.constant 1953 : i32
      %eq3A_139 = arith.cmpi eq, %select_n3A_135, %eq3A_138 : i32
      %not3A_140 = arith.constant true
      %not3A_141 = arith.xori %eq3A_139, %not3A_140 : i1
      %convert_element_type3A_142 = arith.extui %not3A_141 : i1 to i32
      %cond3A_143 = arith.constant 0 : i32
      %cond3A_144 = arith.cmpi ne, %convert_element_type3A_142, %cond3A_143 : i32
      scf.if %cond3A_144 {
        %dma_start3A_148 = arith.constant 0 : i32
        %dma_start3A_149 = tpu.memref_slice %arg2[%dma_start3A_148, %mul3A_137] : memref<32x1000000xf32, #tpu.memory_space<hbm>> -> memref<32x512xf32, #tpu.memory_space<hbm>>
        %dma_start3A_150 = arith.constant 0 : i32
        %dma_start3A_151 = tpu.memref_slice %arg2[%dma_start3A_150, %mul3A_137] : memref<32x1000000xf32, #tpu.memory_space<hbm>> -> memref<32x512xf32, #tpu.memory_space<hbm>>
        tpu.enqueue_dma source(%dma_start3A_151 : memref<32x512xf32, #tpu.memory_space<hbm>>) target(%arg5 : memref<32x512xf32, #tpu.memory_space<vmem>>) target_semaphore(%arg9 : memref<!tpu.dma_semaphore, #tpu.memory_space<semaphore_mem>>)
      } else {
      }
      %convert_element_type3A_145 = arith.extui %eq3A_139 : i1 to i32
      %cond3A_146 = arith.constant 0 : i32
      %cond3A_147 = arith.cmpi ne, %convert_element_type3A_145, %cond3A_146 : i32
      scf.if %cond3A_147 {
        %mul3A_148 = arith.constant 512 : i32
        %mul3A_149 = arith.muli %select_n3A_135, %mul3A_148 : i32
        %dma_start3A_150 = arith.constant 0 : i32
        %dma_start3A_151 = arith.constant 0 : i32
        %dma_start3A_152 = tpu.memref_slice %arg5[%dma_start3A_150, %dma_start3A_151] : memref<32x512xf32, #tpu.memory_space<vmem>> -> memref<32x128xf32, #tpu.memory_space<vmem>>
        %dma_start3A_153 = arith.constant 0 : i32
        %dma_start3A_154 = tpu.memref_slice %arg2[%dma_start3A_153, %mul3A_149] : memref<32x1000000xf32, #tpu.memory_space<hbm>> -> memref<32x128xf32, #tpu.memory_space<hbm>>
        %dma_start3A_155 = arith.constant 0 : i32
        %dma_start3A_156 = arith.constant 0 : i32
        %dma_start3A_157 = tpu.memref_slice %arg5[%dma_start3A_155, %dma_start3A_156] : memref<32x512xf32, #tpu.memory_space<vmem>> -> memref<32x128xf32, #tpu.memory_space<vmem>>
        %dma_start3A_158 = arith.constant 0 : i32
        %dma_start3A_159 = tpu.memref_slice %arg2[%dma_start3A_158, %mul3A_149] : memref<32x1000000xf32, #tpu.memory_space<hbm>> -> memref<32x128xf32, #tpu.memory_space<hbm>>
        tpu.enqueue_dma source(%dma_start3A_159 : memref<32x128xf32, #tpu.memory_space<hbm>>) target(%dma_start3A_157 : memref<32x128xf32, #tpu.memory_space<vmem>>) target_semaphore(%arg9 : memref<!tpu.dma_semaphore, #tpu.memory_space<semaphore_mem>>)
        %mul3A_160 = arith.constant 512 : i32
        %mul3A_161 = arith.muli %select_n3A_135, %mul3A_160 : i32
        %dma_start3A_162 = arith.constant 0 : i32
        %dma_start3A_163 = arith.constant 128 : i32
        %dma_start3A_164 = tpu.memref_slice %arg5[%dma_start3A_162, %dma_start3A_163] : memref<32x512xf32, #tpu.memory_space<vmem>> -> memref<32x128xf32, #tpu.memory_space<vmem>>
        %dma_start3A_165 = arith.constant 0 : i32
        %dma_start3A_166 = tpu.memref_slice %arg2[%dma_start3A_165, %mul3A_161] : memref<32x1000000xf32, #tpu.memory_space<hbm>> -> memref<32x128xf32, #tpu.memory_space<hbm>>
        %dma_start3A_167 = arith.constant 0 : i32
        %dma_start3A_168 = arith.constant 128 : i32
        %dma_start3A_169 = tpu.memref_slice %arg5[%dma_start3A_167, %dma_start3A_168] : memref<32x512xf32, #tpu.memory_space<vmem>> -> memref<32x128xf32, #tpu.memory_space<vmem>>
        %dma_start3A_170 = arith.constant 0 : i32
        %dma_start3A_171 = tpu.memref_slice %arg2[%dma_start3A_170, %mul3A_161] : memref<32x1000000xf32, #tpu.memory_space<hbm>> -> memref<32x128xf32, #tpu.memory_space<hbm>>
        tpu.enqueue_dma source(%dma_start3A_171 : memref<32x128xf32, #tpu.memory_space<hbm>>) target(%dma_start3A_169 : memref<32x128xf32, #tpu.memory_space<vmem>>) target_semaphore(%arg9 : memref<!tpu.dma_semaphore, #tpu.memory_space<semaphore_mem>>)
        %mul3A_172 = arith.constant 512 : i32
        %mul3A_173 = arith.muli %select_n3A_135, %mul3A_172 : i32
        %dma_start3A_174 = arith.constant 0 : i32
        %dma_start3A_175 = arith.constant 256 : i32
        %dma_start3A_176 = tpu.memref_slice %arg5[%dma_start3A_174, %dma_start3A_175] : memref<32x512xf32, #tpu.memory_space<vmem>> -> memref<32x128xf32, #tpu.memory_space<vmem>>
        %dma_start3A_177 = arith.constant 0 : i32
        %dma_start3A_178 = tpu.memref_slice %arg2[%dma_start3A_177, %mul3A_173] : memref<32x1000000xf32, #tpu.memory_space<hbm>> -> memref<32x128xf32, #tpu.memory_space<hbm>>
        %dma_start3A_179 = arith.constant 0 : i32
        %dma_start3A_180 = arith.constant 256 : i32
        %dma_start3A_181 = tpu.memref_slice %arg5[%dma_start3A_179, %dma_start3A_180] : memref<32x512xf32, #tpu.memory_space<vmem>> -> memref<32x128xf32, #tpu.memory_space<vmem>>
        %dma_start3A_182 = arith.constant 0 : i32
        %dma_start3A_183 = tpu.memref_slice %arg2[%dma_start3A_182, %mul3A_173] : memref<32x1000000xf32, #tpu.memory_space<hbm>> -> memref<32x128xf32, #tpu.memory_space<hbm>>
        tpu.enqueue_dma source(%dma_start3A_183 : memref<32x128xf32, #tpu.memory_space<hbm>>) target(%dma_start3A_181 : memref<32x128xf32, #tpu.memory_space<vmem>>) target_semaphore(%arg9 : memref<!tpu.dma_semaphore, #tpu.memory_space<semaphore_mem>>)
        %mul3A_184 = arith.constant 512 : i32
        %mul3A_185 = arith.muli %select_n3A_135, %mul3A_184 : i32
        %dma_start3A_186 = arith.constant 0 : i32
        %dma_start3A_187 = arith.constant 384 : i32
        %dma_start3A_188 = tpu.memref_slice %arg5[%dma_start3A_186, %dma_start3A_187] : memref<32x512xf32, #tpu.memory_space<vmem>> -> memref<32x128xf32, #tpu.memory_space<vmem>>
        %dma_start3A_189 = arith.constant 0 : i32
        %dma_start3A_190 = tpu.memref_slice %arg2[%dma_start3A_189, %mul3A_185] : memref<32x1000000xf32, #tpu.memory_space<hbm>> -> memref<32x128xf32, #tpu.memory_space<hbm>>
        %dma_start3A_191 = arith.constant 0 : i32
        %dma_start3A_192 = arith.constant 384 : i32
        %dma_start3A_193 = tpu.memref_slice %arg5[%dma_start3A_191, %dma_start3A_192] : memref<32x512xf32, #tpu.memory_space<vmem>> -> memref<32x128xf32, #tpu.memory_space<vmem>>
        %dma_start3A_194 = arith.constant 0 : i32
        %dma_start3A_195 = tpu.memref_slice %arg2[%dma_start3A_194, %mul3A_185] : memref<32x1000000xf32, #tpu.memory_space<hbm>> -> memref<32x128xf32, #tpu.memory_space<hbm>>
        tpu.enqueue_dma source(%dma_start3A_195 : memref<32x128xf32, #tpu.memory_space<hbm>>) target(%dma_start3A_193 : memref<32x128xf32, #tpu.memory_space<vmem>>) target_semaphore(%arg9 : memref<!tpu.dma_semaphore, #tpu.memory_space<semaphore_mem>>)
      } else {
      }
    }
    %scan3A_43 = arith.constant 31 : i32
    %dma_wait3A = arith.constant 0 : i32
    %dma_wait3A_44 = arith.constant 0 : i32
    %dma_wait3A_45 = tpu.memref_slice %arg3[%dma_wait3A, %dma_wait3A_44] : memref<250112x128xf32, #tpu.memory_space<hbm>> -> memref<128x128xf32, #tpu.memory_space<hbm>>
    %dma_wait3A_46 = arith.constant 0 : i32
    %dma_wait3A_47 = arith.constant 0 : i32
    %dma_wait3A_48 = tpu.memref_slice %arg3[%dma_wait3A_46, %dma_wait3A_47] : memref<250112x128xf32, #tpu.memory_space<hbm>> -> memref<128x128xf32, #tpu.memory_space<hbm>>
    tpu.wait_dma2 semaphore(%arg8 : memref<!tpu.dma_semaphore, #tpu.memory_space<semaphore_mem>>) src(%dma_wait3A_48 : memref<128x128xf32, #tpu.memory_space<hbm>>) dst(%arg4 : memref<32x512xf32, #tpu.memory_space<vmem>>)
    %dma_wait3A_49 = arith.constant 0 : i32
    %dma_wait3A_50 = arith.constant 0 : i32
    %dma_wait3A_51 = tpu.memref_slice %arg3[%dma_wait3A_49, %dma_wait3A_50] : memref<250112x128xf32, #tpu.memory_space<hbm>> -> memref<128x128xf32, #tpu.memory_space<hbm>>
    %dma_wait3A_52 = arith.constant 0 : i32
    %dma_wait3A_53 = arith.constant 0 : i32
    %dma_wait3A_54 = tpu.memref_slice %arg3[%dma_wait3A_52, %dma_wait3A_53] : memref<250112x128xf32, #tpu.memory_space<hbm>> -> memref<128x128xf32, #tpu.memory_space<hbm>>
    tpu.wait_dma2 semaphore(%arg9 : memref<!tpu.dma_semaphore, #tpu.memory_space<semaphore_mem>>) src(%dma_wait3A_54 : memref<128x128xf32, #tpu.memory_space<hbm>>) dst(%arg5 : memref<32x512xf32, #tpu.memory_space<vmem>>)
    return
  }
}

#map = affine_map<(d0, d1) -> (0, 0)>
#map1 = affine_map<(d0, d1) -> (0, 0, 0)>
module attributes {stable_mosaic.version = 14 : i64} {
  func.func @_gather_body(%arg0: i32, %arg1: i32, %arg2: memref<20x16384xi32, #tpu.memory_space<hbm>>, %arg3: memref<1000448x32xf32, #tpu.memory_space<hbm>>, %arg4: memref<20x16384x32xf32, #tpu.memory_space<hbm>>, %arg5: memref<20x512xi32, #tpu.memory_space<vmem>>, %arg6: memref<1024x32xf32, #tpu.memory_space<vmem>>, %arg7: memref<1024x32xf32, #tpu.memory_space<vmem>>, %arg8: memref<!tpu.dma_semaphore, #tpu.memory_space<semaphore_mem>>, %arg9: memref<!tpu.dma_semaphore, #tpu.memory_space<semaphore_mem>>, %arg10: memref<!tpu.dma_semaphore, #tpu.memory_space<semaphore_mem>>, %arg11: memref<!tpu.dma_semaphore, #tpu.memory_space<semaphore_mem>>) attributes {dimension_semantics = [#tpu.dimension_semantics<core_parallel>, #tpu.dimension_semantics<subcore_parallel>], iteration_bounds = array<i64: 2, 16>, scalar_prefetch = 0 : i64, scratch_operands = 7 : i64, tpu.core_type = #tpu.core_type<sc_vector_subcore>, window_params = [{transform_indices = #map}, {transform_indices = #map}, {transform_indices = #map1}]} {
    %mul3A = arith.constant 2 : i32
    %mul3A_0 = arith.muli %arg1, %mul3A : i32
    %add3A = arith.addi %mul3A_0, %arg0 : i32
    %mul3A_1 = arith.constant 512 : i32
    %mul3A_2 = arith.muli %add3A, %mul3A_1 : i32
    "tpu.region"() ({
      %run_scoped3A = tpu.sem_alloc : memref<!tpu.dma_semaphore, #tpu.memory_space<semaphore_mem>>
      %dma_start3A_441 = arith.constant 0 : i32
      %dma_start3A_442 = tpu.memref_slice %arg2[%dma_start3A_441, %mul3A_2] : memref<20x16384xi32, #tpu.memory_space<hbm>> -> memref<20x512xi32, #tpu.memory_space<hbm>>
      %dma_start3A_443 = arith.constant 0 : i32
      %dma_start3A_444 = tpu.memref_slice %arg2[%dma_start3A_443, %mul3A_2] : memref<20x16384xi32, #tpu.memory_space<hbm>> -> memref<20x512xi32, #tpu.memory_space<hbm>>
      tpu.enqueue_dma source(%dma_start3A_444 : memref<20x512xi32, #tpu.memory_space<hbm>>) target(%arg5 : memref<20x512xi32, #tpu.memory_space<vmem>>) target_semaphore(%run_scoped3A : memref<!tpu.dma_semaphore, #tpu.memory_space<semaphore_mem>>)
      %dma_wait3A_445 = arith.constant 0 : i32
      %dma_wait3A_446 = tpu.memref_slice %arg2[%dma_wait3A_445, %mul3A_2] : memref<20x16384xi32, #tpu.memory_space<hbm>> -> memref<20x512xi32, #tpu.memory_space<hbm>>
      %dma_wait3A_447 = arith.constant 0 : i32
      %dma_wait3A_448 = tpu.memref_slice %arg2[%dma_wait3A_447, %mul3A_2] : memref<20x16384xi32, #tpu.memory_space<hbm>> -> memref<20x512xi32, #tpu.memory_space<hbm>>
      tpu.wait_dma2 semaphore(%run_scoped3A : memref<!tpu.dma_semaphore, #tpu.memory_space<semaphore_mem>>) src(%dma_wait3A_448 : memref<20x512xi32, #tpu.memory_space<hbm>>) dst(%arg5 : memref<20x512xi32, #tpu.memory_space<vmem>>)
      tpu.yield
    }) : () -> ()
    %dma_start3A = arith.constant 0 : i32
    %dma_start3A_3 = arith.constant 0 : i32
    %dma_start3A_4 = arith.constant 0 : i32
    %dma_start3A_5 = tpu.memref_slice %arg6[%dma_start3A_3, %dma_start3A_4] : memref<1024x32xf32, #tpu.memory_space<vmem>> -> memref<128x32xf32, #tpu.memory_space<vmem>>
    %dma_start3A_6 = arith.constant 0 : i32
    %dma_start3A_7 = tpu.memref_slice %arg5[%dma_start3A, %dma_start3A_6] : memref<20x512xi32, #tpu.memory_space<vmem>> -> memref<1x128xi32, #tpu.memory_space<vmem>>
    %dma_start3A_8 = tpu.memref_squeeze %dma_start3A_7 : memref<1x128xi32, #tpu.memory_space<vmem>> -> memref<128xi32, #tpu.memory_space<vmem>>
    %dma_start3A_9 = arith.constant 0 : i32
    %dma_start3A_10 = arith.constant 0 : i32
    %dma_start3A_11 = tpu.memref_slice %arg3[%dma_start3A_9, %dma_start3A_10] : memref<1000448x32xf32, #tpu.memory_space<hbm>> -> memref<1000448x32xf32, #tpu.memory_space<hbm>>
    tpu.enqueue_indirect_dma source(%dma_start3A_11 : memref<1000448x32xf32, #tpu.memory_space<hbm>>) target(%dma_start3A_5 : memref<128x32xf32, #tpu.memory_space<vmem>>) offsets(%dma_start3A_8 : memref<128xi32, #tpu.memory_space<vmem>>) semaphore(%arg8 : memref<!tpu.dma_semaphore, #tpu.memory_space<semaphore_mem>>)
    %dma_start3A_12 = arith.constant 0 : i32
    %dma_start3A_13 = arith.constant 128 : i32
    %dma_start3A_14 = arith.constant 0 : i32
    %dma_start3A_15 = tpu.memref_slice %arg6[%dma_start3A_13, %dma_start3A_14] : memref<1024x32xf32, #tpu.memory_space<vmem>> -> memref<128x32xf32, #tpu.memory_space<vmem>>
    %dma_start3A_16 = arith.constant 128 : i32
    %dma_start3A_17 = tpu.memref_slice %arg5[%dma_start3A_12, %dma_start3A_16] : memref<20x512xi32, #tpu.memory_space<vmem>> -> memref<1x128xi32, #tpu.memory_space<vmem>>
    %dma_start3A_18 = tpu.memref_squeeze %dma_start3A_17 : memref<1x128xi32, #tpu.memory_space<vmem>> -> memref<128xi32, #tpu.memory_space<vmem>>
    %dma_start3A_19 = arith.constant 0 : i32
    %dma_start3A_20 = arith.constant 0 : i32
    %dma_start3A_21 = tpu.memref_slice %arg3[%dma_start3A_19, %dma_start3A_20] : memref<1000448x32xf32, #tpu.memory_space<hbm>> -> memref<1000448x32xf32, #tpu.memory_space<hbm>>
    tpu.enqueue_indirect_dma source(%dma_start3A_21 : memref<1000448x32xf32, #tpu.memory_space<hbm>>) target(%dma_start3A_15 : memref<128x32xf32, #tpu.memory_space<vmem>>) offsets(%dma_start3A_18 : memref<128xi32, #tpu.memory_space<vmem>>) semaphore(%arg8 : memref<!tpu.dma_semaphore, #tpu.memory_space<semaphore_mem>>)
    %dma_start3A_22 = arith.constant 0 : i32
    %dma_start3A_23 = arith.constant 256 : i32
    %dma_start3A_24 = arith.constant 0 : i32
    %dma_start3A_25 = tpu.memref_slice %arg6[%dma_start3A_23, %dma_start3A_24] : memref<1024x32xf32, #tpu.memory_space<vmem>> -> memref<128x32xf32, #tpu.memory_space<vmem>>
    %dma_start3A_26 = arith.constant 256 : i32
    %dma_start3A_27 = tpu.memref_slice %arg5[%dma_start3A_22, %dma_start3A_26] : memref<20x512xi32, #tpu.memory_space<vmem>> -> memref<1x128xi32, #tpu.memory_space<vmem>>
    %dma_start3A_28 = tpu.memref_squeeze %dma_start3A_27 : memref<1x128xi32, #tpu.memory_space<vmem>> -> memref<128xi32, #tpu.memory_space<vmem>>
    %dma_start3A_29 = arith.constant 0 : i32
    %dma_start3A_30 = arith.constant 0 : i32
    %dma_start3A_31 = tpu.memref_slice %arg3[%dma_start3A_29, %dma_start3A_30] : memref<1000448x32xf32, #tpu.memory_space<hbm>> -> memref<1000448x32xf32, #tpu.memory_space<hbm>>
    tpu.enqueue_indirect_dma source(%dma_start3A_31 : memref<1000448x32xf32, #tpu.memory_space<hbm>>) target(%dma_start3A_25 : memref<128x32xf32, #tpu.memory_space<vmem>>) offsets(%dma_start3A_28 : memref<128xi32, #tpu.memory_space<vmem>>) semaphore(%arg8 : memref<!tpu.dma_semaphore, #tpu.memory_space<semaphore_mem>>)
    %dma_start3A_32 = arith.constant 0 : i32
    %dma_start3A_33 = arith.constant 384 : i32
    %dma_start3A_34 = arith.constant 0 : i32
    %dma_start3A_35 = tpu.memref_slice %arg6[%dma_start3A_33, %dma_start3A_34] : memref<1024x32xf32, #tpu.memory_space<vmem>> -> memref<128x32xf32, #tpu.memory_space<vmem>>
    %dma_start3A_36 = arith.constant 384 : i32
    %dma_start3A_37 = tpu.memref_slice %arg5[%dma_start3A_32, %dma_start3A_36] : memref<20x512xi32, #tpu.memory_space<vmem>> -> memref<1x128xi32, #tpu.memory_space<vmem>>
    %dma_start3A_38 = tpu.memref_squeeze %dma_start3A_37 : memref<1x128xi32, #tpu.memory_space<vmem>> -> memref<128xi32, #tpu.memory_space<vmem>>
    %dma_start3A_39 = arith.constant 0 : i32
    %dma_start3A_40 = arith.constant 0 : i32
    %dma_start3A_41 = tpu.memref_slice %arg3[%dma_start3A_39, %dma_start3A_40] : memref<1000448x32xf32, #tpu.memory_space<hbm>> -> memref<1000448x32xf32, #tpu.memory_space<hbm>>
    tpu.enqueue_indirect_dma source(%dma_start3A_41 : memref<1000448x32xf32, #tpu.memory_space<hbm>>) target(%dma_start3A_35 : memref<128x32xf32, #tpu.memory_space<vmem>>) offsets(%dma_start3A_38 : memref<128xi32, #tpu.memory_space<vmem>>) semaphore(%arg8 : memref<!tpu.dma_semaphore, #tpu.memory_space<semaphore_mem>>)
    %dma_start3A_42 = arith.constant 1 : i32
    %dma_start3A_43 = arith.constant 512 : i32
    %dma_start3A_44 = arith.constant 0 : i32
    %dma_start3A_45 = tpu.memref_slice %arg6[%dma_start3A_43, %dma_start3A_44] : memref<1024x32xf32, #tpu.memory_space<vmem>> -> memref<128x32xf32, #tpu.memory_space<vmem>>
    %dma_start3A_46 = arith.constant 0 : i32
    %dma_start3A_47 = tpu.memref_slice %arg5[%dma_start3A_42, %dma_start3A_46] : memref<20x512xi32, #tpu.memory_space<vmem>> -> memref<1x128xi32, #tpu.memory_space<vmem>>
    %dma_start3A_48 = tpu.memref_squeeze %dma_start3A_47 : memref<1x128xi32, #tpu.memory_space<vmem>> -> memref<128xi32, #tpu.memory_space<vmem>>
    %dma_start3A_49 = arith.constant 0 : i32
    %dma_start3A_50 = arith.constant 0 : i32
    %dma_start3A_51 = tpu.memref_slice %arg3[%dma_start3A_49, %dma_start3A_50] : memref<1000448x32xf32, #tpu.memory_space<hbm>> -> memref<1000448x32xf32, #tpu.memory_space<hbm>>
    tpu.enqueue_indirect_dma source(%dma_start3A_51 : memref<1000448x32xf32, #tpu.memory_space<hbm>>) target(%dma_start3A_45 : memref<128x32xf32, #tpu.memory_space<vmem>>) offsets(%dma_start3A_48 : memref<128xi32, #tpu.memory_space<vmem>>) semaphore(%arg8 : memref<!tpu.dma_semaphore, #tpu.memory_space<semaphore_mem>>)
    %dma_start3A_52 = arith.constant 1 : i32
    %dma_start3A_53 = arith.constant 640 : i32
    %dma_start3A_54 = arith.constant 0 : i32
    %dma_start3A_55 = tpu.memref_slice %arg6[%dma_start3A_53, %dma_start3A_54] : memref<1024x32xf32, #tpu.memory_space<vmem>> -> memref<128x32xf32, #tpu.memory_space<vmem>>
    %dma_start3A_56 = arith.constant 128 : i32
    %dma_start3A_57 = tpu.memref_slice %arg5[%dma_start3A_52, %dma_start3A_56] : memref<20x512xi32, #tpu.memory_space<vmem>> -> memref<1x128xi32, #tpu.memory_space<vmem>>
    %dma_start3A_58 = tpu.memref_squeeze %dma_start3A_57 : memref<1x128xi32, #tpu.memory_space<vmem>> -> memref<128xi32, #tpu.memory_space<vmem>>
    %dma_start3A_59 = arith.constant 0 : i32
    %dma_start3A_60 = arith.constant 0 : i32
    %dma_start3A_61 = tpu.memref_slice %arg3[%dma_start3A_59, %dma_start3A_60] : memref<1000448x32xf32, #tpu.memory_space<hbm>> -> memref<1000448x32xf32, #tpu.memory_space<hbm>>
    tpu.enqueue_indirect_dma source(%dma_start3A_61 : memref<1000448x32xf32, #tpu.memory_space<hbm>>) target(%dma_start3A_55 : memref<128x32xf32, #tpu.memory_space<vmem>>) offsets(%dma_start3A_58 : memref<128xi32, #tpu.memory_space<vmem>>) semaphore(%arg8 : memref<!tpu.dma_semaphore, #tpu.memory_space<semaphore_mem>>)
    %dma_start3A_62 = arith.constant 1 : i32
    %dma_start3A_63 = arith.constant 768 : i32
    %dma_start3A_64 = arith.constant 0 : i32
    %dma_start3A_65 = tpu.memref_slice %arg6[%dma_start3A_63, %dma_start3A_64] : memref<1024x32xf32, #tpu.memory_space<vmem>> -> memref<128x32xf32, #tpu.memory_space<vmem>>
    %dma_start3A_66 = arith.constant 256 : i32
    %dma_start3A_67 = tpu.memref_slice %arg5[%dma_start3A_62, %dma_start3A_66] : memref<20x512xi32, #tpu.memory_space<vmem>> -> memref<1x128xi32, #tpu.memory_space<vmem>>
    %dma_start3A_68 = tpu.memref_squeeze %dma_start3A_67 : memref<1x128xi32, #tpu.memory_space<vmem>> -> memref<128xi32, #tpu.memory_space<vmem>>
    %dma_start3A_69 = arith.constant 0 : i32
    %dma_start3A_70 = arith.constant 0 : i32
    %dma_start3A_71 = tpu.memref_slice %arg3[%dma_start3A_69, %dma_start3A_70] : memref<1000448x32xf32, #tpu.memory_space<hbm>> -> memref<1000448x32xf32, #tpu.memory_space<hbm>>
    tpu.enqueue_indirect_dma source(%dma_start3A_71 : memref<1000448x32xf32, #tpu.memory_space<hbm>>) target(%dma_start3A_65 : memref<128x32xf32, #tpu.memory_space<vmem>>) offsets(%dma_start3A_68 : memref<128xi32, #tpu.memory_space<vmem>>) semaphore(%arg8 : memref<!tpu.dma_semaphore, #tpu.memory_space<semaphore_mem>>)
    %dma_start3A_72 = arith.constant 1 : i32
    %dma_start3A_73 = arith.constant 896 : i32
    %dma_start3A_74 = arith.constant 0 : i32
    %dma_start3A_75 = tpu.memref_slice %arg6[%dma_start3A_73, %dma_start3A_74] : memref<1024x32xf32, #tpu.memory_space<vmem>> -> memref<128x32xf32, #tpu.memory_space<vmem>>
    %dma_start3A_76 = arith.constant 384 : i32
    %dma_start3A_77 = tpu.memref_slice %arg5[%dma_start3A_72, %dma_start3A_76] : memref<20x512xi32, #tpu.memory_space<vmem>> -> memref<1x128xi32, #tpu.memory_space<vmem>>
    %dma_start3A_78 = tpu.memref_squeeze %dma_start3A_77 : memref<1x128xi32, #tpu.memory_space<vmem>> -> memref<128xi32, #tpu.memory_space<vmem>>
    %dma_start3A_79 = arith.constant 0 : i32
    %dma_start3A_80 = arith.constant 0 : i32
    %dma_start3A_81 = tpu.memref_slice %arg3[%dma_start3A_79, %dma_start3A_80] : memref<1000448x32xf32, #tpu.memory_space<hbm>> -> memref<1000448x32xf32, #tpu.memory_space<hbm>>
    tpu.enqueue_indirect_dma source(%dma_start3A_81 : memref<1000448x32xf32, #tpu.memory_space<hbm>>) target(%dma_start3A_75 : memref<128x32xf32, #tpu.memory_space<vmem>>) offsets(%dma_start3A_78 : memref<128xi32, #tpu.memory_space<vmem>>) semaphore(%arg8 : memref<!tpu.dma_semaphore, #tpu.memory_space<semaphore_mem>>)
    %dma_start3A_82 = arith.constant 2 : i32
    %dma_start3A_83 = arith.constant 0 : i32
    %dma_start3A_84 = arith.constant 0 : i32
    %dma_start3A_85 = tpu.memref_slice %arg7[%dma_start3A_83, %dma_start3A_84] : memref<1024x32xf32, #tpu.memory_space<vmem>> -> memref<128x32xf32, #tpu.memory_space<vmem>>
    %dma_start3A_86 = arith.constant 0 : i32
    %dma_start3A_87 = tpu.memref_slice %arg5[%dma_start3A_82, %dma_start3A_86] : memref<20x512xi32, #tpu.memory_space<vmem>> -> memref<1x128xi32, #tpu.memory_space<vmem>>
    %dma_start3A_88 = tpu.memref_squeeze %dma_start3A_87 : memref<1x128xi32, #tpu.memory_space<vmem>> -> memref<128xi32, #tpu.memory_space<vmem>>
    %dma_start3A_89 = arith.constant 0 : i32
    %dma_start3A_90 = arith.constant 0 : i32
    %dma_start3A_91 = tpu.memref_slice %arg3[%dma_start3A_89, %dma_start3A_90] : memref<1000448x32xf32, #tpu.memory_space<hbm>> -> memref<1000448x32xf32, #tpu.memory_space<hbm>>
    tpu.enqueue_indirect_dma source(%dma_start3A_91 : memref<1000448x32xf32, #tpu.memory_space<hbm>>) target(%dma_start3A_85 : memref<128x32xf32, #tpu.memory_space<vmem>>) offsets(%dma_start3A_88 : memref<128xi32, #tpu.memory_space<vmem>>) semaphore(%arg9 : memref<!tpu.dma_semaphore, #tpu.memory_space<semaphore_mem>>)
    %dma_start3A_92 = arith.constant 2 : i32
    %dma_start3A_93 = arith.constant 128 : i32
    %dma_start3A_94 = arith.constant 0 : i32
    %dma_start3A_95 = tpu.memref_slice %arg7[%dma_start3A_93, %dma_start3A_94] : memref<1024x32xf32, #tpu.memory_space<vmem>> -> memref<128x32xf32, #tpu.memory_space<vmem>>
    %dma_start3A_96 = arith.constant 128 : i32
    %dma_start3A_97 = tpu.memref_slice %arg5[%dma_start3A_92, %dma_start3A_96] : memref<20x512xi32, #tpu.memory_space<vmem>> -> memref<1x128xi32, #tpu.memory_space<vmem>>
    %dma_start3A_98 = tpu.memref_squeeze %dma_start3A_97 : memref<1x128xi32, #tpu.memory_space<vmem>> -> memref<128xi32, #tpu.memory_space<vmem>>
    %dma_start3A_99 = arith.constant 0 : i32
    %dma_start3A_100 = arith.constant 0 : i32
    %dma_start3A_101 = tpu.memref_slice %arg3[%dma_start3A_99, %dma_start3A_100] : memref<1000448x32xf32, #tpu.memory_space<hbm>> -> memref<1000448x32xf32, #tpu.memory_space<hbm>>
    tpu.enqueue_indirect_dma source(%dma_start3A_101 : memref<1000448x32xf32, #tpu.memory_space<hbm>>) target(%dma_start3A_95 : memref<128x32xf32, #tpu.memory_space<vmem>>) offsets(%dma_start3A_98 : memref<128xi32, #tpu.memory_space<vmem>>) semaphore(%arg9 : memref<!tpu.dma_semaphore, #tpu.memory_space<semaphore_mem>>)
    %dma_start3A_102 = arith.constant 2 : i32
    %dma_start3A_103 = arith.constant 256 : i32
    %dma_start3A_104 = arith.constant 0 : i32
    %dma_start3A_105 = tpu.memref_slice %arg7[%dma_start3A_103, %dma_start3A_104] : memref<1024x32xf32, #tpu.memory_space<vmem>> -> memref<128x32xf32, #tpu.memory_space<vmem>>
    %dma_start3A_106 = arith.constant 256 : i32
    %dma_start3A_107 = tpu.memref_slice %arg5[%dma_start3A_102, %dma_start3A_106] : memref<20x512xi32, #tpu.memory_space<vmem>> -> memref<1x128xi32, #tpu.memory_space<vmem>>
    %dma_start3A_108 = tpu.memref_squeeze %dma_start3A_107 : memref<1x128xi32, #tpu.memory_space<vmem>> -> memref<128xi32, #tpu.memory_space<vmem>>
    %dma_start3A_109 = arith.constant 0 : i32
    %dma_start3A_110 = arith.constant 0 : i32
    %dma_start3A_111 = tpu.memref_slice %arg3[%dma_start3A_109, %dma_start3A_110] : memref<1000448x32xf32, #tpu.memory_space<hbm>> -> memref<1000448x32xf32, #tpu.memory_space<hbm>>
    tpu.enqueue_indirect_dma source(%dma_start3A_111 : memref<1000448x32xf32, #tpu.memory_space<hbm>>) target(%dma_start3A_105 : memref<128x32xf32, #tpu.memory_space<vmem>>) offsets(%dma_start3A_108 : memref<128xi32, #tpu.memory_space<vmem>>) semaphore(%arg9 : memref<!tpu.dma_semaphore, #tpu.memory_space<semaphore_mem>>)
    %dma_start3A_112 = arith.constant 2 : i32
    %dma_start3A_113 = arith.constant 384 : i32
    %dma_start3A_114 = arith.constant 0 : i32
    %dma_start3A_115 = tpu.memref_slice %arg7[%dma_start3A_113, %dma_start3A_114] : memref<1024x32xf32, #tpu.memory_space<vmem>> -> memref<128x32xf32, #tpu.memory_space<vmem>>
    %dma_start3A_116 = arith.constant 384 : i32
    %dma_start3A_117 = tpu.memref_slice %arg5[%dma_start3A_112, %dma_start3A_116] : memref<20x512xi32, #tpu.memory_space<vmem>> -> memref<1x128xi32, #tpu.memory_space<vmem>>
    %dma_start3A_118 = tpu.memref_squeeze %dma_start3A_117 : memref<1x128xi32, #tpu.memory_space<vmem>> -> memref<128xi32, #tpu.memory_space<vmem>>
    %dma_start3A_119 = arith.constant 0 : i32
    %dma_start3A_120 = arith.constant 0 : i32
    %dma_start3A_121 = tpu.memref_slice %arg3[%dma_start3A_119, %dma_start3A_120] : memref<1000448x32xf32, #tpu.memory_space<hbm>> -> memref<1000448x32xf32, #tpu.memory_space<hbm>>
    tpu.enqueue_indirect_dma source(%dma_start3A_121 : memref<1000448x32xf32, #tpu.memory_space<hbm>>) target(%dma_start3A_115 : memref<128x32xf32, #tpu.memory_space<vmem>>) offsets(%dma_start3A_118 : memref<128xi32, #tpu.memory_space<vmem>>) semaphore(%arg9 : memref<!tpu.dma_semaphore, #tpu.memory_space<semaphore_mem>>)
    %dma_start3A_122 = arith.constant 3 : i32
    %dma_start3A_123 = arith.constant 512 : i32
    %dma_start3A_124 = arith.constant 0 : i32
    %dma_start3A_125 = tpu.memref_slice %arg7[%dma_start3A_123, %dma_start3A_124] : memref<1024x32xf32, #tpu.memory_space<vmem>> -> memref<128x32xf32, #tpu.memory_space<vmem>>
    %dma_start3A_126 = arith.constant 0 : i32
    %dma_start3A_127 = tpu.memref_slice %arg5[%dma_start3A_122, %dma_start3A_126] : memref<20x512xi32, #tpu.memory_space<vmem>> -> memref<1x128xi32, #tpu.memory_space<vmem>>
    %dma_start3A_128 = tpu.memref_squeeze %dma_start3A_127 : memref<1x128xi32, #tpu.memory_space<vmem>> -> memref<128xi32, #tpu.memory_space<vmem>>
    %dma_start3A_129 = arith.constant 0 : i32
    %dma_start3A_130 = arith.constant 0 : i32
    %dma_start3A_131 = tpu.memref_slice %arg3[%dma_start3A_129, %dma_start3A_130] : memref<1000448x32xf32, #tpu.memory_space<hbm>> -> memref<1000448x32xf32, #tpu.memory_space<hbm>>
    tpu.enqueue_indirect_dma source(%dma_start3A_131 : memref<1000448x32xf32, #tpu.memory_space<hbm>>) target(%dma_start3A_125 : memref<128x32xf32, #tpu.memory_space<vmem>>) offsets(%dma_start3A_128 : memref<128xi32, #tpu.memory_space<vmem>>) semaphore(%arg9 : memref<!tpu.dma_semaphore, #tpu.memory_space<semaphore_mem>>)
    %dma_start3A_132 = arith.constant 3 : i32
    %dma_start3A_133 = arith.constant 640 : i32
    %dma_start3A_134 = arith.constant 0 : i32
    %dma_start3A_135 = tpu.memref_slice %arg7[%dma_start3A_133, %dma_start3A_134] : memref<1024x32xf32, #tpu.memory_space<vmem>> -> memref<128x32xf32, #tpu.memory_space<vmem>>
    %dma_start3A_136 = arith.constant 128 : i32
    %dma_start3A_137 = tpu.memref_slice %arg5[%dma_start3A_132, %dma_start3A_136] : memref<20x512xi32, #tpu.memory_space<vmem>> -> memref<1x128xi32, #tpu.memory_space<vmem>>
    %dma_start3A_138 = tpu.memref_squeeze %dma_start3A_137 : memref<1x128xi32, #tpu.memory_space<vmem>> -> memref<128xi32, #tpu.memory_space<vmem>>
    %dma_start3A_139 = arith.constant 0 : i32
    %dma_start3A_140 = arith.constant 0 : i32
    %dma_start3A_141 = tpu.memref_slice %arg3[%dma_start3A_139, %dma_start3A_140] : memref<1000448x32xf32, #tpu.memory_space<hbm>> -> memref<1000448x32xf32, #tpu.memory_space<hbm>>
    tpu.enqueue_indirect_dma source(%dma_start3A_141 : memref<1000448x32xf32, #tpu.memory_space<hbm>>) target(%dma_start3A_135 : memref<128x32xf32, #tpu.memory_space<vmem>>) offsets(%dma_start3A_138 : memref<128xi32, #tpu.memory_space<vmem>>) semaphore(%arg9 : memref<!tpu.dma_semaphore, #tpu.memory_space<semaphore_mem>>)
    %dma_start3A_142 = arith.constant 3 : i32
    %dma_start3A_143 = arith.constant 768 : i32
    %dma_start3A_144 = arith.constant 0 : i32
    %dma_start3A_145 = tpu.memref_slice %arg7[%dma_start3A_143, %dma_start3A_144] : memref<1024x32xf32, #tpu.memory_space<vmem>> -> memref<128x32xf32, #tpu.memory_space<vmem>>
    %dma_start3A_146 = arith.constant 256 : i32
    %dma_start3A_147 = tpu.memref_slice %arg5[%dma_start3A_142, %dma_start3A_146] : memref<20x512xi32, #tpu.memory_space<vmem>> -> memref<1x128xi32, #tpu.memory_space<vmem>>
    %dma_start3A_148 = tpu.memref_squeeze %dma_start3A_147 : memref<1x128xi32, #tpu.memory_space<vmem>> -> memref<128xi32, #tpu.memory_space<vmem>>
    %dma_start3A_149 = arith.constant 0 : i32
    %dma_start3A_150 = arith.constant 0 : i32
    %dma_start3A_151 = tpu.memref_slice %arg3[%dma_start3A_149, %dma_start3A_150] : memref<1000448x32xf32, #tpu.memory_space<hbm>> -> memref<1000448x32xf32, #tpu.memory_space<hbm>>
    tpu.enqueue_indirect_dma source(%dma_start3A_151 : memref<1000448x32xf32, #tpu.memory_space<hbm>>) target(%dma_start3A_145 : memref<128x32xf32, #tpu.memory_space<vmem>>) offsets(%dma_start3A_148 : memref<128xi32, #tpu.memory_space<vmem>>) semaphore(%arg9 : memref<!tpu.dma_semaphore, #tpu.memory_space<semaphore_mem>>)
    %dma_start3A_152 = arith.constant 3 : i32
    %dma_start3A_153 = arith.constant 896 : i32
    %dma_start3A_154 = arith.constant 0 : i32
    %dma_start3A_155 = tpu.memref_slice %arg7[%dma_start3A_153, %dma_start3A_154] : memref<1024x32xf32, #tpu.memory_space<vmem>> -> memref<128x32xf32, #tpu.memory_space<vmem>>
    %dma_start3A_156 = arith.constant 384 : i32
    %dma_start3A_157 = tpu.memref_slice %arg5[%dma_start3A_152, %dma_start3A_156] : memref<20x512xi32, #tpu.memory_space<vmem>> -> memref<1x128xi32, #tpu.memory_space<vmem>>
    %dma_start3A_158 = tpu.memref_squeeze %dma_start3A_157 : memref<1x128xi32, #tpu.memory_space<vmem>> -> memref<128xi32, #tpu.memory_space<vmem>>
    %dma_start3A_159 = arith.constant 0 : i32
    %dma_start3A_160 = arith.constant 0 : i32
    %dma_start3A_161 = tpu.memref_slice %arg3[%dma_start3A_159, %dma_start3A_160] : memref<1000448x32xf32, #tpu.memory_space<hbm>> -> memref<1000448x32xf32, #tpu.memory_space<hbm>>
    tpu.enqueue_indirect_dma source(%dma_start3A_161 : memref<1000448x32xf32, #tpu.memory_space<hbm>>) target(%dma_start3A_155 : memref<128x32xf32, #tpu.memory_space<vmem>>) offsets(%dma_start3A_158 : memref<128xi32, #tpu.memory_space<vmem>>) semaphore(%arg9 : memref<!tpu.dma_semaphore, #tpu.memory_space<semaphore_mem>>)
    %scan3A = arith.constant 0 : i32
    %scan3A_162 = arith.constant 4 : i32
    %scan3A_163 = arith.addi %scan3A, %scan3A_162 : i32
    %scan3A_164 = arith.constant 1 : i32
    scf.for %scan3A_441 = %scan3A to %scan3A_163 step %scan3A_164  : i32 {
      %mul3A_442 = arith.constant 2 : i32
      %mul3A_443 = arith.muli %scan3A_441, %mul3A_442 : i32
      %add3A_444 = arith.constant 0 : i32
      %add3A_445 = arith.addi %add3A_444, %mul3A_443 : i32
      %dma_wait3A_446 = arith.constant 0 : i32
      %dma_wait3A_447 = arith.constant 0 : i32
      %dma_wait3A_448 = arith.constant 0 : i32
      %dma_wait3A_449 = tpu.memref_slice %arg4[%dma_wait3A_446, %dma_wait3A_447, %dma_wait3A_448] : memref<20x16384x32xf32, #tpu.memory_space<hbm>> -> memref<1x1024x32xf32, #tpu.memory_space<hbm>>
      %dma_wait3A_450 = tpu.memref_squeeze %dma_wait3A_449 : memref<1x1024x32xf32, #tpu.memory_space<hbm>> -> memref<1024x32xf32, #tpu.memory_space<hbm>>
      %dma_wait3A_451 = arith.constant 0 : i32
      %dma_wait3A_452 = arith.constant 0 : i32
      %dma_wait3A_453 = tpu.memref_slice %arg4[%dma_wait3A_446, %dma_wait3A_451, %dma_wait3A_452] : memref<20x16384x32xf32, #tpu.memory_space<hbm>> -> memref<1x1024x32xf32, #tpu.memory_space<hbm>>
      %dma_wait3A_454 = tpu.memref_squeeze %dma_wait3A_453 : memref<1x1024x32xf32, #tpu.memory_space<hbm>> -> memref<1024x32xf32, #tpu.memory_space<hbm>>
      tpu.wait_dma2 semaphore(%arg8 : memref<!tpu.dma_semaphore, #tpu.memory_space<semaphore_mem>>) src(%dma_wait3A_454 : memref<1024x32xf32, #tpu.memory_space<hbm>>) dst(%arg6 : memref<1024x32xf32, #tpu.memory_space<vmem>>)
      %mul3A_455 = arith.constant 2 : i32
      %mul3A_456 = arith.muli %add3A_445, %mul3A_455 : i32
      %add3A_457 = arith.constant 0 : i32
      %add3A_458 = arith.addi %mul3A_456, %add3A_457 : i32
      %add3A_459 = arith.constant 0 : i32
      %add3A_460 = arith.addi %mul3A_2, %add3A_459 : i32
      %dma_start3A_461 = arith.constant 0 : i32
      %dma_start3A_462 = arith.constant 0 : i32
      %dma_start3A_463 = tpu.memref_slice %arg6[%dma_start3A_461, %dma_start3A_462] : memref<1024x32xf32, #tpu.memory_space<vmem>> -> memref<128x32xf32, #tpu.memory_space<vmem>>
      %dma_start3A_464 = arith.constant 0 : i32
      %dma_start3A_465 = tpu.memref_slice %arg4[%add3A_458, %add3A_460, %dma_start3A_464] : memref<20x16384x32xf32, #tpu.memory_space<hbm>> -> memref<1x128x32xf32, #tpu.memory_space<hbm>>
      %dma_start3A_466 = tpu.memref_squeeze %dma_start3A_465 : memref<1x128x32xf32, #tpu.memory_space<hbm>> -> memref<128x32xf32, #tpu.memory_space<hbm>>
      %dma_start3A_467 = arith.constant 0 : i32
      %dma_start3A_468 = tpu.memref_slice %arg4[%add3A_458, %add3A_460, %dma_start3A_467] : memref<20x16384x32xf32, #tpu.memory_space<hbm>> -> memref<1x128x32xf32, #tpu.memory_space<hbm>>
      %dma_start3A_469 = tpu.memref_squeeze %dma_start3A_468 : memref<1x128x32xf32, #tpu.memory_space<hbm>> -> memref<128x32xf32, #tpu.memory_space<hbm>>
      %dma_start3A_470 = arith.constant 0 : i32
      %dma_start3A_471 = arith.constant 0 : i32
      %dma_start3A_472 = tpu.memref_slice %arg6[%dma_start3A_470, %dma_start3A_471] : memref<1024x32xf32, #tpu.memory_space<vmem>> -> memref<128x32xf32, #tpu.memory_space<vmem>>
      tpu.enqueue_dma source(%dma_start3A_472 : memref<128x32xf32, #tpu.memory_space<vmem>>) target(%dma_start3A_469 : memref<128x32xf32, #tpu.memory_space<hbm>>) target_semaphore(%arg10 : memref<!tpu.dma_semaphore, #tpu.memory_space<semaphore_mem>>)
      %mul3A_473 = arith.constant 2 : i32
      %mul3A_474 = arith.muli %add3A_445, %mul3A_473 : i32
      %add3A_475 = arith.constant 0 : i32
      %add3A_476 = arith.addi %mul3A_474, %add3A_475 : i32
      %add3A_477 = arith.constant 128 : i32
      %add3A_478 = arith.addi %mul3A_2, %add3A_477 : i32
      %dma_start3A_479 = arith.constant 128 : i32
      %dma_start3A_480 = arith.constant 0 : i32
      %dma_start3A_481 = tpu.memref_slice %arg6[%dma_start3A_479, %dma_start3A_480] : memref<1024x32xf32, #tpu.memory_space<vmem>> -> memref<128x32xf32, #tpu.memory_space<vmem>>
      %dma_start3A_482 = arith.constant 0 : i32
      %dma_start3A_483 = tpu.memref_slice %arg4[%add3A_476, %add3A_478, %dma_start3A_482] : memref<20x16384x32xf32, #tpu.memory_space<hbm>> -> memref<1x128x32xf32, #tpu.memory_space<hbm>>
      %dma_start3A_484 = tpu.memref_squeeze %dma_start3A_483 : memref<1x128x32xf32, #tpu.memory_space<hbm>> -> memref<128x32xf32, #tpu.memory_space<hbm>>
      %dma_start3A_485 = arith.constant 0 : i32
      %dma_start3A_486 = tpu.memref_slice %arg4[%add3A_476, %add3A_478, %dma_start3A_485] : memref<20x16384x32xf32, #tpu.memory_space<hbm>> -> memref<1x128x32xf32, #tpu.memory_space<hbm>>
      %dma_start3A_487 = tpu.memref_squeeze %dma_start3A_486 : memref<1x128x32xf32, #tpu.memory_space<hbm>> -> memref<128x32xf32, #tpu.memory_space<hbm>>
      %dma_start3A_488 = arith.constant 128 : i32
      %dma_start3A_489 = arith.constant 0 : i32
      %dma_start3A_490 = tpu.memref_slice %arg6[%dma_start3A_488, %dma_start3A_489] : memref<1024x32xf32, #tpu.memory_space<vmem>> -> memref<128x32xf32, #tpu.memory_space<vmem>>
      tpu.enqueue_dma source(%dma_start3A_490 : memref<128x32xf32, #tpu.memory_space<vmem>>) target(%dma_start3A_487 : memref<128x32xf32, #tpu.memory_space<hbm>>) target_semaphore(%arg10 : memref<!tpu.dma_semaphore, #tpu.memory_space<semaphore_mem>>)
      %mul3A_491 = arith.constant 2 : i32
      %mul3A_492 = arith.muli %add3A_445, %mul3A_491 : i32
      %add3A_493 = arith.constant 0 : i32
      %add3A_494 = arith.addi %mul3A_492, %add3A_493 : i32
      %add3A_495 = arith.constant 256 : i32
      %add3A_496 = arith.addi %mul3A_2, %add3A_495 : i32
      %dma_start3A_497 = arith.constant 256 : i32
      %dma_start3A_498 = arith.constant 0 : i32
      %dma_start3A_499 = tpu.memref_slice %arg6[%dma_start3A_497, %dma_start3A_498] : memref<1024x32xf32, #tpu.memory_space<vmem>> -> memref<128x32xf32, #tpu.memory_space<vmem>>
      %dma_start3A_500 = arith.constant 0 : i32
      %dma_start3A_501 = tpu.memref_slice %arg4[%add3A_494, %add3A_496, %dma_start3A_500] : memref<20x16384x32xf32, #tpu.memory_space<hbm>> -> memref<1x128x32xf32, #tpu.memory_space<hbm>>
      %dma_start3A_502 = tpu.memref_squeeze %dma_start3A_501 : memref<1x128x32xf32, #tpu.memory_space<hbm>> -> memref<128x32xf32, #tpu.memory_space<hbm>>
      %dma_start3A_503 = arith.constant 0 : i32
      %dma_start3A_504 = tpu.memref_slice %arg4[%add3A_494, %add3A_496, %dma_start3A_503] : memref<20x16384x32xf32, #tpu.memory_space<hbm>> -> memref<1x128x32xf32, #tpu.memory_space<hbm>>
      %dma_start3A_505 = tpu.memref_squeeze %dma_start3A_504 : memref<1x128x32xf32, #tpu.memory_space<hbm>> -> memref<128x32xf32, #tpu.memory_space<hbm>>
      %dma_start3A_506 = arith.constant 256 : i32
      %dma_start3A_507 = arith.constant 0 : i32
      %dma_start3A_508 = tpu.memref_slice %arg6[%dma_start3A_506, %dma_start3A_507] : memref<1024x32xf32, #tpu.memory_space<vmem>> -> memref<128x32xf32, #tpu.memory_space<vmem>>
      tpu.enqueue_dma source(%dma_start3A_508 : memref<128x32xf32, #tpu.memory_space<vmem>>) target(%dma_start3A_505 : memref<128x32xf32, #tpu.memory_space<hbm>>) target_semaphore(%arg10 : memref<!tpu.dma_semaphore, #tpu.memory_space<semaphore_mem>>)
      %mul3A_509 = arith.constant 2 : i32
      %mul3A_510 = arith.muli %add3A_445, %mul3A_509 : i32
      %add3A_511 = arith.constant 0 : i32
      %add3A_512 = arith.addi %mul3A_510, %add3A_511 : i32
      %add3A_513 = arith.constant 384 : i32
      %add3A_514 = arith.addi %mul3A_2, %add3A_513 : i32
      %dma_start3A_515 = arith.constant 384 : i32
      %dma_start3A_516 = arith.constant 0 : i32
      %dma_start3A_517 = tpu.memref_slice %arg6[%dma_start3A_515, %dma_start3A_516] : memref<1024x32xf32, #tpu.memory_space<vmem>> -> memref<128x32xf32, #tpu.memory_space<vmem>>
      %dma_start3A_518 = arith.constant 0 : i32
      %dma_start3A_519 = tpu.memref_slice %arg4[%add3A_512, %add3A_514, %dma_start3A_518] : memref<20x16384x32xf32, #tpu.memory_space<hbm>> -> memref<1x128x32xf32, #tpu.memory_space<hbm>>
      %dma_start3A_520 = tpu.memref_squeeze %dma_start3A_519 : memref<1x128x32xf32, #tpu.memory_space<hbm>> -> memref<128x32xf32, #tpu.memory_space<hbm>>
      %dma_start3A_521 = arith.constant 0 : i32
      %dma_start3A_522 = tpu.memref_slice %arg4[%add3A_512, %add3A_514, %dma_start3A_521] : memref<20x16384x32xf32, #tpu.memory_space<hbm>> -> memref<1x128x32xf32, #tpu.memory_space<hbm>>
      %dma_start3A_523 = tpu.memref_squeeze %dma_start3A_522 : memref<1x128x32xf32, #tpu.memory_space<hbm>> -> memref<128x32xf32, #tpu.memory_space<hbm>>
      %dma_start3A_524 = arith.constant 384 : i32
      %dma_start3A_525 = arith.constant 0 : i32
      %dma_start3A_526 = tpu.memref_slice %arg6[%dma_start3A_524, %dma_start3A_525] : memref<1024x32xf32, #tpu.memory_space<vmem>> -> memref<128x32xf32, #tpu.memory_space<vmem>>
      tpu.enqueue_dma source(%dma_start3A_526 : memref<128x32xf32, #tpu.memory_space<vmem>>) target(%dma_start3A_523 : memref<128x32xf32, #tpu.memory_space<hbm>>) target_semaphore(%arg10 : memref<!tpu.dma_semaphore, #tpu.memory_space<semaphore_mem>>)
      %mul3A_527 = arith.constant 2 : i32
      %mul3A_528 = arith.muli %add3A_445, %mul3A_527 : i32
      %add3A_529 = arith.constant 1 : i32
      %add3A_530 = arith.addi %mul3A_528, %add3A_529 : i32
      %add3A_531 = arith.constant 0 : i32
      %add3A_532 = arith.addi %mul3A_2, %add3A_531 : i32
      %dma_start3A_533 = arith.constant 512 : i32
      %dma_start3A_534 = arith.constant 0 : i32
      %dma_start3A_535 = tpu.memref_slice %arg6[%dma_start3A_533, %dma_start3A_534] : memref<1024x32xf32, #tpu.memory_space<vmem>> -> memref<128x32xf32, #tpu.memory_space<vmem>>
      %dma_start3A_536 = arith.constant 0 : i32
      %dma_start3A_537 = tpu.memref_slice %arg4[%add3A_530, %add3A_532, %dma_start3A_536] : memref<20x16384x32xf32, #tpu.memory_space<hbm>> -> memref<1x128x32xf32, #tpu.memory_space<hbm>>
      %dma_start3A_538 = tpu.memref_squeeze %dma_start3A_537 : memref<1x128x32xf32, #tpu.memory_space<hbm>> -> memref<128x32xf32, #tpu.memory_space<hbm>>
      %dma_start3A_539 = arith.constant 0 : i32
      %dma_start3A_540 = tpu.memref_slice %arg4[%add3A_530, %add3A_532, %dma_start3A_539] : memref<20x16384x32xf32, #tpu.memory_space<hbm>> -> memref<1x128x32xf32, #tpu.memory_space<hbm>>
      %dma_start3A_541 = tpu.memref_squeeze %dma_start3A_540 : memref<1x128x32xf32, #tpu.memory_space<hbm>> -> memref<128x32xf32, #tpu.memory_space<hbm>>
      %dma_start3A_542 = arith.constant 512 : i32
      %dma_start3A_543 = arith.constant 0 : i32
      %dma_start3A_544 = tpu.memref_slice %arg6[%dma_start3A_542, %dma_start3A_543] : memref<1024x32xf32, #tpu.memory_space<vmem>> -> memref<128x32xf32, #tpu.memory_space<vmem>>
      tpu.enqueue_dma source(%dma_start3A_544 : memref<128x32xf32, #tpu.memory_space<vmem>>) target(%dma_start3A_541 : memref<128x32xf32, #tpu.memory_space<hbm>>) target_semaphore(%arg10 : memref<!tpu.dma_semaphore, #tpu.memory_space<semaphore_mem>>)
      %mul3A_545 = arith.constant 2 : i32
      %mul3A_546 = arith.muli %add3A_445, %mul3A_545 : i32
      %add3A_547 = arith.constant 1 : i32
      %add3A_548 = arith.addi %mul3A_546, %add3A_547 : i32
      %add3A_549 = arith.constant 128 : i32
      %add3A_550 = arith.addi %mul3A_2, %add3A_549 : i32
      %dma_start3A_551 = arith.constant 640 : i32
      %dma_start3A_552 = arith.constant 0 : i32
      %dma_start3A_553 = tpu.memref_slice %arg6[%dma_start3A_551, %dma_start3A_552] : memref<1024x32xf32, #tpu.memory_space<vmem>> -> memref<128x32xf32, #tpu.memory_space<vmem>>
      %dma_start3A_554 = arith.constant 0 : i32
      %dma_start3A_555 = tpu.memref_slice %arg4[%add3A_548, %add3A_550, %dma_start3A_554] : memref<20x16384x32xf32, #tpu.memory_space<hbm>> -> memref<1x128x32xf32, #tpu.memory_space<hbm>>
      %dma_start3A_556 = tpu.memref_squeeze %dma_start3A_555 : memref<1x128x32xf32, #tpu.memory_space<hbm>> -> memref<128x32xf32, #tpu.memory_space<hbm>>
      %dma_start3A_557 = arith.constant 0 : i32
      %dma_start3A_558 = tpu.memref_slice %arg4[%add3A_548, %add3A_550, %dma_start3A_557] : memref<20x16384x32xf32, #tpu.memory_space<hbm>> -> memref<1x128x32xf32, #tpu.memory_space<hbm>>
      %dma_start3A_559 = tpu.memref_squeeze %dma_start3A_558 : memref<1x128x32xf32, #tpu.memory_space<hbm>> -> memref<128x32xf32, #tpu.memory_space<hbm>>
      %dma_start3A_560 = arith.constant 640 : i32
      %dma_start3A_561 = arith.constant 0 : i32
      %dma_start3A_562 = tpu.memref_slice %arg6[%dma_start3A_560, %dma_start3A_561] : memref<1024x32xf32, #tpu.memory_space<vmem>> -> memref<128x32xf32, #tpu.memory_space<vmem>>
      tpu.enqueue_dma source(%dma_start3A_562 : memref<128x32xf32, #tpu.memory_space<vmem>>) target(%dma_start3A_559 : memref<128x32xf32, #tpu.memory_space<hbm>>) target_semaphore(%arg10 : memref<!tpu.dma_semaphore, #tpu.memory_space<semaphore_mem>>)
      %mul3A_563 = arith.constant 2 : i32
      %mul3A_564 = arith.muli %add3A_445, %mul3A_563 : i32
      %add3A_565 = arith.constant 1 : i32
      %add3A_566 = arith.addi %mul3A_564, %add3A_565 : i32
      %add3A_567 = arith.constant 256 : i32
      %add3A_568 = arith.addi %mul3A_2, %add3A_567 : i32
      %dma_start3A_569 = arith.constant 768 : i32
      %dma_start3A_570 = arith.constant 0 : i32
      %dma_start3A_571 = tpu.memref_slice %arg6[%dma_start3A_569, %dma_start3A_570] : memref<1024x32xf32, #tpu.memory_space<vmem>> -> memref<128x32xf32, #tpu.memory_space<vmem>>
      %dma_start3A_572 = arith.constant 0 : i32
      %dma_start3A_573 = tpu.memref_slice %arg4[%add3A_566, %add3A_568, %dma_start3A_572] : memref<20x16384x32xf32, #tpu.memory_space<hbm>> -> memref<1x128x32xf32, #tpu.memory_space<hbm>>
      %dma_start3A_574 = tpu.memref_squeeze %dma_start3A_573 : memref<1x128x32xf32, #tpu.memory_space<hbm>> -> memref<128x32xf32, #tpu.memory_space<hbm>>
      %dma_start3A_575 = arith.constant 0 : i32
      %dma_start3A_576 = tpu.memref_slice %arg4[%add3A_566, %add3A_568, %dma_start3A_575] : memref<20x16384x32xf32, #tpu.memory_space<hbm>> -> memref<1x128x32xf32, #tpu.memory_space<hbm>>
      %dma_start3A_577 = tpu.memref_squeeze %dma_start3A_576 : memref<1x128x32xf32, #tpu.memory_space<hbm>> -> memref<128x32xf32, #tpu.memory_space<hbm>>
      %dma_start3A_578 = arith.constant 768 : i32
      %dma_start3A_579 = arith.constant 0 : i32
      %dma_start3A_580 = tpu.memref_slice %arg6[%dma_start3A_578, %dma_start3A_579] : memref<1024x32xf32, #tpu.memory_space<vmem>> -> memref<128x32xf32, #tpu.memory_space<vmem>>
      tpu.enqueue_dma source(%dma_start3A_580 : memref<128x32xf32, #tpu.memory_space<vmem>>) target(%dma_start3A_577 : memref<128x32xf32, #tpu.memory_space<hbm>>) target_semaphore(%arg10 : memref<!tpu.dma_semaphore, #tpu.memory_space<semaphore_mem>>)
      %mul3A_581 = arith.constant 2 : i32
      %mul3A_582 = arith.muli %add3A_445, %mul3A_581 : i32
      %add3A_583 = arith.constant 1 : i32
      %add3A_584 = arith.addi %mul3A_582, %add3A_583 : i32
      %add3A_585 = arith.constant 384 : i32
      %add3A_586 = arith.addi %mul3A_2, %add3A_585 : i32
      %dma_start3A_587 = arith.constant 896 : i32
      %dma_start3A_588 = arith.constant 0 : i32
      %dma_start3A_589 = tpu.memref_slice %arg6[%dma_start3A_587, %dma_start3A_588] : memref<1024x32xf32, #tpu.memory_space<vmem>> -> memref<128x32xf32, #tpu.memory_space<vmem>>
      %dma_start3A_590 = arith.constant 0 : i32
      %dma_start3A_591 = tpu.memref_slice %arg4[%add3A_584, %add3A_586, %dma_start3A_590] : memref<20x16384x32xf32, #tpu.memory_space<hbm>> -> memref<1x128x32xf32, #tpu.memory_space<hbm>>
      %dma_start3A_592 = tpu.memref_squeeze %dma_start3A_591 : memref<1x128x32xf32, #tpu.memory_space<hbm>> -> memref<128x32xf32, #tpu.memory_space<hbm>>
      %dma_start3A_593 = arith.constant 0 : i32
      %dma_start3A_594 = tpu.memref_slice %arg4[%add3A_584, %add3A_586, %dma_start3A_593] : memref<20x16384x32xf32, #tpu.memory_space<hbm>> -> memref<1x128x32xf32, #tpu.memory_space<hbm>>
      %dma_start3A_595 = tpu.memref_squeeze %dma_start3A_594 : memref<1x128x32xf32, #tpu.memory_space<hbm>> -> memref<128x32xf32, #tpu.memory_space<hbm>>
      %dma_start3A_596 = arith.constant 896 : i32
      %dma_start3A_597 = arith.constant 0 : i32
      %dma_start3A_598 = tpu.memref_slice %arg6[%dma_start3A_596, %dma_start3A_597] : memref<1024x32xf32, #tpu.memory_space<vmem>> -> memref<128x32xf32, #tpu.memory_space<vmem>>
      tpu.enqueue_dma source(%dma_start3A_598 : memref<128x32xf32, #tpu.memory_space<vmem>>) target(%dma_start3A_595 : memref<128x32xf32, #tpu.memory_space<hbm>>) target_semaphore(%arg10 : memref<!tpu.dma_semaphore, #tpu.memory_space<semaphore_mem>>)
      %dma_wait3A_599 = arith.constant 0 : i32
      %dma_wait3A_600 = arith.constant 0 : i32
      %dma_wait3A_601 = arith.constant 0 : i32
      %dma_wait3A_602 = tpu.memref_slice %arg4[%dma_wait3A_599, %dma_wait3A_600, %dma_wait3A_601] : memref<20x16384x32xf32, #tpu.memory_space<hbm>> -> memref<1x1024x32xf32, #tpu.memory_space<hbm>>
      %dma_wait3A_603 = tpu.memref_squeeze %dma_wait3A_602 : memref<1x1024x32xf32, #tpu.memory_space<hbm>> -> memref<1024x32xf32, #tpu.memory_space<hbm>>
      %dma_wait3A_604 = arith.constant 0 : i32
      %dma_wait3A_605 = arith.constant 0 : i32
      %dma_wait3A_606 = tpu.memref_slice %arg4[%dma_wait3A_599, %dma_wait3A_604, %dma_wait3A_605] : memref<20x16384x32xf32, #tpu.memory_space<hbm>> -> memref<1x1024x32xf32, #tpu.memory_space<hbm>>
      %dma_wait3A_607 = tpu.memref_squeeze %dma_wait3A_606 : memref<1x1024x32xf32, #tpu.memory_space<hbm>> -> memref<1024x32xf32, #tpu.memory_space<hbm>>
      tpu.wait_dma2 semaphore(%arg9 : memref<!tpu.dma_semaphore, #tpu.memory_space<semaphore_mem>>) src(%dma_wait3A_607 : memref<1024x32xf32, #tpu.memory_space<hbm>>) dst(%arg7 : memref<1024x32xf32, #tpu.memory_space<vmem>>)
      %add3A_608 = arith.constant 1 : i32
      %add3A_609 = arith.addi %add3A_445, %add3A_608 : i32
      %mul3A_610 = arith.constant 2 : i32
      %mul3A_611 = arith.muli %add3A_609, %mul3A_610 : i32
      %add3A_612 = arith.constant 0 : i32
      %add3A_613 = arith.addi %mul3A_611, %add3A_612 : i32
      %add3A_614 = arith.constant 0 : i32
      %add3A_615 = arith.addi %mul3A_2, %add3A_614 : i32
      %dma_start3A_616 = arith.constant 0 : i32
      %dma_start3A_617 = arith.constant 0 : i32
      %dma_start3A_618 = tpu.memref_slice %arg7[%dma_start3A_616, %dma_start3A_617] : memref<1024x32xf32, #tpu.memory_space<vmem>> -> memref<128x32xf32, #tpu.memory_space<vmem>>
      %dma_start3A_619 = arith.constant 0 : i32
      %dma_start3A_620 = tpu.memref_slice %arg4[%add3A_613, %add3A_615, %dma_start3A_619] : memref<20x16384x32xf32, #tpu.memory_space<hbm>> -> memref<1x128x32xf32, #tpu.memory_space<hbm>>
      %dma_start3A_621 = tpu.memref_squeeze %dma_start3A_620 : memref<1x128x32xf32, #tpu.memory_space<hbm>> -> memref<128x32xf32, #tpu.memory_space<hbm>>
      %dma_start3A_622 = arith.constant 0 : i32
      %dma_start3A_623 = tpu.memref_slice %arg4[%add3A_613, %add3A_615, %dma_start3A_622] : memref<20x16384x32xf32, #tpu.memory_space<hbm>> -> memref<1x128x32xf32, #tpu.memory_space<hbm>>
      %dma_start3A_624 = tpu.memref_squeeze %dma_start3A_623 : memref<1x128x32xf32, #tpu.memory_space<hbm>> -> memref<128x32xf32, #tpu.memory_space<hbm>>
      %dma_start3A_625 = arith.constant 0 : i32
      %dma_start3A_626 = arith.constant 0 : i32
      %dma_start3A_627 = tpu.memref_slice %arg7[%dma_start3A_625, %dma_start3A_626] : memref<1024x32xf32, #tpu.memory_space<vmem>> -> memref<128x32xf32, #tpu.memory_space<vmem>>
      tpu.enqueue_dma source(%dma_start3A_627 : memref<128x32xf32, #tpu.memory_space<vmem>>) target(%dma_start3A_624 : memref<128x32xf32, #tpu.memory_space<hbm>>) target_semaphore(%arg11 : memref<!tpu.dma_semaphore, #tpu.memory_space<semaphore_mem>>)
      %mul3A_628 = arith.constant 2 : i32
      %mul3A_629 = arith.muli %add3A_609, %mul3A_628 : i32
      %add3A_630 = arith.constant 0 : i32
      %add3A_631 = arith.addi %mul3A_629, %add3A_630 : i32
      %add3A_632 = arith.constant 128 : i32
      %add3A_633 = arith.addi %mul3A_2, %add3A_632 : i32
      %dma_start3A_634 = arith.constant 128 : i32
      %dma_start3A_635 = arith.constant 0 : i32
      %dma_start3A_636 = tpu.memref_slice %arg7[%dma_start3A_634, %dma_start3A_635] : memref<1024x32xf32, #tpu.memory_space<vmem>> -> memref<128x32xf32, #tpu.memory_space<vmem>>
      %dma_start3A_637 = arith.constant 0 : i32
      %dma_start3A_638 = tpu.memref_slice %arg4[%add3A_631, %add3A_633, %dma_start3A_637] : memref<20x16384x32xf32, #tpu.memory_space<hbm>> -> memref<1x128x32xf32, #tpu.memory_space<hbm>>
      %dma_start3A_639 = tpu.memref_squeeze %dma_start3A_638 : memref<1x128x32xf32, #tpu.memory_space<hbm>> -> memref<128x32xf32, #tpu.memory_space<hbm>>
      %dma_start3A_640 = arith.constant 0 : i32
      %dma_start3A_641 = tpu.memref_slice %arg4[%add3A_631, %add3A_633, %dma_start3A_640] : memref<20x16384x32xf32, #tpu.memory_space<hbm>> -> memref<1x128x32xf32, #tpu.memory_space<hbm>>
      %dma_start3A_642 = tpu.memref_squeeze %dma_start3A_641 : memref<1x128x32xf32, #tpu.memory_space<hbm>> -> memref<128x32xf32, #tpu.memory_space<hbm>>
      %dma_start3A_643 = arith.constant 128 : i32
      %dma_start3A_644 = arith.constant 0 : i32
      %dma_start3A_645 = tpu.memref_slice %arg7[%dma_start3A_643, %dma_start3A_644] : memref<1024x32xf32, #tpu.memory_space<vmem>> -> memref<128x32xf32, #tpu.memory_space<vmem>>
      tpu.enqueue_dma source(%dma_start3A_645 : memref<128x32xf32, #tpu.memory_space<vmem>>) target(%dma_start3A_642 : memref<128x32xf32, #tpu.memory_space<hbm>>) target_semaphore(%arg11 : memref<!tpu.dma_semaphore, #tpu.memory_space<semaphore_mem>>)
      %mul3A_646 = arith.constant 2 : i32
      %mul3A_647 = arith.muli %add3A_609, %mul3A_646 : i32
      %add3A_648 = arith.constant 0 : i32
      %add3A_649 = arith.addi %mul3A_647, %add3A_648 : i32
      %add3A_650 = arith.constant 256 : i32
      %add3A_651 = arith.addi %mul3A_2, %add3A_650 : i32
      %dma_start3A_652 = arith.constant 256 : i32
      %dma_start3A_653 = arith.constant 0 : i32
      %dma_start3A_654 = tpu.memref_slice %arg7[%dma_start3A_652, %dma_start3A_653] : memref<1024x32xf32, #tpu.memory_space<vmem>> -> memref<128x32xf32, #tpu.memory_space<vmem>>
      %dma_start3A_655 = arith.constant 0 : i32
      %dma_start3A_656 = tpu.memref_slice %arg4[%add3A_649, %add3A_651, %dma_start3A_655] : memref<20x16384x32xf32, #tpu.memory_space<hbm>> -> memref<1x128x32xf32, #tpu.memory_space<hbm>>
      %dma_start3A_657 = tpu.memref_squeeze %dma_start3A_656 : memref<1x128x32xf32, #tpu.memory_space<hbm>> -> memref<128x32xf32, #tpu.memory_space<hbm>>
      %dma_start3A_658 = arith.constant 0 : i32
      %dma_start3A_659 = tpu.memref_slice %arg4[%add3A_649, %add3A_651, %dma_start3A_658] : memref<20x16384x32xf32, #tpu.memory_space<hbm>> -> memref<1x128x32xf32, #tpu.memory_space<hbm>>
      %dma_start3A_660 = tpu.memref_squeeze %dma_start3A_659 : memref<1x128x32xf32, #tpu.memory_space<hbm>> -> memref<128x32xf32, #tpu.memory_space<hbm>>
      %dma_start3A_661 = arith.constant 256 : i32
      %dma_start3A_662 = arith.constant 0 : i32
      %dma_start3A_663 = tpu.memref_slice %arg7[%dma_start3A_661, %dma_start3A_662] : memref<1024x32xf32, #tpu.memory_space<vmem>> -> memref<128x32xf32, #tpu.memory_space<vmem>>
      tpu.enqueue_dma source(%dma_start3A_663 : memref<128x32xf32, #tpu.memory_space<vmem>>) target(%dma_start3A_660 : memref<128x32xf32, #tpu.memory_space<hbm>>) target_semaphore(%arg11 : memref<!tpu.dma_semaphore, #tpu.memory_space<semaphore_mem>>)
      %mul3A_664 = arith.constant 2 : i32
      %mul3A_665 = arith.muli %add3A_609, %mul3A_664 : i32
      %add3A_666 = arith.constant 0 : i32
      %add3A_667 = arith.addi %mul3A_665, %add3A_666 : i32
      %add3A_668 = arith.constant 384 : i32
      %add3A_669 = arith.addi %mul3A_2, %add3A_668 : i32
      %dma_start3A_670 = arith.constant 384 : i32
      %dma_start3A_671 = arith.constant 0 : i32
      %dma_start3A_672 = tpu.memref_slice %arg7[%dma_start3A_670, %dma_start3A_671] : memref<1024x32xf32, #tpu.memory_space<vmem>> -> memref<128x32xf32, #tpu.memory_space<vmem>>
      %dma_start3A_673 = arith.constant 0 : i32
      %dma_start3A_674 = tpu.memref_slice %arg4[%add3A_667, %add3A_669, %dma_start3A_673] : memref<20x16384x32xf32, #tpu.memory_space<hbm>> -> memref<1x128x32xf32, #tpu.memory_space<hbm>>
      %dma_start3A_675 = tpu.memref_squeeze %dma_start3A_674 : memref<1x128x32xf32, #tpu.memory_space<hbm>> -> memref<128x32xf32, #tpu.memory_space<hbm>>
      %dma_start3A_676 = arith.constant 0 : i32
      %dma_start3A_677 = tpu.memref_slice %arg4[%add3A_667, %add3A_669, %dma_start3A_676] : memref<20x16384x32xf32, #tpu.memory_space<hbm>> -> memref<1x128x32xf32, #tpu.memory_space<hbm>>
      %dma_start3A_678 = tpu.memref_squeeze %dma_start3A_677 : memref<1x128x32xf32, #tpu.memory_space<hbm>> -> memref<128x32xf32, #tpu.memory_space<hbm>>
      %dma_start3A_679 = arith.constant 384 : i32
      %dma_start3A_680 = arith.constant 0 : i32
      %dma_start3A_681 = tpu.memref_slice %arg7[%dma_start3A_679, %dma_start3A_680] : memref<1024x32xf32, #tpu.memory_space<vmem>> -> memref<128x32xf32, #tpu.memory_space<vmem>>
      tpu.enqueue_dma source(%dma_start3A_681 : memref<128x32xf32, #tpu.memory_space<vmem>>) target(%dma_start3A_678 : memref<128x32xf32, #tpu.memory_space<hbm>>) target_semaphore(%arg11 : memref<!tpu.dma_semaphore, #tpu.memory_space<semaphore_mem>>)
      %mul3A_682 = arith.constant 2 : i32
      %mul3A_683 = arith.muli %add3A_609, %mul3A_682 : i32
      %add3A_684 = arith.constant 1 : i32
      %add3A_685 = arith.addi %mul3A_683, %add3A_684 : i32
      %add3A_686 = arith.constant 0 : i32
      %add3A_687 = arith.addi %mul3A_2, %add3A_686 : i32
      %dma_start3A_688 = arith.constant 512 : i32
      %dma_start3A_689 = arith.constant 0 : i32
      %dma_start3A_690 = tpu.memref_slice %arg7[%dma_start3A_688, %dma_start3A_689] : memref<1024x32xf32, #tpu.memory_space<vmem>> -> memref<128x32xf32, #tpu.memory_space<vmem>>
      %dma_start3A_691 = arith.constant 0 : i32
      %dma_start3A_692 = tpu.memref_slice %arg4[%add3A_685, %add3A_687, %dma_start3A_691] : memref<20x16384x32xf32, #tpu.memory_space<hbm>> -> memref<1x128x32xf32, #tpu.memory_space<hbm>>
      %dma_start3A_693 = tpu.memref_squeeze %dma_start3A_692 : memref<1x128x32xf32, #tpu.memory_space<hbm>> -> memref<128x32xf32, #tpu.memory_space<hbm>>
      %dma_start3A_694 = arith.constant 0 : i32
      %dma_start3A_695 = tpu.memref_slice %arg4[%add3A_685, %add3A_687, %dma_start3A_694] : memref<20x16384x32xf32, #tpu.memory_space<hbm>> -> memref<1x128x32xf32, #tpu.memory_space<hbm>>
      %dma_start3A_696 = tpu.memref_squeeze %dma_start3A_695 : memref<1x128x32xf32, #tpu.memory_space<hbm>> -> memref<128x32xf32, #tpu.memory_space<hbm>>
      %dma_start3A_697 = arith.constant 512 : i32
      %dma_start3A_698 = arith.constant 0 : i32
      %dma_start3A_699 = tpu.memref_slice %arg7[%dma_start3A_697, %dma_start3A_698] : memref<1024x32xf32, #tpu.memory_space<vmem>> -> memref<128x32xf32, #tpu.memory_space<vmem>>
      tpu.enqueue_dma source(%dma_start3A_699 : memref<128x32xf32, #tpu.memory_space<vmem>>) target(%dma_start3A_696 : memref<128x32xf32, #tpu.memory_space<hbm>>) target_semaphore(%arg11 : memref<!tpu.dma_semaphore, #tpu.memory_space<semaphore_mem>>)
      %mul3A_700 = arith.constant 2 : i32
      %mul3A_701 = arith.muli %add3A_609, %mul3A_700 : i32
      %add3A_702 = arith.constant 1 : i32
      %add3A_703 = arith.addi %mul3A_701, %add3A_702 : i32
      %add3A_704 = arith.constant 128 : i32
      %add3A_705 = arith.addi %mul3A_2, %add3A_704 : i32
      %dma_start3A_706 = arith.constant 640 : i32
      %dma_start3A_707 = arith.constant 0 : i32
      %dma_start3A_708 = tpu.memref_slice %arg7[%dma_start3A_706, %dma_start3A_707] : memref<1024x32xf32, #tpu.memory_space<vmem>> -> memref<128x32xf32, #tpu.memory_space<vmem>>
      %dma_start3A_709 = arith.constant 0 : i32
      %dma_start3A_710 = tpu.memref_slice %arg4[%add3A_703, %add3A_705, %dma_start3A_709] : memref<20x16384x32xf32, #tpu.memory_space<hbm>> -> memref<1x128x32xf32, #tpu.memory_space<hbm>>
      %dma_start3A_711 = tpu.memref_squeeze %dma_start3A_710 : memref<1x128x32xf32, #tpu.memory_space<hbm>> -> memref<128x32xf32, #tpu.memory_space<hbm>>
      %dma_start3A_712 = arith.constant 0 : i32
      %dma_start3A_713 = tpu.memref_slice %arg4[%add3A_703, %add3A_705, %dma_start3A_712] : memref<20x16384x32xf32, #tpu.memory_space<hbm>> -> memref<1x128x32xf32, #tpu.memory_space<hbm>>
      %dma_start3A_714 = tpu.memref_squeeze %dma_start3A_713 : memref<1x128x32xf32, #tpu.memory_space<hbm>> -> memref<128x32xf32, #tpu.memory_space<hbm>>
      %dma_start3A_715 = arith.constant 640 : i32
      %dma_start3A_716 = arith.constant 0 : i32
      %dma_start3A_717 = tpu.memref_slice %arg7[%dma_start3A_715, %dma_start3A_716] : memref<1024x32xf32, #tpu.memory_space<vmem>> -> memref<128x32xf32, #tpu.memory_space<vmem>>
      tpu.enqueue_dma source(%dma_start3A_717 : memref<128x32xf32, #tpu.memory_space<vmem>>) target(%dma_start3A_714 : memref<128x32xf32, #tpu.memory_space<hbm>>) target_semaphore(%arg11 : memref<!tpu.dma_semaphore, #tpu.memory_space<semaphore_mem>>)
      %mul3A_718 = arith.constant 2 : i32
      %mul3A_719 = arith.muli %add3A_609, %mul3A_718 : i32
      %add3A_720 = arith.constant 1 : i32
      %add3A_721 = arith.addi %mul3A_719, %add3A_720 : i32
      %add3A_722 = arith.constant 256 : i32
      %add3A_723 = arith.addi %mul3A_2, %add3A_722 : i32
      %dma_start3A_724 = arith.constant 768 : i32
      %dma_start3A_725 = arith.constant 0 : i32
      %dma_start3A_726 = tpu.memref_slice %arg7[%dma_start3A_724, %dma_start3A_725] : memref<1024x32xf32, #tpu.memory_space<vmem>> -> memref<128x32xf32, #tpu.memory_space<vmem>>
      %dma_start3A_727 = arith.constant 0 : i32
      %dma_start3A_728 = tpu.memref_slice %arg4[%add3A_721, %add3A_723, %dma_start3A_727] : memref<20x16384x32xf32, #tpu.memory_space<hbm>> -> memref<1x128x32xf32, #tpu.memory_space<hbm>>
      %dma_start3A_729 = tpu.memref_squeeze %dma_start3A_728 : memref<1x128x32xf32, #tpu.memory_space<hbm>> -> memref<128x32xf32, #tpu.memory_space<hbm>>
      %dma_start3A_730 = arith.constant 0 : i32
      %dma_start3A_731 = tpu.memref_slice %arg4[%add3A_721, %add3A_723, %dma_start3A_730] : memref<20x16384x32xf32, #tpu.memory_space<hbm>> -> memref<1x128x32xf32, #tpu.memory_space<hbm>>
      %dma_start3A_732 = tpu.memref_squeeze %dma_start3A_731 : memref<1x128x32xf32, #tpu.memory_space<hbm>> -> memref<128x32xf32, #tpu.memory_space<hbm>>
      %dma_start3A_733 = arith.constant 768 : i32
      %dma_start3A_734 = arith.constant 0 : i32
      %dma_start3A_735 = tpu.memref_slice %arg7[%dma_start3A_733, %dma_start3A_734] : memref<1024x32xf32, #tpu.memory_space<vmem>> -> memref<128x32xf32, #tpu.memory_space<vmem>>
      tpu.enqueue_dma source(%dma_start3A_735 : memref<128x32xf32, #tpu.memory_space<vmem>>) target(%dma_start3A_732 : memref<128x32xf32, #tpu.memory_space<hbm>>) target_semaphore(%arg11 : memref<!tpu.dma_semaphore, #tpu.memory_space<semaphore_mem>>)
      %mul3A_736 = arith.constant 2 : i32
      %mul3A_737 = arith.muli %add3A_609, %mul3A_736 : i32
      %add3A_738 = arith.constant 1 : i32
      %add3A_739 = arith.addi %mul3A_737, %add3A_738 : i32
      %add3A_740 = arith.constant 384 : i32
      %add3A_741 = arith.addi %mul3A_2, %add3A_740 : i32
      %dma_start3A_742 = arith.constant 896 : i32
      %dma_start3A_743 = arith.constant 0 : i32
      %dma_start3A_744 = tpu.memref_slice %arg7[%dma_start3A_742, %dma_start3A_743] : memref<1024x32xf32, #tpu.memory_space<vmem>> -> memref<128x32xf32, #tpu.memory_space<vmem>>
      %dma_start3A_745 = arith.constant 0 : i32
      %dma_start3A_746 = tpu.memref_slice %arg4[%add3A_739, %add3A_741, %dma_start3A_745] : memref<20x16384x32xf32, #tpu.memory_space<hbm>> -> memref<1x128x32xf32, #tpu.memory_space<hbm>>
      %dma_start3A_747 = tpu.memref_squeeze %dma_start3A_746 : memref<1x128x32xf32, #tpu.memory_space<hbm>> -> memref<128x32xf32, #tpu.memory_space<hbm>>
      %dma_start3A_748 = arith.constant 0 : i32
      %dma_start3A_749 = tpu.memref_slice %arg4[%add3A_739, %add3A_741, %dma_start3A_748] : memref<20x16384x32xf32, #tpu.memory_space<hbm>> -> memref<1x128x32xf32, #tpu.memory_space<hbm>>
      %dma_start3A_750 = tpu.memref_squeeze %dma_start3A_749 : memref<1x128x32xf32, #tpu.memory_space<hbm>> -> memref<128x32xf32, #tpu.memory_space<hbm>>
      %dma_start3A_751 = arith.constant 896 : i32
      %dma_start3A_752 = arith.constant 0 : i32
      %dma_start3A_753 = tpu.memref_slice %arg7[%dma_start3A_751, %dma_start3A_752] : memref<1024x32xf32, #tpu.memory_space<vmem>> -> memref<128x32xf32, #tpu.memory_space<vmem>>
      tpu.enqueue_dma source(%dma_start3A_753 : memref<128x32xf32, #tpu.memory_space<vmem>>) target(%dma_start3A_750 : memref<128x32xf32, #tpu.memory_space<hbm>>) target_semaphore(%arg11 : memref<!tpu.dma_semaphore, #tpu.memory_space<semaphore_mem>>)
      %dma_wait3A_754 = arith.constant 0 : i32
      %dma_wait3A_755 = arith.constant 0 : i32
      %dma_wait3A_756 = arith.constant 0 : i32
      %dma_wait3A_757 = tpu.memref_slice %arg4[%dma_wait3A_754, %dma_wait3A_755, %dma_wait3A_756] : memref<20x16384x32xf32, #tpu.memory_space<hbm>> -> memref<1x1024x32xf32, #tpu.memory_space<hbm>>
      %dma_wait3A_758 = tpu.memref_squeeze %dma_wait3A_757 : memref<1x1024x32xf32, #tpu.memory_space<hbm>> -> memref<1024x32xf32, #tpu.memory_space<hbm>>
      %dma_wait3A_759 = arith.constant 0 : i32
      %dma_wait3A_760 = arith.constant 0 : i32
      %dma_wait3A_761 = tpu.memref_slice %arg4[%dma_wait3A_754, %dma_wait3A_759, %dma_wait3A_760] : memref<20x16384x32xf32, #tpu.memory_space<hbm>> -> memref<1x1024x32xf32, #tpu.memory_space<hbm>>
      %dma_wait3A_762 = tpu.memref_squeeze %dma_wait3A_761 : memref<1x1024x32xf32, #tpu.memory_space<hbm>> -> memref<1024x32xf32, #tpu.memory_space<hbm>>
      tpu.wait_dma2 semaphore(%arg10 : memref<!tpu.dma_semaphore, #tpu.memory_space<semaphore_mem>>) src(%arg6 : memref<1024x32xf32, #tpu.memory_space<vmem>>) dst(%dma_wait3A_762 : memref<1024x32xf32, #tpu.memory_space<hbm>>)
      %add3A_763 = arith.constant 2 : i32
      %add3A_764 = arith.addi %add3A_445, %add3A_763 : i32
      %mul3A_765 = arith.constant 2 : i32
      %mul3A_766 = arith.muli %add3A_764, %mul3A_765 : i32
      %add3A_767 = arith.constant 0 : i32
      %add3A_768 = arith.addi %mul3A_766, %add3A_767 : i32
      %dma_start3A_769 = arith.constant 0 : i32
      %dma_start3A_770 = arith.constant 0 : i32
      %dma_start3A_771 = tpu.memref_slice %arg6[%dma_start3A_769, %dma_start3A_770] : memref<1024x32xf32, #tpu.memory_space<vmem>> -> memref<128x32xf32, #tpu.memory_space<vmem>>
      %dma_start3A_772 = arith.constant 0 : i32
      %dma_start3A_773 = tpu.memref_slice %arg5[%add3A_768, %dma_start3A_772] : memref<20x512xi32, #tpu.memory_space<vmem>> -> memref<1x128xi32, #tpu.memory_space<vmem>>
      %dma_start3A_774 = tpu.memref_squeeze %dma_start3A_773 : memref<1x128xi32, #tpu.memory_space<vmem>> -> memref<128xi32, #tpu.memory_space<vmem>>
      %dma_start3A_775 = arith.constant 0 : i32
      %dma_start3A_776 = arith.constant 0 : i32
      %dma_start3A_777 = tpu.memref_slice %arg3[%dma_start3A_775, %dma_start3A_776] : memref<1000448x32xf32, #tpu.memory_space<hbm>> -> memref<1000448x32xf32, #tpu.memory_space<hbm>>
      tpu.enqueue_indirect_dma source(%dma_start3A_777 : memref<1000448x32xf32, #tpu.memory_space<hbm>>) target(%dma_start3A_771 : memref<128x32xf32, #tpu.memory_space<vmem>>) offsets(%dma_start3A_774 : memref<128xi32, #tpu.memory_space<vmem>>) semaphore(%arg8 : memref<!tpu.dma_semaphore, #tpu.memory_space<semaphore_mem>>)
      %mul3A_778 = arith.constant 2 : i32
      %mul3A_779 = arith.muli %add3A_764, %mul3A_778 : i32
      %add3A_780 = arith.constant 0 : i32
      %add3A_781 = arith.addi %mul3A_779, %add3A_780 : i32
      %dma_start3A_782 = arith.constant 128 : i32
      %dma_start3A_783 = arith.constant 0 : i32
      %dma_start3A_784 = tpu.memref_slice %arg6[%dma_start3A_782, %dma_start3A_783] : memref<1024x32xf32, #tpu.memory_space<vmem>> -> memref<128x32xf32, #tpu.memory_space<vmem>>
      %dma_start3A_785 = arith.constant 128 : i32
      %dma_start3A_786 = tpu.memref_slice %arg5[%add3A_781, %dma_start3A_785] : memref<20x512xi32, #tpu.memory_space<vmem>> -> memref<1x128xi32, #tpu.memory_space<vmem>>
      %dma_start3A_787 = tpu.memref_squeeze %dma_start3A_786 : memref<1x128xi32, #tpu.memory_space<vmem>> -> memref<128xi32, #tpu.memory_space<vmem>>
      %dma_start3A_788 = arith.constant 0 : i32
      %dma_start3A_789 = arith.constant 0 : i32
      %dma_start3A_790 = tpu.memref_slice %arg3[%dma_start3A_788, %dma_start3A_789] : memref<1000448x32xf32, #tpu.memory_space<hbm>> -> memref<1000448x32xf32, #tpu.memory_space<hbm>>
      tpu.enqueue_indirect_dma source(%dma_start3A_790 : memref<1000448x32xf32, #tpu.memory_space<hbm>>) target(%dma_start3A_784 : memref<128x32xf32, #tpu.memory_space<vmem>>) offsets(%dma_start3A_787 : memref<128xi32, #tpu.memory_space<vmem>>) semaphore(%arg8 : memref<!tpu.dma_semaphore, #tpu.memory_space<semaphore_mem>>)
      %mul3A_791 = arith.constant 2 : i32
      %mul3A_792 = arith.muli %add3A_764, %mul3A_791 : i32
      %add3A_793 = arith.constant 0 : i32
      %add3A_794 = arith.addi %mul3A_792, %add3A_793 : i32
      %dma_start3A_795 = arith.constant 256 : i32
      %dma_start3A_796 = arith.constant 0 : i32
      %dma_start3A_797 = tpu.memref_slice %arg6[%dma_start3A_795, %dma_start3A_796] : memref<1024x32xf32, #tpu.memory_space<vmem>> -> memref<128x32xf32, #tpu.memory_space<vmem>>
      %dma_start3A_798 = arith.constant 256 : i32
      %dma_start3A_799 = tpu.memref_slice %arg5[%add3A_794, %dma_start3A_798] : memref<20x512xi32, #tpu.memory_space<vmem>> -> memref<1x128xi32, #tpu.memory_space<vmem>>
      %dma_start3A_800 = tpu.memref_squeeze %dma_start3A_799 : memref<1x128xi32, #tpu.memory_space<vmem>> -> memref<128xi32, #tpu.memory_space<vmem>>
      %dma_start3A_801 = arith.constant 0 : i32
      %dma_start3A_802 = arith.constant 0 : i32
      %dma_start3A_803 = tpu.memref_slice %arg3[%dma_start3A_801, %dma_start3A_802] : memref<1000448x32xf32, #tpu.memory_space<hbm>> -> memref<1000448x32xf32, #tpu.memory_space<hbm>>
      tpu.enqueue_indirect_dma source(%dma_start3A_803 : memref<1000448x32xf32, #tpu.memory_space<hbm>>) target(%dma_start3A_797 : memref<128x32xf32, #tpu.memory_space<vmem>>) offsets(%dma_start3A_800 : memref<128xi32, #tpu.memory_space<vmem>>) semaphore(%arg8 : memref<!tpu.dma_semaphore, #tpu.memory_space<semaphore_mem>>)
      %mul3A_804 = arith.constant 2 : i32
      %mul3A_805 = arith.muli %add3A_764, %mul3A_804 : i32
      %add3A_806 = arith.constant 0 : i32
      %add3A_807 = arith.addi %mul3A_805, %add3A_806 : i32
      %dma_start3A_808 = arith.constant 384 : i32
      %dma_start3A_809 = arith.constant 0 : i32
      %dma_start3A_810 = tpu.memref_slice %arg6[%dma_start3A_808, %dma_start3A_809] : memref<1024x32xf32, #tpu.memory_space<vmem>> -> memref<128x32xf32, #tpu.memory_space<vmem>>
      %dma_start3A_811 = arith.constant 384 : i32
      %dma_start3A_812 = tpu.memref_slice %arg5[%add3A_807, %dma_start3A_811] : memref<20x512xi32, #tpu.memory_space<vmem>> -> memref<1x128xi32, #tpu.memory_space<vmem>>
      %dma_start3A_813 = tpu.memref_squeeze %dma_start3A_812 : memref<1x128xi32, #tpu.memory_space<vmem>> -> memref<128xi32, #tpu.memory_space<vmem>>
      %dma_start3A_814 = arith.constant 0 : i32
      %dma_start3A_815 = arith.constant 0 : i32
      %dma_start3A_816 = tpu.memref_slice %arg3[%dma_start3A_814, %dma_start3A_815] : memref<1000448x32xf32, #tpu.memory_space<hbm>> -> memref<1000448x32xf32, #tpu.memory_space<hbm>>
      tpu.enqueue_indirect_dma source(%dma_start3A_816 : memref<1000448x32xf32, #tpu.memory_space<hbm>>) target(%dma_start3A_810 : memref<128x32xf32, #tpu.memory_space<vmem>>) offsets(%dma_start3A_813 : memref<128xi32, #tpu.memory_space<vmem>>) semaphore(%arg8 : memref<!tpu.dma_semaphore, #tpu.memory_space<semaphore_mem>>)
      %mul3A_817 = arith.constant 2 : i32
      %mul3A_818 = arith.muli %add3A_764, %mul3A_817 : i32
      %add3A_819 = arith.constant 1 : i32
      %add3A_820 = arith.addi %mul3A_818, %add3A_819 : i32
      %dma_start3A_821 = arith.constant 512 : i32
      %dma_start3A_822 = arith.constant 0 : i32
      %dma_start3A_823 = tpu.memref_slice %arg6[%dma_start3A_821, %dma_start3A_822] : memref<1024x32xf32, #tpu.memory_space<vmem>> -> memref<128x32xf32, #tpu.memory_space<vmem>>
      %dma_start3A_824 = arith.constant 0 : i32
      %dma_start3A_825 = tpu.memref_slice %arg5[%add3A_820, %dma_start3A_824] : memref<20x512xi32, #tpu.memory_space<vmem>> -> memref<1x128xi32, #tpu.memory_space<vmem>>
      %dma_start3A_826 = tpu.memref_squeeze %dma_start3A_825 : memref<1x128xi32, #tpu.memory_space<vmem>> -> memref<128xi32, #tpu.memory_space<vmem>>
      %dma_start3A_827 = arith.constant 0 : i32
      %dma_start3A_828 = arith.constant 0 : i32
      %dma_start3A_829 = tpu.memref_slice %arg3[%dma_start3A_827, %dma_start3A_828] : memref<1000448x32xf32, #tpu.memory_space<hbm>> -> memref<1000448x32xf32, #tpu.memory_space<hbm>>
      tpu.enqueue_indirect_dma source(%dma_start3A_829 : memref<1000448x32xf32, #tpu.memory_space<hbm>>) target(%dma_start3A_823 : memref<128x32xf32, #tpu.memory_space<vmem>>) offsets(%dma_start3A_826 : memref<128xi32, #tpu.memory_space<vmem>>) semaphore(%arg8 : memref<!tpu.dma_semaphore, #tpu.memory_space<semaphore_mem>>)
      %mul3A_830 = arith.constant 2 : i32
      %mul3A_831 = arith.muli %add3A_764, %mul3A_830 : i32
      %add3A_832 = arith.constant 1 : i32
      %add3A_833 = arith.addi %mul3A_831, %add3A_832 : i32
      %dma_start3A_834 = arith.constant 640 : i32
      %dma_start3A_835 = arith.constant 0 : i32
      %dma_start3A_836 = tpu.memref_slice %arg6[%dma_start3A_834, %dma_start3A_835] : memref<1024x32xf32, #tpu.memory_space<vmem>> -> memref<128x32xf32, #tpu.memory_space<vmem>>
      %dma_start3A_837 = arith.constant 128 : i32
      %dma_start3A_838 = tpu.memref_slice %arg5[%add3A_833, %dma_start3A_837] : memref<20x512xi32, #tpu.memory_space<vmem>> -> memref<1x128xi32, #tpu.memory_space<vmem>>
      %dma_start3A_839 = tpu.memref_squeeze %dma_start3A_838 : memref<1x128xi32, #tpu.memory_space<vmem>> -> memref<128xi32, #tpu.memory_space<vmem>>
      %dma_start3A_840 = arith.constant 0 : i32
      %dma_start3A_841 = arith.constant 0 : i32
      %dma_start3A_842 = tpu.memref_slice %arg3[%dma_start3A_840, %dma_start3A_841] : memref<1000448x32xf32, #tpu.memory_space<hbm>> -> memref<1000448x32xf32, #tpu.memory_space<hbm>>
      tpu.enqueue_indirect_dma source(%dma_start3A_842 : memref<1000448x32xf32, #tpu.memory_space<hbm>>) target(%dma_start3A_836 : memref<128x32xf32, #tpu.memory_space<vmem>>) offsets(%dma_start3A_839 : memref<128xi32, #tpu.memory_space<vmem>>) semaphore(%arg8 : memref<!tpu.dma_semaphore, #tpu.memory_space<semaphore_mem>>)
      %mul3A_843 = arith.constant 2 : i32
      %mul3A_844 = arith.muli %add3A_764, %mul3A_843 : i32
      %add3A_845 = arith.constant 1 : i32
      %add3A_846 = arith.addi %mul3A_844, %add3A_845 : i32
      %dma_start3A_847 = arith.constant 768 : i32
      %dma_start3A_848 = arith.constant 0 : i32
      %dma_start3A_849 = tpu.memref_slice %arg6[%dma_start3A_847, %dma_start3A_848] : memref<1024x32xf32, #tpu.memory_space<vmem>> -> memref<128x32xf32, #tpu.memory_space<vmem>>
      %dma_start3A_850 = arith.constant 256 : i32
      %dma_start3A_851 = tpu.memref_slice %arg5[%add3A_846, %dma_start3A_850] : memref<20x512xi32, #tpu.memory_space<vmem>> -> memref<1x128xi32, #tpu.memory_space<vmem>>
      %dma_start3A_852 = tpu.memref_squeeze %dma_start3A_851 : memref<1x128xi32, #tpu.memory_space<vmem>> -> memref<128xi32, #tpu.memory_space<vmem>>
      %dma_start3A_853 = arith.constant 0 : i32
      %dma_start3A_854 = arith.constant 0 : i32
      %dma_start3A_855 = tpu.memref_slice %arg3[%dma_start3A_853, %dma_start3A_854] : memref<1000448x32xf32, #tpu.memory_space<hbm>> -> memref<1000448x32xf32, #tpu.memory_space<hbm>>
      tpu.enqueue_indirect_dma source(%dma_start3A_855 : memref<1000448x32xf32, #tpu.memory_space<hbm>>) target(%dma_start3A_849 : memref<128x32xf32, #tpu.memory_space<vmem>>) offsets(%dma_start3A_852 : memref<128xi32, #tpu.memory_space<vmem>>) semaphore(%arg8 : memref<!tpu.dma_semaphore, #tpu.memory_space<semaphore_mem>>)
      %mul3A_856 = arith.constant 2 : i32
      %mul3A_857 = arith.muli %add3A_764, %mul3A_856 : i32
      %add3A_858 = arith.constant 1 : i32
      %add3A_859 = arith.addi %mul3A_857, %add3A_858 : i32
      %dma_start3A_860 = arith.constant 896 : i32
      %dma_start3A_861 = arith.constant 0 : i32
      %dma_start3A_862 = tpu.memref_slice %arg6[%dma_start3A_860, %dma_start3A_861] : memref<1024x32xf32, #tpu.memory_space<vmem>> -> memref<128x32xf32, #tpu.memory_space<vmem>>
      %dma_start3A_863 = arith.constant 384 : i32
      %dma_start3A_864 = tpu.memref_slice %arg5[%add3A_859, %dma_start3A_863] : memref<20x512xi32, #tpu.memory_space<vmem>> -> memref<1x128xi32, #tpu.memory_space<vmem>>
      %dma_start3A_865 = tpu.memref_squeeze %dma_start3A_864 : memref<1x128xi32, #tpu.memory_space<vmem>> -> memref<128xi32, #tpu.memory_space<vmem>>
      %dma_start3A_866 = arith.constant 0 : i32
      %dma_start3A_867 = arith.constant 0 : i32
      %dma_start3A_868 = tpu.memref_slice %arg3[%dma_start3A_866, %dma_start3A_867] : memref<1000448x32xf32, #tpu.memory_space<hbm>> -> memref<1000448x32xf32, #tpu.memory_space<hbm>>
      tpu.enqueue_indirect_dma source(%dma_start3A_868 : memref<1000448x32xf32, #tpu.memory_space<hbm>>) target(%dma_start3A_862 : memref<128x32xf32, #tpu.memory_space<vmem>>) offsets(%dma_start3A_865 : memref<128xi32, #tpu.memory_space<vmem>>) semaphore(%arg8 : memref<!tpu.dma_semaphore, #tpu.memory_space<semaphore_mem>>)
      %dma_wait3A_869 = arith.constant 0 : i32
      %dma_wait3A_870 = arith.constant 0 : i32
      %dma_wait3A_871 = arith.constant 0 : i32
      %dma_wait3A_872 = tpu.memref_slice %arg4[%dma_wait3A_869, %dma_wait3A_870, %dma_wait3A_871] : memref<20x16384x32xf32, #tpu.memory_space<hbm>> -> memref<1x1024x32xf32, #tpu.memory_space<hbm>>
      %dma_wait3A_873 = tpu.memref_squeeze %dma_wait3A_872 : memref<1x1024x32xf32, #tpu.memory_space<hbm>> -> memref<1024x32xf32, #tpu.memory_space<hbm>>
      %dma_wait3A_874 = arith.constant 0 : i32
      %dma_wait3A_875 = arith.constant 0 : i32
      %dma_wait3A_876 = tpu.memref_slice %arg4[%dma_wait3A_869, %dma_wait3A_874, %dma_wait3A_875] : memref<20x16384x32xf32, #tpu.memory_space<hbm>> -> memref<1x1024x32xf32, #tpu.memory_space<hbm>>
      %dma_wait3A_877 = tpu.memref_squeeze %dma_wait3A_876 : memref<1x1024x32xf32, #tpu.memory_space<hbm>> -> memref<1024x32xf32, #tpu.memory_space<hbm>>
      tpu.wait_dma2 semaphore(%arg11 : memref<!tpu.dma_semaphore, #tpu.memory_space<semaphore_mem>>) src(%arg7 : memref<1024x32xf32, #tpu.memory_space<vmem>>) dst(%dma_wait3A_877 : memref<1024x32xf32, #tpu.memory_space<hbm>>)
      %add3A_878 = arith.constant 3 : i32
      %add3A_879 = arith.addi %add3A_445, %add3A_878 : i32
      %mul3A_880 = arith.constant 2 : i32
      %mul3A_881 = arith.muli %add3A_879, %mul3A_880 : i32
      %add3A_882 = arith.constant 0 : i32
      %add3A_883 = arith.addi %mul3A_881, %add3A_882 : i32
      %dma_start3A_884 = arith.constant 0 : i32
      %dma_start3A_885 = arith.constant 0 : i32
      %dma_start3A_886 = tpu.memref_slice %arg7[%dma_start3A_884, %dma_start3A_885] : memref<1024x32xf32, #tpu.memory_space<vmem>> -> memref<128x32xf32, #tpu.memory_space<vmem>>
      %dma_start3A_887 = arith.constant 0 : i32
      %dma_start3A_888 = tpu.memref_slice %arg5[%add3A_883, %dma_start3A_887] : memref<20x512xi32, #tpu.memory_space<vmem>> -> memref<1x128xi32, #tpu.memory_space<vmem>>
      %dma_start3A_889 = tpu.memref_squeeze %dma_start3A_888 : memref<1x128xi32, #tpu.memory_space<vmem>> -> memref<128xi32, #tpu.memory_space<vmem>>
      %dma_start3A_890 = arith.constant 0 : i32
      %dma_start3A_891 = arith.constant 0 : i32
      %dma_start3A_892 = tpu.memref_slice %arg3[%dma_start3A_890, %dma_start3A_891] : memref<1000448x32xf32, #tpu.memory_space<hbm>> -> memref<1000448x32xf32, #tpu.memory_space<hbm>>
      tpu.enqueue_indirect_dma source(%dma_start3A_892 : memref<1000448x32xf32, #tpu.memory_space<hbm>>) target(%dma_start3A_886 : memref<128x32xf32, #tpu.memory_space<vmem>>) offsets(%dma_start3A_889 : memref<128xi32, #tpu.memory_space<vmem>>) semaphore(%arg9 : memref<!tpu.dma_semaphore, #tpu.memory_space<semaphore_mem>>)
      %mul3A_893 = arith.constant 2 : i32
      %mul3A_894 = arith.muli %add3A_879, %mul3A_893 : i32
      %add3A_895 = arith.constant 0 : i32
      %add3A_896 = arith.addi %mul3A_894, %add3A_895 : i32
      %dma_start3A_897 = arith.constant 128 : i32
      %dma_start3A_898 = arith.constant 0 : i32
      %dma_start3A_899 = tpu.memref_slice %arg7[%dma_start3A_897, %dma_start3A_898] : memref<1024x32xf32, #tpu.memory_space<vmem>> -> memref<128x32xf32, #tpu.memory_space<vmem>>
      %dma_start3A_900 = arith.constant 128 : i32
      %dma_start3A_901 = tpu.memref_slice %arg5[%add3A_896, %dma_start3A_900] : memref<20x512xi32, #tpu.memory_space<vmem>> -> memref<1x128xi32, #tpu.memory_space<vmem>>
      %dma_start3A_902 = tpu.memref_squeeze %dma_start3A_901 : memref<1x128xi32, #tpu.memory_space<vmem>> -> memref<128xi32, #tpu.memory_space<vmem>>
      %dma_start3A_903 = arith.constant 0 : i32
      %dma_start3A_904 = arith.constant 0 : i32
      %dma_start3A_905 = tpu.memref_slice %arg3[%dma_start3A_903, %dma_start3A_904] : memref<1000448x32xf32, #tpu.memory_space<hbm>> -> memref<1000448x32xf32, #tpu.memory_space<hbm>>
      tpu.enqueue_indirect_dma source(%dma_start3A_905 : memref<1000448x32xf32, #tpu.memory_space<hbm>>) target(%dma_start3A_899 : memref<128x32xf32, #tpu.memory_space<vmem>>) offsets(%dma_start3A_902 : memref<128xi32, #tpu.memory_space<vmem>>) semaphore(%arg9 : memref<!tpu.dma_semaphore, #tpu.memory_space<semaphore_mem>>)
      %mul3A_906 = arith.constant 2 : i32
      %mul3A_907 = arith.muli %add3A_879, %mul3A_906 : i32
      %add3A_908 = arith.constant 0 : i32
      %add3A_909 = arith.addi %mul3A_907, %add3A_908 : i32
      %dma_start3A_910 = arith.constant 256 : i32
      %dma_start3A_911 = arith.constant 0 : i32
      %dma_start3A_912 = tpu.memref_slice %arg7[%dma_start3A_910, %dma_start3A_911] : memref<1024x32xf32, #tpu.memory_space<vmem>> -> memref<128x32xf32, #tpu.memory_space<vmem>>
      %dma_start3A_913 = arith.constant 256 : i32
      %dma_start3A_914 = tpu.memref_slice %arg5[%add3A_909, %dma_start3A_913] : memref<20x512xi32, #tpu.memory_space<vmem>> -> memref<1x128xi32, #tpu.memory_space<vmem>>
      %dma_start3A_915 = tpu.memref_squeeze %dma_start3A_914 : memref<1x128xi32, #tpu.memory_space<vmem>> -> memref<128xi32, #tpu.memory_space<vmem>>
      %dma_start3A_916 = arith.constant 0 : i32
      %dma_start3A_917 = arith.constant 0 : i32
      %dma_start3A_918 = tpu.memref_slice %arg3[%dma_start3A_916, %dma_start3A_917] : memref<1000448x32xf32, #tpu.memory_space<hbm>> -> memref<1000448x32xf32, #tpu.memory_space<hbm>>
      tpu.enqueue_indirect_dma source(%dma_start3A_918 : memref<1000448x32xf32, #tpu.memory_space<hbm>>) target(%dma_start3A_912 : memref<128x32xf32, #tpu.memory_space<vmem>>) offsets(%dma_start3A_915 : memref<128xi32, #tpu.memory_space<vmem>>) semaphore(%arg9 : memref<!tpu.dma_semaphore, #tpu.memory_space<semaphore_mem>>)
      %mul3A_919 = arith.constant 2 : i32
      %mul3A_920 = arith.muli %add3A_879, %mul3A_919 : i32
      %add3A_921 = arith.constant 0 : i32
      %add3A_922 = arith.addi %mul3A_920, %add3A_921 : i32
      %dma_start3A_923 = arith.constant 384 : i32
      %dma_start3A_924 = arith.constant 0 : i32
      %dma_start3A_925 = tpu.memref_slice %arg7[%dma_start3A_923, %dma_start3A_924] : memref<1024x32xf32, #tpu.memory_space<vmem>> -> memref<128x32xf32, #tpu.memory_space<vmem>>
      %dma_start3A_926 = arith.constant 384 : i32
      %dma_start3A_927 = tpu.memref_slice %arg5[%add3A_922, %dma_start3A_926] : memref<20x512xi32, #tpu.memory_space<vmem>> -> memref<1x128xi32, #tpu.memory_space<vmem>>
      %dma_start3A_928 = tpu.memref_squeeze %dma_start3A_927 : memref<1x128xi32, #tpu.memory_space<vmem>> -> memref<128xi32, #tpu.memory_space<vmem>>
      %dma_start3A_929 = arith.constant 0 : i32
      %dma_start3A_930 = arith.constant 0 : i32
      %dma_start3A_931 = tpu.memref_slice %arg3[%dma_start3A_929, %dma_start3A_930] : memref<1000448x32xf32, #tpu.memory_space<hbm>> -> memref<1000448x32xf32, #tpu.memory_space<hbm>>
      tpu.enqueue_indirect_dma source(%dma_start3A_931 : memref<1000448x32xf32, #tpu.memory_space<hbm>>) target(%dma_start3A_925 : memref<128x32xf32, #tpu.memory_space<vmem>>) offsets(%dma_start3A_928 : memref<128xi32, #tpu.memory_space<vmem>>) semaphore(%arg9 : memref<!tpu.dma_semaphore, #tpu.memory_space<semaphore_mem>>)
      %mul3A_932 = arith.constant 2 : i32
      %mul3A_933 = arith.muli %add3A_879, %mul3A_932 : i32
      %add3A_934 = arith.constant 1 : i32
      %add3A_935 = arith.addi %mul3A_933, %add3A_934 : i32
      %dma_start3A_936 = arith.constant 512 : i32
      %dma_start3A_937 = arith.constant 0 : i32
      %dma_start3A_938 = tpu.memref_slice %arg7[%dma_start3A_936, %dma_start3A_937] : memref<1024x32xf32, #tpu.memory_space<vmem>> -> memref<128x32xf32, #tpu.memory_space<vmem>>
      %dma_start3A_939 = arith.constant 0 : i32
      %dma_start3A_940 = tpu.memref_slice %arg5[%add3A_935, %dma_start3A_939] : memref<20x512xi32, #tpu.memory_space<vmem>> -> memref<1x128xi32, #tpu.memory_space<vmem>>
      %dma_start3A_941 = tpu.memref_squeeze %dma_start3A_940 : memref<1x128xi32, #tpu.memory_space<vmem>> -> memref<128xi32, #tpu.memory_space<vmem>>
      %dma_start3A_942 = arith.constant 0 : i32
      %dma_start3A_943 = arith.constant 0 : i32
      %dma_start3A_944 = tpu.memref_slice %arg3[%dma_start3A_942, %dma_start3A_943] : memref<1000448x32xf32, #tpu.memory_space<hbm>> -> memref<1000448x32xf32, #tpu.memory_space<hbm>>
      tpu.enqueue_indirect_dma source(%dma_start3A_944 : memref<1000448x32xf32, #tpu.memory_space<hbm>>) target(%dma_start3A_938 : memref<128x32xf32, #tpu.memory_space<vmem>>) offsets(%dma_start3A_941 : memref<128xi32, #tpu.memory_space<vmem>>) semaphore(%arg9 : memref<!tpu.dma_semaphore, #tpu.memory_space<semaphore_mem>>)
      %mul3A_945 = arith.constant 2 : i32
      %mul3A_946 = arith.muli %add3A_879, %mul3A_945 : i32
      %add3A_947 = arith.constant 1 : i32
      %add3A_948 = arith.addi %mul3A_946, %add3A_947 : i32
      %dma_start3A_949 = arith.constant 640 : i32
      %dma_start3A_950 = arith.constant 0 : i32
      %dma_start3A_951 = tpu.memref_slice %arg7[%dma_start3A_949, %dma_start3A_950] : memref<1024x32xf32, #tpu.memory_space<vmem>> -> memref<128x32xf32, #tpu.memory_space<vmem>>
      %dma_start3A_952 = arith.constant 128 : i32
      %dma_start3A_953 = tpu.memref_slice %arg5[%add3A_948, %dma_start3A_952] : memref<20x512xi32, #tpu.memory_space<vmem>> -> memref<1x128xi32, #tpu.memory_space<vmem>>
      %dma_start3A_954 = tpu.memref_squeeze %dma_start3A_953 : memref<1x128xi32, #tpu.memory_space<vmem>> -> memref<128xi32, #tpu.memory_space<vmem>>
      %dma_start3A_955 = arith.constant 0 : i32
      %dma_start3A_956 = arith.constant 0 : i32
      %dma_start3A_957 = tpu.memref_slice %arg3[%dma_start3A_955, %dma_start3A_956] : memref<1000448x32xf32, #tpu.memory_space<hbm>> -> memref<1000448x32xf32, #tpu.memory_space<hbm>>
      tpu.enqueue_indirect_dma source(%dma_start3A_957 : memref<1000448x32xf32, #tpu.memory_space<hbm>>) target(%dma_start3A_951 : memref<128x32xf32, #tpu.memory_space<vmem>>) offsets(%dma_start3A_954 : memref<128xi32, #tpu.memory_space<vmem>>) semaphore(%arg9 : memref<!tpu.dma_semaphore, #tpu.memory_space<semaphore_mem>>)
      %mul3A_958 = arith.constant 2 : i32
      %mul3A_959 = arith.muli %add3A_879, %mul3A_958 : i32
      %add3A_960 = arith.constant 1 : i32
      %add3A_961 = arith.addi %mul3A_959, %add3A_960 : i32
      %dma_start3A_962 = arith.constant 768 : i32
      %dma_start3A_963 = arith.constant 0 : i32
      %dma_start3A_964 = tpu.memref_slice %arg7[%dma_start3A_962, %dma_start3A_963] : memref<1024x32xf32, #tpu.memory_space<vmem>> -> memref<128x32xf32, #tpu.memory_space<vmem>>
      %dma_start3A_965 = arith.constant 256 : i32
      %dma_start3A_966 = tpu.memref_slice %arg5[%add3A_961, %dma_start3A_965] : memref<20x512xi32, #tpu.memory_space<vmem>> -> memref<1x128xi32, #tpu.memory_space<vmem>>
      %dma_start3A_967 = tpu.memref_squeeze %dma_start3A_966 : memref<1x128xi32, #tpu.memory_space<vmem>> -> memref<128xi32, #tpu.memory_space<vmem>>
      %dma_start3A_968 = arith.constant 0 : i32
      %dma_start3A_969 = arith.constant 0 : i32
      %dma_start3A_970 = tpu.memref_slice %arg3[%dma_start3A_968, %dma_start3A_969] : memref<1000448x32xf32, #tpu.memory_space<hbm>> -> memref<1000448x32xf32, #tpu.memory_space<hbm>>
      tpu.enqueue_indirect_dma source(%dma_start3A_970 : memref<1000448x32xf32, #tpu.memory_space<hbm>>) target(%dma_start3A_964 : memref<128x32xf32, #tpu.memory_space<vmem>>) offsets(%dma_start3A_967 : memref<128xi32, #tpu.memory_space<vmem>>) semaphore(%arg9 : memref<!tpu.dma_semaphore, #tpu.memory_space<semaphore_mem>>)
      %mul3A_971 = arith.constant 2 : i32
      %mul3A_972 = arith.muli %add3A_879, %mul3A_971 : i32
      %add3A_973 = arith.constant 1 : i32
      %add3A_974 = arith.addi %mul3A_972, %add3A_973 : i32
      %dma_start3A_975 = arith.constant 896 : i32
      %dma_start3A_976 = arith.constant 0 : i32
      %dma_start3A_977 = tpu.memref_slice %arg7[%dma_start3A_975, %dma_start3A_976] : memref<1024x32xf32, #tpu.memory_space<vmem>> -> memref<128x32xf32, #tpu.memory_space<vmem>>
      %dma_start3A_978 = arith.constant 384 : i32
      %dma_start3A_979 = tpu.memref_slice %arg5[%add3A_974, %dma_start3A_978] : memref<20x512xi32, #tpu.memory_space<vmem>> -> memref<1x128xi32, #tpu.memory_space<vmem>>
      %dma_start3A_980 = tpu.memref_squeeze %dma_start3A_979 : memref<1x128xi32, #tpu.memory_space<vmem>> -> memref<128xi32, #tpu.memory_space<vmem>>
      %dma_start3A_981 = arith.constant 0 : i32
      %dma_start3A_982 = arith.constant 0 : i32
      %dma_start3A_983 = tpu.memref_slice %arg3[%dma_start3A_981, %dma_start3A_982] : memref<1000448x32xf32, #tpu.memory_space<hbm>> -> memref<1000448x32xf32, #tpu.memory_space<hbm>>
      tpu.enqueue_indirect_dma source(%dma_start3A_983 : memref<1000448x32xf32, #tpu.memory_space<hbm>>) target(%dma_start3A_977 : memref<128x32xf32, #tpu.memory_space<vmem>>) offsets(%dma_start3A_980 : memref<128xi32, #tpu.memory_space<vmem>>) semaphore(%arg9 : memref<!tpu.dma_semaphore, #tpu.memory_space<semaphore_mem>>)
    }
    %scan3A_165 = arith.constant 4 : i32
    %dma_wait3A = arith.constant 0 : i32
    %dma_wait3A_166 = arith.constant 0 : i32
    %dma_wait3A_167 = arith.constant 0 : i32
    %dma_wait3A_168 = tpu.memref_slice %arg4[%dma_wait3A, %dma_wait3A_166, %dma_wait3A_167] : memref<20x16384x32xf32, #tpu.memory_space<hbm>> -> memref<1x1024x32xf32, #tpu.memory_space<hbm>>
    %dma_wait3A_169 = tpu.memref_squeeze %dma_wait3A_168 : memref<1x1024x32xf32, #tpu.memory_space<hbm>> -> memref<1024x32xf32, #tpu.memory_space<hbm>>
    %dma_wait3A_170 = arith.constant 0 : i32
    %dma_wait3A_171 = arith.constant 0 : i32
    %dma_wait3A_172 = tpu.memref_slice %arg4[%dma_wait3A, %dma_wait3A_170, %dma_wait3A_171] : memref<20x16384x32xf32, #tpu.memory_space<hbm>> -> memref<1x1024x32xf32, #tpu.memory_space<hbm>>
    %dma_wait3A_173 = tpu.memref_squeeze %dma_wait3A_172 : memref<1x1024x32xf32, #tpu.memory_space<hbm>> -> memref<1024x32xf32, #tpu.memory_space<hbm>>
    tpu.wait_dma2 semaphore(%arg8 : memref<!tpu.dma_semaphore, #tpu.memory_space<semaphore_mem>>) src(%dma_wait3A_173 : memref<1024x32xf32, #tpu.memory_space<hbm>>) dst(%arg6 : memref<1024x32xf32, #tpu.memory_space<vmem>>)
    %add3A_174 = arith.constant 0 : i32
    %add3A_175 = arith.addi %mul3A_2, %add3A_174 : i32
    %dma_start3A_176 = arith.constant 16 : i32
    %dma_start3A_177 = arith.constant 0 : i32
    %dma_start3A_178 = arith.constant 0 : i32
    %dma_start3A_179 = tpu.memref_slice %arg6[%dma_start3A_177, %dma_start3A_178] : memref<1024x32xf32, #tpu.memory_space<vmem>> -> memref<128x32xf32, #tpu.memory_space<vmem>>
    %dma_start3A_180 = arith.constant 0 : i32
    %dma_start3A_181 = tpu.memref_slice %arg4[%dma_start3A_176, %add3A_175, %dma_start3A_180] : memref<20x16384x32xf32, #tpu.memory_space<hbm>> -> memref<1x128x32xf32, #tpu.memory_space<hbm>>
    %dma_start3A_182 = tpu.memref_squeeze %dma_start3A_181 : memref<1x128x32xf32, #tpu.memory_space<hbm>> -> memref<128x32xf32, #tpu.memory_space<hbm>>
    %dma_start3A_183 = arith.constant 0 : i32
    %dma_start3A_184 = tpu.memref_slice %arg4[%dma_start3A_176, %add3A_175, %dma_start3A_183] : memref<20x16384x32xf32, #tpu.memory_space<hbm>> -> memref<1x128x32xf32, #tpu.memory_space<hbm>>
    %dma_start3A_185 = tpu.memref_squeeze %dma_start3A_184 : memref<1x128x32xf32, #tpu.memory_space<hbm>> -> memref<128x32xf32, #tpu.memory_space<hbm>>
    %dma_start3A_186 = arith.constant 0 : i32
    %dma_start3A_187 = arith.constant 0 : i32
    %dma_start3A_188 = tpu.memref_slice %arg6[%dma_start3A_186, %dma_start3A_187] : memref<1024x32xf32, #tpu.memory_space<vmem>> -> memref<128x32xf32, #tpu.memory_space<vmem>>
    tpu.enqueue_dma source(%dma_start3A_188 : memref<128x32xf32, #tpu.memory_space<vmem>>) target(%dma_start3A_185 : memref<128x32xf32, #tpu.memory_space<hbm>>) target_semaphore(%arg10 : memref<!tpu.dma_semaphore, #tpu.memory_space<semaphore_mem>>)
    %add3A_189 = arith.constant 128 : i32
    %add3A_190 = arith.addi %mul3A_2, %add3A_189 : i32
    %dma_start3A_191 = arith.constant 16 : i32
    %dma_start3A_192 = arith.constant 128 : i32
    %dma_start3A_193 = arith.constant 0 : i32
    %dma_start3A_194 = tpu.memref_slice %arg6[%dma_start3A_192, %dma_start3A_193] : memref<1024x32xf32, #tpu.memory_space<vmem>> -> memref<128x32xf32, #tpu.memory_space<vmem>>
    %dma_start3A_195 = arith.constant 0 : i32
    %dma_start3A_196 = tpu.memref_slice %arg4[%dma_start3A_191, %add3A_190, %dma_start3A_195] : memref<20x16384x32xf32, #tpu.memory_space<hbm>> -> memref<1x128x32xf32, #tpu.memory_space<hbm>>
    %dma_start3A_197 = tpu.memref_squeeze %dma_start3A_196 : memref<1x128x32xf32, #tpu.memory_space<hbm>> -> memref<128x32xf32, #tpu.memory_space<hbm>>
    %dma_start3A_198 = arith.constant 0 : i32
    %dma_start3A_199 = tpu.memref_slice %arg4[%dma_start3A_191, %add3A_190, %dma_start3A_198] : memref<20x16384x32xf32, #tpu.memory_space<hbm>> -> memref<1x128x32xf32, #tpu.memory_space<hbm>>
    %dma_start3A_200 = tpu.memref_squeeze %dma_start3A_199 : memref<1x128x32xf32, #tpu.memory_space<hbm>> -> memref<128x32xf32, #tpu.memory_space<hbm>>
    %dma_start3A_201 = arith.constant 128 : i32
    %dma_start3A_202 = arith.constant 0 : i32
    %dma_start3A_203 = tpu.memref_slice %arg6[%dma_start3A_201, %dma_start3A_202] : memref<1024x32xf32, #tpu.memory_space<vmem>> -> memref<128x32xf32, #tpu.memory_space<vmem>>
    tpu.enqueue_dma source(%dma_start3A_203 : memref<128x32xf32, #tpu.memory_space<vmem>>) target(%dma_start3A_200 : memref<128x32xf32, #tpu.memory_space<hbm>>) target_semaphore(%arg10 : memref<!tpu.dma_semaphore, #tpu.memory_space<semaphore_mem>>)
    %add3A_204 = arith.constant 256 : i32
    %add3A_205 = arith.addi %mul3A_2, %add3A_204 : i32
    %dma_start3A_206 = arith.constant 16 : i32
    %dma_start3A_207 = arith.constant 256 : i32
    %dma_start3A_208 = arith.constant 0 : i32
    %dma_start3A_209 = tpu.memref_slice %arg6[%dma_start3A_207, %dma_start3A_208] : memref<1024x32xf32, #tpu.memory_space<vmem>> -> memref<128x32xf32, #tpu.memory_space<vmem>>
    %dma_start3A_210 = arith.constant 0 : i32
    %dma_start3A_211 = tpu.memref_slice %arg4[%dma_start3A_206, %add3A_205, %dma_start3A_210] : memref<20x16384x32xf32, #tpu.memory_space<hbm>> -> memref<1x128x32xf32, #tpu.memory_space<hbm>>
    %dma_start3A_212 = tpu.memref_squeeze %dma_start3A_211 : memref<1x128x32xf32, #tpu.memory_space<hbm>> -> memref<128x32xf32, #tpu.memory_space<hbm>>
    %dma_start3A_213 = arith.constant 0 : i32
    %dma_start3A_214 = tpu.memref_slice %arg4[%dma_start3A_206, %add3A_205, %dma_start3A_213] : memref<20x16384x32xf32, #tpu.memory_space<hbm>> -> memref<1x128x32xf32, #tpu.memory_space<hbm>>
    %dma_start3A_215 = tpu.memref_squeeze %dma_start3A_214 : memref<1x128x32xf32, #tpu.memory_space<hbm>> -> memref<128x32xf32, #tpu.memory_space<hbm>>
    %dma_start3A_216 = arith.constant 256 : i32
    %dma_start3A_217 = arith.constant 0 : i32
    %dma_start3A_218 = tpu.memref_slice %arg6[%dma_start3A_216, %dma_start3A_217] : memref<1024x32xf32, #tpu.memory_space<vmem>> -> memref<128x32xf32, #tpu.memory_space<vmem>>
    tpu.enqueue_dma source(%dma_start3A_218 : memref<128x32xf32, #tpu.memory_space<vmem>>) target(%dma_start3A_215 : memref<128x32xf32, #tpu.memory_space<hbm>>) target_semaphore(%arg10 : memref<!tpu.dma_semaphore, #tpu.memory_space<semaphore_mem>>)
    %add3A_219 = arith.constant 384 : i32
    %add3A_220 = arith.addi %mul3A_2, %add3A_219 : i32
    %dma_start3A_221 = arith.constant 16 : i32
    %dma_start3A_222 = arith.constant 384 : i32
    %dma_start3A_223 = arith.constant 0 : i32
    %dma_start3A_224 = tpu.memref_slice %arg6[%dma_start3A_222, %dma_start3A_223] : memref<1024x32xf32, #tpu.memory_space<vmem>> -> memref<128x32xf32, #tpu.memory_space<vmem>>
    %dma_start3A_225 = arith.constant 0 : i32
    %dma_start3A_226 = tpu.memref_slice %arg4[%dma_start3A_221, %add3A_220, %dma_start3A_225] : memref<20x16384x32xf32, #tpu.memory_space<hbm>> -> memref<1x128x32xf32, #tpu.memory_space<hbm>>
    %dma_start3A_227 = tpu.memref_squeeze %dma_start3A_226 : memref<1x128x32xf32, #tpu.memory_space<hbm>> -> memref<128x32xf32, #tpu.memory_space<hbm>>
    %dma_start3A_228 = arith.constant 0 : i32
    %dma_start3A_229 = tpu.memref_slice %arg4[%dma_start3A_221, %add3A_220, %dma_start3A_228] : memref<20x16384x32xf32, #tpu.memory_space<hbm>> -> memref<1x128x32xf32, #tpu.memory_space<hbm>>
    %dma_start3A_230 = tpu.memref_squeeze %dma_start3A_229 : memref<1x128x32xf32, #tpu.memory_space<hbm>> -> memref<128x32xf32, #tpu.memory_space<hbm>>
    %dma_start3A_231 = arith.constant 384 : i32
    %dma_start3A_232 = arith.constant 0 : i32
    %dma_start3A_233 = tpu.memref_slice %arg6[%dma_start3A_231, %dma_start3A_232] : memref<1024x32xf32, #tpu.memory_space<vmem>> -> memref<128x32xf32, #tpu.memory_space<vmem>>
    tpu.enqueue_dma source(%dma_start3A_233 : memref<128x32xf32, #tpu.memory_space<vmem>>) target(%dma_start3A_230 : memref<128x32xf32, #tpu.memory_space<hbm>>) target_semaphore(%arg10 : memref<!tpu.dma_semaphore, #tpu.memory_space<semaphore_mem>>)
    %add3A_234 = arith.constant 0 : i32
    %add3A_235 = arith.addi %mul3A_2, %add3A_234 : i32
    %dma_start3A_236 = arith.constant 17 : i32
    %dma_start3A_237 = arith.constant 512 : i32
    %dma_start3A_238 = arith.constant 0 : i32
    %dma_start3A_239 = tpu.memref_slice %arg6[%dma_start3A_237, %dma_start3A_238] : memref<1024x32xf32, #tpu.memory_space<vmem>> -> memref<128x32xf32, #tpu.memory_space<vmem>>
    %dma_start3A_240 = arith.constant 0 : i32
    %dma_start3A_241 = tpu.memref_slice %arg4[%dma_start3A_236, %add3A_235, %dma_start3A_240] : memref<20x16384x32xf32, #tpu.memory_space<hbm>> -> memref<1x128x32xf32, #tpu.memory_space<hbm>>
    %dma_start3A_242 = tpu.memref_squeeze %dma_start3A_241 : memref<1x128x32xf32, #tpu.memory_space<hbm>> -> memref<128x32xf32, #tpu.memory_space<hbm>>
    %dma_start3A_243 = arith.constant 0 : i32
    %dma_start3A_244 = tpu.memref_slice %arg4[%dma_start3A_236, %add3A_235, %dma_start3A_243] : memref<20x16384x32xf32, #tpu.memory_space<hbm>> -> memref<1x128x32xf32, #tpu.memory_space<hbm>>
    %dma_start3A_245 = tpu.memref_squeeze %dma_start3A_244 : memref<1x128x32xf32, #tpu.memory_space<hbm>> -> memref<128x32xf32, #tpu.memory_space<hbm>>
    %dma_start3A_246 = arith.constant 512 : i32
    %dma_start3A_247 = arith.constant 0 : i32
    %dma_start3A_248 = tpu.memref_slice %arg6[%dma_start3A_246, %dma_start3A_247] : memref<1024x32xf32, #tpu.memory_space<vmem>> -> memref<128x32xf32, #tpu.memory_space<vmem>>
    tpu.enqueue_dma source(%dma_start3A_248 : memref<128x32xf32, #tpu.memory_space<vmem>>) target(%dma_start3A_245 : memref<128x32xf32, #tpu.memory_space<hbm>>) target_semaphore(%arg10 : memref<!tpu.dma_semaphore, #tpu.memory_space<semaphore_mem>>)
    %add3A_249 = arith.constant 128 : i32
    %add3A_250 = arith.addi %mul3A_2, %add3A_249 : i32
    %dma_start3A_251 = arith.constant 17 : i32
    %dma_start3A_252 = arith.constant 640 : i32
    %dma_start3A_253 = arith.constant 0 : i32
    %dma_start3A_254 = tpu.memref_slice %arg6[%dma_start3A_252, %dma_start3A_253] : memref<1024x32xf32, #tpu.memory_space<vmem>> -> memref<128x32xf32, #tpu.memory_space<vmem>>
    %dma_start3A_255 = arith.constant 0 : i32
    %dma_start3A_256 = tpu.memref_slice %arg4[%dma_start3A_251, %add3A_250, %dma_start3A_255] : memref<20x16384x32xf32, #tpu.memory_space<hbm>> -> memref<1x128x32xf32, #tpu.memory_space<hbm>>
    %dma_start3A_257 = tpu.memref_squeeze %dma_start3A_256 : memref<1x128x32xf32, #tpu.memory_space<hbm>> -> memref<128x32xf32, #tpu.memory_space<hbm>>
    %dma_start3A_258 = arith.constant 0 : i32
    %dma_start3A_259 = tpu.memref_slice %arg4[%dma_start3A_251, %add3A_250, %dma_start3A_258] : memref<20x16384x32xf32, #tpu.memory_space<hbm>> -> memref<1x128x32xf32, #tpu.memory_space<hbm>>
    %dma_start3A_260 = tpu.memref_squeeze %dma_start3A_259 : memref<1x128x32xf32, #tpu.memory_space<hbm>> -> memref<128x32xf32, #tpu.memory_space<hbm>>
    %dma_start3A_261 = arith.constant 640 : i32
    %dma_start3A_262 = arith.constant 0 : i32
    %dma_start3A_263 = tpu.memref_slice %arg6[%dma_start3A_261, %dma_start3A_262] : memref<1024x32xf32, #tpu.memory_space<vmem>> -> memref<128x32xf32, #tpu.memory_space<vmem>>
    tpu.enqueue_dma source(%dma_start3A_263 : memref<128x32xf32, #tpu.memory_space<vmem>>) target(%dma_start3A_260 : memref<128x32xf32, #tpu.memory_space<hbm>>) target_semaphore(%arg10 : memref<!tpu.dma_semaphore, #tpu.memory_space<semaphore_mem>>)
    %add3A_264 = arith.constant 256 : i32
    %add3A_265 = arith.addi %mul3A_2, %add3A_264 : i32
    %dma_start3A_266 = arith.constant 17 : i32
    %dma_start3A_267 = arith.constant 768 : i32
    %dma_start3A_268 = arith.constant 0 : i32
    %dma_start3A_269 = tpu.memref_slice %arg6[%dma_start3A_267, %dma_start3A_268] : memref<1024x32xf32, #tpu.memory_space<vmem>> -> memref<128x32xf32, #tpu.memory_space<vmem>>
    %dma_start3A_270 = arith.constant 0 : i32
    %dma_start3A_271 = tpu.memref_slice %arg4[%dma_start3A_266, %add3A_265, %dma_start3A_270] : memref<20x16384x32xf32, #tpu.memory_space<hbm>> -> memref<1x128x32xf32, #tpu.memory_space<hbm>>
    %dma_start3A_272 = tpu.memref_squeeze %dma_start3A_271 : memref<1x128x32xf32, #tpu.memory_space<hbm>> -> memref<128x32xf32, #tpu.memory_space<hbm>>
    %dma_start3A_273 = arith.constant 0 : i32
    %dma_start3A_274 = tpu.memref_slice %arg4[%dma_start3A_266, %add3A_265, %dma_start3A_273] : memref<20x16384x32xf32, #tpu.memory_space<hbm>> -> memref<1x128x32xf32, #tpu.memory_space<hbm>>
    %dma_start3A_275 = tpu.memref_squeeze %dma_start3A_274 : memref<1x128x32xf32, #tpu.memory_space<hbm>> -> memref<128x32xf32, #tpu.memory_space<hbm>>
    %dma_start3A_276 = arith.constant 768 : i32
    %dma_start3A_277 = arith.constant 0 : i32
    %dma_start3A_278 = tpu.memref_slice %arg6[%dma_start3A_276, %dma_start3A_277] : memref<1024x32xf32, #tpu.memory_space<vmem>> -> memref<128x32xf32, #tpu.memory_space<vmem>>
    tpu.enqueue_dma source(%dma_start3A_278 : memref<128x32xf32, #tpu.memory_space<vmem>>) target(%dma_start3A_275 : memref<128x32xf32, #tpu.memory_space<hbm>>) target_semaphore(%arg10 : memref<!tpu.dma_semaphore, #tpu.memory_space<semaphore_mem>>)
    %add3A_279 = arith.constant 384 : i32
    %add3A_280 = arith.addi %mul3A_2, %add3A_279 : i32
    %dma_start3A_281 = arith.constant 17 : i32
    %dma_start3A_282 = arith.constant 896 : i32
    %dma_start3A_283 = arith.constant 0 : i32
    %dma_start3A_284 = tpu.memref_slice %arg6[%dma_start3A_282, %dma_start3A_283] : memref<1024x32xf32, #tpu.memory_space<vmem>> -> memref<128x32xf32, #tpu.memory_space<vmem>>
    %dma_start3A_285 = arith.constant 0 : i32
    %dma_start3A_286 = tpu.memref_slice %arg4[%dma_start3A_281, %add3A_280, %dma_start3A_285] : memref<20x16384x32xf32, #tpu.memory_space<hbm>> -> memref<1x128x32xf32, #tpu.memory_space<hbm>>
    %dma_start3A_287 = tpu.memref_squeeze %dma_start3A_286 : memref<1x128x32xf32, #tpu.memory_space<hbm>> -> memref<128x32xf32, #tpu.memory_space<hbm>>
    %dma_start3A_288 = arith.constant 0 : i32
    %dma_start3A_289 = tpu.memref_slice %arg4[%dma_start3A_281, %add3A_280, %dma_start3A_288] : memref<20x16384x32xf32, #tpu.memory_space<hbm>> -> memref<1x128x32xf32, #tpu.memory_space<hbm>>
    %dma_start3A_290 = tpu.memref_squeeze %dma_start3A_289 : memref<1x128x32xf32, #tpu.memory_space<hbm>> -> memref<128x32xf32, #tpu.memory_space<hbm>>
    %dma_start3A_291 = arith.constant 896 : i32
    %dma_start3A_292 = arith.constant 0 : i32
    %dma_start3A_293 = tpu.memref_slice %arg6[%dma_start3A_291, %dma_start3A_292] : memref<1024x32xf32, #tpu.memory_space<vmem>> -> memref<128x32xf32, #tpu.memory_space<vmem>>
    tpu.enqueue_dma source(%dma_start3A_293 : memref<128x32xf32, #tpu.memory_space<vmem>>) target(%dma_start3A_290 : memref<128x32xf32, #tpu.memory_space<hbm>>) target_semaphore(%arg10 : memref<!tpu.dma_semaphore, #tpu.memory_space<semaphore_mem>>)
    %dma_wait3A_294 = arith.constant 0 : i32
    %dma_wait3A_295 = arith.constant 0 : i32
    %dma_wait3A_296 = arith.constant 0 : i32
    %dma_wait3A_297 = tpu.memref_slice %arg4[%dma_wait3A_294, %dma_wait3A_295, %dma_wait3A_296] : memref<20x16384x32xf32, #tpu.memory_space<hbm>> -> memref<1x1024x32xf32, #tpu.memory_space<hbm>>
    %dma_wait3A_298 = tpu.memref_squeeze %dma_wait3A_297 : memref<1x1024x32xf32, #tpu.memory_space<hbm>> -> memref<1024x32xf32, #tpu.memory_space<hbm>>
    %dma_wait3A_299 = arith.constant 0 : i32
    %dma_wait3A_300 = arith.constant 0 : i32
    %dma_wait3A_301 = tpu.memref_slice %arg4[%dma_wait3A_294, %dma_wait3A_299, %dma_wait3A_300] : memref<20x16384x32xf32, #tpu.memory_space<hbm>> -> memref<1x1024x32xf32, #tpu.memory_space<hbm>>
    %dma_wait3A_302 = tpu.memref_squeeze %dma_wait3A_301 : memref<1x1024x32xf32, #tpu.memory_space<hbm>> -> memref<1024x32xf32, #tpu.memory_space<hbm>>
    tpu.wait_dma2 semaphore(%arg9 : memref<!tpu.dma_semaphore, #tpu.memory_space<semaphore_mem>>) src(%dma_wait3A_302 : memref<1024x32xf32, #tpu.memory_space<hbm>>) dst(%arg7 : memref<1024x32xf32, #tpu.memory_space<vmem>>)
    %add3A_303 = arith.constant 0 : i32
    %add3A_304 = arith.addi %mul3A_2, %add3A_303 : i32
    %dma_start3A_305 = arith.constant 18 : i32
    %dma_start3A_306 = arith.constant 0 : i32
    %dma_start3A_307 = arith.constant 0 : i32
    %dma_start3A_308 = tpu.memref_slice %arg7[%dma_start3A_306, %dma_start3A_307] : memref<1024x32xf32, #tpu.memory_space<vmem>> -> memref<128x32xf32, #tpu.memory_space<vmem>>
    %dma_start3A_309 = arith.constant 0 : i32
    %dma_start3A_310 = tpu.memref_slice %arg4[%dma_start3A_305, %add3A_304, %dma_start3A_309] : memref<20x16384x32xf32, #tpu.memory_space<hbm>> -> memref<1x128x32xf32, #tpu.memory_space<hbm>>
    %dma_start3A_311 = tpu.memref_squeeze %dma_start3A_310 : memref<1x128x32xf32, #tpu.memory_space<hbm>> -> memref<128x32xf32, #tpu.memory_space<hbm>>
    %dma_start3A_312 = arith.constant 0 : i32
    %dma_start3A_313 = tpu.memref_slice %arg4[%dma_start3A_305, %add3A_304, %dma_start3A_312] : memref<20x16384x32xf32, #tpu.memory_space<hbm>> -> memref<1x128x32xf32, #tpu.memory_space<hbm>>
    %dma_start3A_314 = tpu.memref_squeeze %dma_start3A_313 : memref<1x128x32xf32, #tpu.memory_space<hbm>> -> memref<128x32xf32, #tpu.memory_space<hbm>>
    %dma_start3A_315 = arith.constant 0 : i32
    %dma_start3A_316 = arith.constant 0 : i32
    %dma_start3A_317 = tpu.memref_slice %arg7[%dma_start3A_315, %dma_start3A_316] : memref<1024x32xf32, #tpu.memory_space<vmem>> -> memref<128x32xf32, #tpu.memory_space<vmem>>
    tpu.enqueue_dma source(%dma_start3A_317 : memref<128x32xf32, #tpu.memory_space<vmem>>) target(%dma_start3A_314 : memref<128x32xf32, #tpu.memory_space<hbm>>) target_semaphore(%arg11 : memref<!tpu.dma_semaphore, #tpu.memory_space<semaphore_mem>>)
    %add3A_318 = arith.constant 128 : i32
    %add3A_319 = arith.addi %mul3A_2, %add3A_318 : i32
    %dma_start3A_320 = arith.constant 18 : i32
    %dma_start3A_321 = arith.constant 128 : i32
    %dma_start3A_322 = arith.constant 0 : i32
    %dma_start3A_323 = tpu.memref_slice %arg7[%dma_start3A_321, %dma_start3A_322] : memref<1024x32xf32, #tpu.memory_space<vmem>> -> memref<128x32xf32, #tpu.memory_space<vmem>>
    %dma_start3A_324 = arith.constant 0 : i32
    %dma_start3A_325 = tpu.memref_slice %arg4[%dma_start3A_320, %add3A_319, %dma_start3A_324] : memref<20x16384x32xf32, #tpu.memory_space<hbm>> -> memref<1x128x32xf32, #tpu.memory_space<hbm>>
    %dma_start3A_326 = tpu.memref_squeeze %dma_start3A_325 : memref<1x128x32xf32, #tpu.memory_space<hbm>> -> memref<128x32xf32, #tpu.memory_space<hbm>>
    %dma_start3A_327 = arith.constant 0 : i32
    %dma_start3A_328 = tpu.memref_slice %arg4[%dma_start3A_320, %add3A_319, %dma_start3A_327] : memref<20x16384x32xf32, #tpu.memory_space<hbm>> -> memref<1x128x32xf32, #tpu.memory_space<hbm>>
    %dma_start3A_329 = tpu.memref_squeeze %dma_start3A_328 : memref<1x128x32xf32, #tpu.memory_space<hbm>> -> memref<128x32xf32, #tpu.memory_space<hbm>>
    %dma_start3A_330 = arith.constant 128 : i32
    %dma_start3A_331 = arith.constant 0 : i32
    %dma_start3A_332 = tpu.memref_slice %arg7[%dma_start3A_330, %dma_start3A_331] : memref<1024x32xf32, #tpu.memory_space<vmem>> -> memref<128x32xf32, #tpu.memory_space<vmem>>
    tpu.enqueue_dma source(%dma_start3A_332 : memref<128x32xf32, #tpu.memory_space<vmem>>) target(%dma_start3A_329 : memref<128x32xf32, #tpu.memory_space<hbm>>) target_semaphore(%arg11 : memref<!tpu.dma_semaphore, #tpu.memory_space<semaphore_mem>>)
    %add3A_333 = arith.constant 256 : i32
    %add3A_334 = arith.addi %mul3A_2, %add3A_333 : i32
    %dma_start3A_335 = arith.constant 18 : i32
    %dma_start3A_336 = arith.constant 256 : i32
    %dma_start3A_337 = arith.constant 0 : i32
    %dma_start3A_338 = tpu.memref_slice %arg7[%dma_start3A_336, %dma_start3A_337] : memref<1024x32xf32, #tpu.memory_space<vmem>> -> memref<128x32xf32, #tpu.memory_space<vmem>>
    %dma_start3A_339 = arith.constant 0 : i32
    %dma_start3A_340 = tpu.memref_slice %arg4[%dma_start3A_335, %add3A_334, %dma_start3A_339] : memref<20x16384x32xf32, #tpu.memory_space<hbm>> -> memref<1x128x32xf32, #tpu.memory_space<hbm>>
    %dma_start3A_341 = tpu.memref_squeeze %dma_start3A_340 : memref<1x128x32xf32, #tpu.memory_space<hbm>> -> memref<128x32xf32, #tpu.memory_space<hbm>>
    %dma_start3A_342 = arith.constant 0 : i32
    %dma_start3A_343 = tpu.memref_slice %arg4[%dma_start3A_335, %add3A_334, %dma_start3A_342] : memref<20x16384x32xf32, #tpu.memory_space<hbm>> -> memref<1x128x32xf32, #tpu.memory_space<hbm>>
    %dma_start3A_344 = tpu.memref_squeeze %dma_start3A_343 : memref<1x128x32xf32, #tpu.memory_space<hbm>> -> memref<128x32xf32, #tpu.memory_space<hbm>>
    %dma_start3A_345 = arith.constant 256 : i32
    %dma_start3A_346 = arith.constant 0 : i32
    %dma_start3A_347 = tpu.memref_slice %arg7[%dma_start3A_345, %dma_start3A_346] : memref<1024x32xf32, #tpu.memory_space<vmem>> -> memref<128x32xf32, #tpu.memory_space<vmem>>
    tpu.enqueue_dma source(%dma_start3A_347 : memref<128x32xf32, #tpu.memory_space<vmem>>) target(%dma_start3A_344 : memref<128x32xf32, #tpu.memory_space<hbm>>) target_semaphore(%arg11 : memref<!tpu.dma_semaphore, #tpu.memory_space<semaphore_mem>>)
    %add3A_348 = arith.constant 384 : i32
    %add3A_349 = arith.addi %mul3A_2, %add3A_348 : i32
    %dma_start3A_350 = arith.constant 18 : i32
    %dma_start3A_351 = arith.constant 384 : i32
    %dma_start3A_352 = arith.constant 0 : i32
    %dma_start3A_353 = tpu.memref_slice %arg7[%dma_start3A_351, %dma_start3A_352] : memref<1024x32xf32, #tpu.memory_space<vmem>> -> memref<128x32xf32, #tpu.memory_space<vmem>>
    %dma_start3A_354 = arith.constant 0 : i32
    %dma_start3A_355 = tpu.memref_slice %arg4[%dma_start3A_350, %add3A_349, %dma_start3A_354] : memref<20x16384x32xf32, #tpu.memory_space<hbm>> -> memref<1x128x32xf32, #tpu.memory_space<hbm>>
    %dma_start3A_356 = tpu.memref_squeeze %dma_start3A_355 : memref<1x128x32xf32, #tpu.memory_space<hbm>> -> memref<128x32xf32, #tpu.memory_space<hbm>>
    %dma_start3A_357 = arith.constant 0 : i32
    %dma_start3A_358 = tpu.memref_slice %arg4[%dma_start3A_350, %add3A_349, %dma_start3A_357] : memref<20x16384x32xf32, #tpu.memory_space<hbm>> -> memref<1x128x32xf32, #tpu.memory_space<hbm>>
    %dma_start3A_359 = tpu.memref_squeeze %dma_start3A_358 : memref<1x128x32xf32, #tpu.memory_space<hbm>> -> memref<128x32xf32, #tpu.memory_space<hbm>>
    %dma_start3A_360 = arith.constant 384 : i32
    %dma_start3A_361 = arith.constant 0 : i32
    %dma_start3A_362 = tpu.memref_slice %arg7[%dma_start3A_360, %dma_start3A_361] : memref<1024x32xf32, #tpu.memory_space<vmem>> -> memref<128x32xf32, #tpu.memory_space<vmem>>
    tpu.enqueue_dma source(%dma_start3A_362 : memref<128x32xf32, #tpu.memory_space<vmem>>) target(%dma_start3A_359 : memref<128x32xf32, #tpu.memory_space<hbm>>) target_semaphore(%arg11 : memref<!tpu.dma_semaphore, #tpu.memory_space<semaphore_mem>>)
    %add3A_363 = arith.constant 0 : i32
    %add3A_364 = arith.addi %mul3A_2, %add3A_363 : i32
    %dma_start3A_365 = arith.constant 19 : i32
    %dma_start3A_366 = arith.constant 512 : i32
    %dma_start3A_367 = arith.constant 0 : i32
    %dma_start3A_368 = tpu.memref_slice %arg7[%dma_start3A_366, %dma_start3A_367] : memref<1024x32xf32, #tpu.memory_space<vmem>> -> memref<128x32xf32, #tpu.memory_space<vmem>>
    %dma_start3A_369 = arith.constant 0 : i32
    %dma_start3A_370 = tpu.memref_slice %arg4[%dma_start3A_365, %add3A_364, %dma_start3A_369] : memref<20x16384x32xf32, #tpu.memory_space<hbm>> -> memref<1x128x32xf32, #tpu.memory_space<hbm>>
    %dma_start3A_371 = tpu.memref_squeeze %dma_start3A_370 : memref<1x128x32xf32, #tpu.memory_space<hbm>> -> memref<128x32xf32, #tpu.memory_space<hbm>>
    %dma_start3A_372 = arith.constant 0 : i32
    %dma_start3A_373 = tpu.memref_slice %arg4[%dma_start3A_365, %add3A_364, %dma_start3A_372] : memref<20x16384x32xf32, #tpu.memory_space<hbm>> -> memref<1x128x32xf32, #tpu.memory_space<hbm>>
    %dma_start3A_374 = tpu.memref_squeeze %dma_start3A_373 : memref<1x128x32xf32, #tpu.memory_space<hbm>> -> memref<128x32xf32, #tpu.memory_space<hbm>>
    %dma_start3A_375 = arith.constant 512 : i32
    %dma_start3A_376 = arith.constant 0 : i32
    %dma_start3A_377 = tpu.memref_slice %arg7[%dma_start3A_375, %dma_start3A_376] : memref<1024x32xf32, #tpu.memory_space<vmem>> -> memref<128x32xf32, #tpu.memory_space<vmem>>
    tpu.enqueue_dma source(%dma_start3A_377 : memref<128x32xf32, #tpu.memory_space<vmem>>) target(%dma_start3A_374 : memref<128x32xf32, #tpu.memory_space<hbm>>) target_semaphore(%arg11 : memref<!tpu.dma_semaphore, #tpu.memory_space<semaphore_mem>>)
    %add3A_378 = arith.constant 128 : i32
    %add3A_379 = arith.addi %mul3A_2, %add3A_378 : i32
    %dma_start3A_380 = arith.constant 19 : i32
    %dma_start3A_381 = arith.constant 640 : i32
    %dma_start3A_382 = arith.constant 0 : i32
    %dma_start3A_383 = tpu.memref_slice %arg7[%dma_start3A_381, %dma_start3A_382] : memref<1024x32xf32, #tpu.memory_space<vmem>> -> memref<128x32xf32, #tpu.memory_space<vmem>>
    %dma_start3A_384 = arith.constant 0 : i32
    %dma_start3A_385 = tpu.memref_slice %arg4[%dma_start3A_380, %add3A_379, %dma_start3A_384] : memref<20x16384x32xf32, #tpu.memory_space<hbm>> -> memref<1x128x32xf32, #tpu.memory_space<hbm>>
    %dma_start3A_386 = tpu.memref_squeeze %dma_start3A_385 : memref<1x128x32xf32, #tpu.memory_space<hbm>> -> memref<128x32xf32, #tpu.memory_space<hbm>>
    %dma_start3A_387 = arith.constant 0 : i32
    %dma_start3A_388 = tpu.memref_slice %arg4[%dma_start3A_380, %add3A_379, %dma_start3A_387] : memref<20x16384x32xf32, #tpu.memory_space<hbm>> -> memref<1x128x32xf32, #tpu.memory_space<hbm>>
    %dma_start3A_389 = tpu.memref_squeeze %dma_start3A_388 : memref<1x128x32xf32, #tpu.memory_space<hbm>> -> memref<128x32xf32, #tpu.memory_space<hbm>>
    %dma_start3A_390 = arith.constant 640 : i32
    %dma_start3A_391 = arith.constant 0 : i32
    %dma_start3A_392 = tpu.memref_slice %arg7[%dma_start3A_390, %dma_start3A_391] : memref<1024x32xf32, #tpu.memory_space<vmem>> -> memref<128x32xf32, #tpu.memory_space<vmem>>
    tpu.enqueue_dma source(%dma_start3A_392 : memref<128x32xf32, #tpu.memory_space<vmem>>) target(%dma_start3A_389 : memref<128x32xf32, #tpu.memory_space<hbm>>) target_semaphore(%arg11 : memref<!tpu.dma_semaphore, #tpu.memory_space<semaphore_mem>>)
    %add3A_393 = arith.constant 256 : i32
    %add3A_394 = arith.addi %mul3A_2, %add3A_393 : i32
    %dma_start3A_395 = arith.constant 19 : i32
    %dma_start3A_396 = arith.constant 768 : i32
    %dma_start3A_397 = arith.constant 0 : i32
    %dma_start3A_398 = tpu.memref_slice %arg7[%dma_start3A_396, %dma_start3A_397] : memref<1024x32xf32, #tpu.memory_space<vmem>> -> memref<128x32xf32, #tpu.memory_space<vmem>>
    %dma_start3A_399 = arith.constant 0 : i32
    %dma_start3A_400 = tpu.memref_slice %arg4[%dma_start3A_395, %add3A_394, %dma_start3A_399] : memref<20x16384x32xf32, #tpu.memory_space<hbm>> -> memref<1x128x32xf32, #tpu.memory_space<hbm>>
    %dma_start3A_401 = tpu.memref_squeeze %dma_start3A_400 : memref<1x128x32xf32, #tpu.memory_space<hbm>> -> memref<128x32xf32, #tpu.memory_space<hbm>>
    %dma_start3A_402 = arith.constant 0 : i32
    %dma_start3A_403 = tpu.memref_slice %arg4[%dma_start3A_395, %add3A_394, %dma_start3A_402] : memref<20x16384x32xf32, #tpu.memory_space<hbm>> -> memref<1x128x32xf32, #tpu.memory_space<hbm>>
    %dma_start3A_404 = tpu.memref_squeeze %dma_start3A_403 : memref<1x128x32xf32, #tpu.memory_space<hbm>> -> memref<128x32xf32, #tpu.memory_space<hbm>>
    %dma_start3A_405 = arith.constant 768 : i32
    %dma_start3A_406 = arith.constant 0 : i32
    %dma_start3A_407 = tpu.memref_slice %arg7[%dma_start3A_405, %dma_start3A_406] : memref<1024x32xf32, #tpu.memory_space<vmem>> -> memref<128x32xf32, #tpu.memory_space<vmem>>
    tpu.enqueue_dma source(%dma_start3A_407 : memref<128x32xf32, #tpu.memory_space<vmem>>) target(%dma_start3A_404 : memref<128x32xf32, #tpu.memory_space<hbm>>) target_semaphore(%arg11 : memref<!tpu.dma_semaphore, #tpu.memory_space<semaphore_mem>>)
    %add3A_408 = arith.constant 384 : i32
    %add3A_409 = arith.addi %mul3A_2, %add3A_408 : i32
    %dma_start3A_410 = arith.constant 19 : i32
    %dma_start3A_411 = arith.constant 896 : i32
    %dma_start3A_412 = arith.constant 0 : i32
    %dma_start3A_413 = tpu.memref_slice %arg7[%dma_start3A_411, %dma_start3A_412] : memref<1024x32xf32, #tpu.memory_space<vmem>> -> memref<128x32xf32, #tpu.memory_space<vmem>>
    %dma_start3A_414 = arith.constant 0 : i32
    %dma_start3A_415 = tpu.memref_slice %arg4[%dma_start3A_410, %add3A_409, %dma_start3A_414] : memref<20x16384x32xf32, #tpu.memory_space<hbm>> -> memref<1x128x32xf32, #tpu.memory_space<hbm>>
    %dma_start3A_416 = tpu.memref_squeeze %dma_start3A_415 : memref<1x128x32xf32, #tpu.memory_space<hbm>> -> memref<128x32xf32, #tpu.memory_space<hbm>>
    %dma_start3A_417 = arith.constant 0 : i32
    %dma_start3A_418 = tpu.memref_slice %arg4[%dma_start3A_410, %add3A_409, %dma_start3A_417] : memref<20x16384x32xf32, #tpu.memory_space<hbm>> -> memref<1x128x32xf32, #tpu.memory_space<hbm>>
    %dma_start3A_419 = tpu.memref_squeeze %dma_start3A_418 : memref<1x128x32xf32, #tpu.memory_space<hbm>> -> memref<128x32xf32, #tpu.memory_space<hbm>>
    %dma_start3A_420 = arith.constant 896 : i32
    %dma_start3A_421 = arith.constant 0 : i32
    %dma_start3A_422 = tpu.memref_slice %arg7[%dma_start3A_420, %dma_start3A_421] : memref<1024x32xf32, #tpu.memory_space<vmem>> -> memref<128x32xf32, #tpu.memory_space<vmem>>
    tpu.enqueue_dma source(%dma_start3A_422 : memref<128x32xf32, #tpu.memory_space<vmem>>) target(%dma_start3A_419 : memref<128x32xf32, #tpu.memory_space<hbm>>) target_semaphore(%arg11 : memref<!tpu.dma_semaphore, #tpu.memory_space<semaphore_mem>>)
    %dma_wait3A_423 = arith.constant 0 : i32
    %dma_wait3A_424 = arith.constant 0 : i32
    %dma_wait3A_425 = arith.constant 0 : i32
    %dma_wait3A_426 = tpu.memref_slice %arg4[%dma_wait3A_423, %dma_wait3A_424, %dma_wait3A_425] : memref<20x16384x32xf32, #tpu.memory_space<hbm>> -> memref<1x1024x32xf32, #tpu.memory_space<hbm>>
    %dma_wait3A_427 = tpu.memref_squeeze %dma_wait3A_426 : memref<1x1024x32xf32, #tpu.memory_space<hbm>> -> memref<1024x32xf32, #tpu.memory_space<hbm>>
    %dma_wait3A_428 = arith.constant 0 : i32
    %dma_wait3A_429 = arith.constant 0 : i32
    %dma_wait3A_430 = tpu.memref_slice %arg4[%dma_wait3A_423, %dma_wait3A_428, %dma_wait3A_429] : memref<20x16384x32xf32, #tpu.memory_space<hbm>> -> memref<1x1024x32xf32, #tpu.memory_space<hbm>>
    %dma_wait3A_431 = tpu.memref_squeeze %dma_wait3A_430 : memref<1x1024x32xf32, #tpu.memory_space<hbm>> -> memref<1024x32xf32, #tpu.memory_space<hbm>>
    tpu.wait_dma2 semaphore(%arg10 : memref<!tpu.dma_semaphore, #tpu.memory_space<semaphore_mem>>) src(%arg6 : memref<1024x32xf32, #tpu.memory_space<vmem>>) dst(%dma_wait3A_431 : memref<1024x32xf32, #tpu.memory_space<hbm>>)
    %dma_wait3A_432 = arith.constant 0 : i32
    %dma_wait3A_433 = arith.constant 0 : i32
    %dma_wait3A_434 = arith.constant 0 : i32
    %dma_wait3A_435 = tpu.memref_slice %arg4[%dma_wait3A_432, %dma_wait3A_433, %dma_wait3A_434] : memref<20x16384x32xf32, #tpu.memory_space<hbm>> -> memref<1x1024x32xf32, #tpu.memory_space<hbm>>
    %dma_wait3A_436 = tpu.memref_squeeze %dma_wait3A_435 : memref<1x1024x32xf32, #tpu.memory_space<hbm>> -> memref<1024x32xf32, #tpu.memory_space<hbm>>
    %dma_wait3A_437 = arith.constant 0 : i32
    %dma_wait3A_438 = arith.constant 0 : i32
    %dma_wait3A_439 = tpu.memref_slice %arg4[%dma_wait3A_432, %dma_wait3A_437, %dma_wait3A_438] : memref<20x16384x32xf32, #tpu.memory_space<hbm>> -> memref<1x1024x32xf32, #tpu.memory_space<hbm>>
    %dma_wait3A_440 = tpu.memref_squeeze %dma_wait3A_439 : memref<1x1024x32xf32, #tpu.memory_space<hbm>> -> memref<1024x32xf32, #tpu.memory_space<hbm>>
    tpu.wait_dma2 semaphore(%arg11 : memref<!tpu.dma_semaphore, #tpu.memory_space<semaphore_mem>>) src(%arg7 : memref<1024x32xf32, #tpu.memory_space<vmem>>) dst(%dma_wait3A_440 : memref<1024x32xf32, #tpu.memory_space<hbm>>)
    return
  }
}

</mosaic_0001>

<sc_bundles>
// kernel: kernel.4.cloned.1.call-start
scs
__scs_entry_jumppad:
0x0: {  	(pc) =	sbr.rel $0x88, $3  }
0x1: {  	(tag) =	ssettag $0x0;
	lr =	simm.s32 $0x1  }
0x2: {  	[smem:$0x3F9F] =	sst lr;
	_ =	strace $0xD0000000  }
0x3: {  	_ = 	snop  }
0x4: {  	_ = 	snop  }
0x5: {  	_ = 	snop  }
0x6: {  	_ = 	snop  }
0x7: {  	_ = 	snop  }
__scs_overlays_trampoline_lowered:
0x8: {  	[smem:$0x3FAE] =	sst s0  }
0x9: {  	[smem:$0x3FAF] =	sst s1  }
0xa: {  	[smem:$0x3FB0] =	sst s2  }
0xb: {  	[smem:$0x3FB1] =	sst s3  }
0xc: {  	[smem:$0x3FB2] =	sst s4  }
0xd: {  	[smem:$0x3FB3] =	sst s5  }
0xe: {  	[smem:$0x3FB4] =	sst s6  }
0xf: {  	[smem:$0x3FB5] =	sst s7  }
0x10: {  	[smem:$0x3FB6] =	sst s8  }
0x11: {  	[smem:$0x3FB7] =	sst s9;
	s0 =	simm.s32 @!p0 $0x0  }
0x12: {  	s1 =	sld [smem:$0x3F9D];
	s0 =	simm.s32 @p0 $0x1  }
0x13: {  	[smem:$0x3FB8] =	sst s0;
	s0 =	simm.s32 @!p1 $0x0  }
0x14: {  	s2 =	sld [smem:$0x3F9C];
	s0 =	simm.s32 @p1 $0x1  }
0x15: {  	[smem:$0x3FB9] =	sst s0;
	s0 =	simm.s32 @!p2 $0x0  }
0x16: {  	s3 =	sld [smem:$0x3FDB];
	s0 =	simm.s32 @p2 $0x1  }
0x17: {  	s4 =	simm.s32 $0x1BF5;
	[smem:$0x3FBB] =	sst s0  }
0x18: {  	s0 =	sld [smem:$0x3F9E];
	_ =	swait.ge [sflag:s4], $0x0  }
0x19: {  	s7 =	sld [smem:$0x3F9F]  }
0x1a: {  	s8 =	sadd.s32 $0xFFFFE003, lr  }
0x1b: {  	s9 =	sadd.s32 $0xFFFFFEF7, lr;
	s5 =	simm.s32 $0xFFFFFFFF;
	p2 =	slt.u32 s8, $0xFFFFF086  }
0x1c: {  	p1 =	slt.u32 s9, $0xF7A;
	s5 =	simm.s32 @!p2 $0x0  }
0x1d: {  	s5 =	simm.s32 @p1 $0x1;
	p0 =	seq.s32 s7, s2  }
0x1e: {  	s7 =	smul.u32 @!p0 $0xF7A, s2;
	p2 =	seq.s32 @!p0 s5, $0x0  }
0x1f: {  	s9 =	smul.u32 $0xF7A, s1;
	s8 =	simm.s32 @!p0 $0x1BF5;
	p2 =	por !p2, p0  }
0x20: {  	[sflag:s8] =	ssyncset.s32 @!p0 $0xFFFFF086;
	s6 =	sadd.s32 @!p0 s3, s7;
	s7 =	simm.s32 @!p0 $0x108  }
0x21: {  	s3 =	sadd.s32 s3, s9;
	s6 =	sadd.s32 @!p0 $0x88, s6;
	s7 =	simm.s32 @p2 $0x1082  }
0x22: {  	[simem:s7], [sflag:s8] =	dma.local @!p0 [hbm:s6], $0xF7A  }
0x23: {  	s9 =	sor.u32 $0xD0000000, s2;
	s6 =	simm.s32 $0x108;
	_ =	swait.ge @!p0 [sflag:s8], $0x0  }
0x24: {  	s3 =	sadd.s32 $0x88, s3;
	s6 =	simm.s32 @!p1 $0x1082;
	[sflag:s4] =	ssyncset.s32 $0xFFFFF086  }
0x25: {  	[simem:s6], [sflag:s4] =	dma.local [hbm:s3], $0xF7A  }
0x26: {  	[smem:$0x3F9F] =	sst s1;
	(tag) =	ssettag s2;
	_ =	strace s9  }
0x27: {  	s1 =	sld [smem:$0x3FAF]  }
0x28: {  	s2 =	sld [smem:$0x3FB0]  }
0x29: {  	s4 =	sld [smem:$0x3FB2]  }
0x2a: {  	p0 =	seq.s32 s5, $0x0;
	s5 =	sld [smem:$0x3FB3]  }
0x2b: {  	s6 =	sld [smem:$0x3FB4]  }
0x2c: {  	s7 =	sld [smem:$0x3FB5]  }
0x2d: {  	s3 =	simm.s32 $0x108;
	s8 =	sld [smem:$0x3FB6]  }
0x2e: {  	s3 =	simm.s32 @!p0 $0x1082;
	s9 =	sld [smem:$0x3FB7]  }
0x2f: {  	lr =	sadd.s32 s0, s3;
	s0 =	sld [smem:$0x3FAE]  }
0x30: {  	s3 =	sld [smem:$0x3FB1]  }
0x31: {  	[smem:$0x3FBA] =	sst s10  }
0x32: {  	s10 =	sld [smem:$0x3FB8];
	_ =	sdelay $0x3  }
0x33: {  	p0 =	seq.s32 s10, $0x1;
	s10 =	sld [smem:$0x3FBA];
	_ =	sdelay $0x3  }
0x34: {  	[smem:$0x3FBA] =	sst s10  }
0x35: {  	s10 =	sld [smem:$0x3FB9];
	_ =	sdelay $0x3  }
0x36: {  	p1 =	seq.s32 s10, $0x1;
	s10 =	sld [smem:$0x3FBA];
	_ =	sdelay $0x3  }
0x37: {  	[smem:$0x3FBA] =	sst s10  }
0x38: {  	s10 =	sld [smem:$0x3FBB]  }
0x39: {  	_ = 	snop;
	(pc) =	sbr.ind lr, $3  }
0x3a: {  	_ = 	snop  }
0x3b: {  	_ = 	snop  }
0x3c: {  	p2 =	seq.s32 s10, $0x1;
	s10 =	sld [smem:$0x3FBA]  }
0x3d: {  	_ =	shalt  }
0x3e: {  	_ =	shalt  }
0x3f: {  	_ =	shalt  }
0x40: {  	_ =	shalt  }
0x41: {  	_ =	shalt  }
0x42: {  	_ =	shalt  }
0x43: {  	_ =	shalt  }
0x44: {  	_ =	shalt  }
0x45: {  	_ =	shalt  }
0x46: {  	_ =	shalt  }
0x47: {  	_ =	shalt  }
0x48: {  	_ =	shalt  }
0x49: {  	_ =	shalt  }
0x4a: {  	_ =	shalt  }
0x4b: {  	_ =	shalt  }
0x4c: {  	_ =	shalt  }
0x4d: {  	_ =	shalt  }
0x4e: {  	_ =	shalt  }
0x4f: {  	_ =	shalt  }
0x50: {  	_ =	shalt  }
0x51: {  	_ =	shalt  }
0x52: {  	_ =	shalt  }
0x53: {  	_ =	shalt  }
0x54: {  	_ =	shalt  }
0x55: {  	_ =	shalt  }
0x56: {  	_ =	shalt  }
0x57: {  	_ =	shalt  }
0x58: {  	_ =	shalt  }
0x59: {  	_ =	shalt  }
0x5a: {  	_ =	shalt  }
0x5b: {  	_ =	shalt  }
0x5c: {  	_ =	shalt  }
0x5d: {  	_ =	shalt  }
0x5e: {  	_ =	shalt  }
0x5f: {  	_ =	shalt  }
0x60: {  	_ =	shalt  }
0x61: {  	_ =	shalt  }
0x62: {  	_ =	shalt  }
0x63: {  	_ =	shalt  }
0x64: {  	_ =	shalt  }
0x65: {  	_ =	shalt  }
0x66: {  	_ =	shalt  }
0x67: {  	_ =	shalt  }
0x68: {  	_ =	shalt  }
0x69: {  	_ =	shalt  }
0x6a: {  	_ =	shalt  }
0x6b: {  	_ =	shalt  }
0x6c: {  	_ =	shalt  }
0x6d: {  	_ =	shalt  }
0x6e: {  	_ =	shalt  }
0x6f: {  	_ =	shalt  }
0x70: {  	_ =	shalt  }
0x71: {  	_ =	shalt  }
0x72: {  	_ =	shalt  }
0x73: {  	_ =	shalt  }
0x74: {  	_ =	shalt  }
0x75: {  	_ =	shalt  }
0x76: {  	_ =	shalt  }
0x77: {  	_ =	shalt  }
0x78: {  	_ =	shalt  }
0x79: {  	_ =	shalt  }
0x7a: {  	_ =	shalt  }
0x7b: {  	_ =	shalt  }
0x7c: {  	_ =	shalt  }
0x7d: {  	_ =	shalt  }
0x7e: {  	_ =	shalt  }
0x7f: {  	_ =	shalt  }
0x80: {  	_ =	shalt  }
0x81: {  	_ =	shalt  }
0x82: {  	_ =	shalt  }
0x83: {  	_ =	shalt  }
0x84: {  	_ =	shalt  }
0x85: {  	_ =	shalt  }
0x86: {  	_ =	shalt  }
0x87: {  	_ =	shalt  }
.Lfunc_end0:
.L_simem_size_0:
called_computation.1_lowered:
.L_overlay_start_0:
0x88: {  	s2 =	sld [smem:$0x3FD9]  }
0x89: {  	s3 =	sld [smem:$0x3FFE];
	_ =	sdelay $0x1  }
0x8a: {  	s1 =	srdreg.scid  }
0x8b: {  	s0 =	sand.u32 $0x1, s1  }
0x8c: {  	s17 =	sshll.u32 s0, $0xA;
	s2 =	sadd.s32 s3, s2  }
0x8d: {  	s2 =	sadd.s32 s2, s17  }
0x8e: {  	[smem:$0x3FC6] =	sst s2  }
0x8f: {  	_ = 	snop  }
0x90: {  	s2 =	sld [smem:$0x3FC8];
	(tm) =	ssettm $0x1  }
0x91: {  	s18 =	sld [smem:$0x3FFB];
	_ =	sdelay $0x3  }
0x92: {  	_ =	strace s18  }
0x93: {  	s3 =	sld [smem:$0x3FFC];
	_ =	sdelay $0x3  }
0x94: {  	_ =	strace s3  }
0x95: {  	s3 =	sld [smem:$0x3FFD];
	_ =	sdelay $0x3  }
0x96: {  	_ =	strace s3  }
0x97: {  	_ =	strace $0x8FFFFFFF  }
0x98: {  	s19 =	sld [smem:$0x3FDB];
	_ =	sdelay $0x1  }
0x99: {  	s4 =	simm.s32 $_scs_section_size  }
0x9a: {  	s5 =	simm.s32 $_size__tile_overlayer_lowered;
	s6 =	simm.s32 $_tile_overlayer_lowered  }
0x9b: {  	s22 =	simm.s32 $0x1BFF;
	s21 =	sshll.u32 s6, $0x1;
	s3 =	sadd.s32 s4, s19  }
0x9c: {  	s7 =	simm.s32 $0x0;
	s20 =	sshll.u32 s5, $0x1;
	s5 =	sadd.s32 s21, s3  }
0x9d: {  	[timem:s7], [sflag:s22] =	dma.local [hbm:s5], s20  }
0x9e: {  	_ =	swait.ge [sflag:s22], s20  }
0x9f: {  	s4 =	ssub.s32 $0x0, s20;
	[sflag:s22] =	ssyncset.done $0x0  }
0xa0: {  	[sflag:s22] =	ssyncadd.s32 s4;
	_ =	sdelay $0x1  }
0xa1: {  	s23 =	simm.s32 $0x1B8B  }
0xa2: {  	_ =	swait.ge [sflag:s23], $0x1  }
0xa3: {  	[sflag:s23] =	ssyncset.done $0x0  }
0xa4: {  	s25 =	simm.s32 $0x1B8E;
	s24 =	sld [smem:$0x3FFE];
	[sflag:s23] =	ssyncadd.s32 $0xFFFFFFFF  }
0xa5: {  	s26 =	simm.s32 $execute0_lowered;
	[smem:$0x3FD2] =	sst s25  }
0xa6: {  	s5 =	sshll.u32 s26, $0x1;
	_ =	strace $0x80000046;
	[dreg:$0x1] =	wrdreg $0xFFFFFFFF  }
0xa7: {  	s28 =	simm.s32 $_size_execute0_lowered;
	s3 =	sadd.s32 s3, s5;
	[dreg:$0x0] =	wrdreg $0x0  }
0xa8: {  	s5 =	sshll.u32 s28, $0x1;
	[dreg:$0x2] =	wrdreg s3  }
0xa9: {  	[dreg:$0x3] =	wrdreg s5  }
0xaa: {  	[dreg:$0x4] =	wrdreg $0xC0  }
0xab: {  	_ =	task [dreg:s7], $0x5FFFF  }
0xac: {  	[dreg:$0x1] =	wrdreg $0xFFFFFFFF  }
0xad: {  	[dreg:$0x0] =	wrdreg $0x60  }
0xae: {  	[dreg:$0x2] =	wrdreg s2  }
0xaf: {  	[dreg:$0x3] =	wrdreg s24  }
0xb0: {  	[dreg:$0x4] =	wrdreg $0x9  }
0xb1: {  	_ =	task.clear_ibuf [dreg:s7], $0x5FFFF;
	_ =	strace $0x90000046  }
0xb2: {  	s29 =	simm.s32 $0x9;
	_ =	strace $0x80000048  }
0xb3: {  	_ =	swait.ge [sflag:s29], $0x1  }
0xb4: {  	[sflag:s29] =	ssyncadd.s32 $0xFFFFFFFF  }
0xb5: {  	_ =	strace $0x90000048  }
0xb6: {  	_ =	sfence  }
0xb7: {  	s30 =	sld [smem:$0x0];
	_ =	sdelay $0x2  }
0xb8: {  	s31 =	sshll.u32 s1, $0xD;
	s1 =	sshrl.u32 s1, $0x2  }
0xb9: {  	s3 =	sand.u32 $0x4000, s31;
	s1 =	sadd.s32 s1, s30  }
0xba: {  	s0 =	sor.u32 s3, s0;
	s1 =	sshll.u32 s1, $0x11  }
0xbb: {  	s0 =	sor.u32 s1, s0  }
0xbc: {  	s0 =	sadd.s32 $0x8F2B, s0  }
0xbd: {  	[sflag:s0] =	ssyncadd.remote.s32 $0x1  }
0xbe: {  	_ =	sfence.sel $0xFFFF  }
0xbf: {  	[dreg:$0x0] =	wrdreg $0xFFFFFFFF;
	(pc) =	sbr.abs _section_cstart, $3  }
0xc0: {  	[dreg:$0x1] =	wrdreg $0xFFFFFFFF  }
0xc1: {  	_ =	task.clear_ibuf [dreg:s7], $0x2FFFF;
	_ =	strace $0x9FFFFFFF  }
0xc2: {  	(tm) =	ssettm $0x7FFFFFFF  }
0xc3: {  	_ =	shalt  }
tec
execute0_lowered:
.L_overlay_start_1:
0x0: {  	(tag) =	ssettag $0x1  }
0x1: {  	v0 =	vimm.s32 $0x1380;
	vm0 =	vcmask $0x300;
	v1 =	vimm.s32 $0x3380  }
0x2: {  	vm1 =	vcmask $0x704;
	v0 =	vsel vm0, $0x0, v0;
	v1 =	vsel vm0, $0x2000, v1  }
0x3: {  	vm15 =	vcmask $0xB08;
	v0 =	vsel vm1, $0x80, v0;
	v1 =	vsel vm1, $0x2080, v1  }
0x4: {  	s0 =	srdreg.scid;
	vm4 =	vcmask $0xF0C;
	s1 =	rddreg [dreg:$0x0];
	v0 =	vsel vm15, $0x100, v0;
	v1 =	vsel vm15, $0x2100, v1  }
0x5: {  	s6 =	stileid.u32;
	vm5 =	vcmask $0x1310;
	s5 =	rddreg [dreg:$0x1];
	v0 =	vsel vm4, $0x180, v0;
	v1 =	vsel vm4, $0x2180, v1  }
0x6: {  	vm6 =	vcmask $0x1714;
	s3 =	simm.s32 $0x0;
	s13 =	simm.s32 $0x4000;
	s14 =	simm.s32 $0x1;
	v0 =	vsel vm5, $0x200, v0;
	v1 =	vsel vm5, $0x2200, v1  }
0x7: {  	vm7 =	vcmask $0x1B18;
	s16 =	simm.s32 $0x3;
	s0 =	sand.u32 $0x1, s0;
	s2 =	sshll.u32 s6, $0x1;
	v0 =	vsel vm6, $0x280, v0;
	v1 =	vsel vm6, $0x2280, v1  }
0x8: {  	vm8 =	vcmask $0x1F1C;
	s17 =	simm.s32 $0x2;
	s18 =	simm.s32 $0xC000;
	s2 =	sor.u32 s0, s2;
	v0 =	vsel vm7, $0x300, v0;
	v1 =	vsel vm7, $0x2300, v1  }
0x9: {  	vm9 =	vcmask $0x2320;
	s19 =	simm.s32 $0x4;
	[smem:$0x7FF] =	sst s3;
	s4 =	smul.u32 $0x3D, s2;
	v0 =	vsel vm8, $0x380, v0;
	v1 =	vsel vm8, $0x2380, v1  }
0xa: {  	vm10 =	vcmask $0x2724;
	s5 =	sadd.s32 $0xE00, s5;
	s0 =	ssub.s32 $0x2, s0;
	s2 =	smin.u32 s2, $0x2;
	v0 =	vsel vm9, $0x1000, v0;
	v1 =	vsel vm9, $0x3000, v1  }
0xb: {  	vm11 =	vcmask $0x2B28;
	p0 =	seq.s32 s6, $0x0;
	s30 =	sshrl.u32 s0, $0x1;
	s4 =	sadd.s32 s2, s4;
	v0 =	vsel vm10, $0x1080, v0;
	v1 =	vsel vm10, $0x3080, v1  }
0xc: {  	vm12 =	vcmask $0x2F2C;
	s6 =	simm.s32 $0x3E;
	s0 =	ssub.s32 s0, s30;
	s7 =	sshll.u32 s4, $0x9;
	v0 =	vsel vm11, $0x1100, v0;
	v1 =	vsel vm11, $0x3100, v1  }
0xd: {  	vm13 =	vcmask $0x3330;
	_ =	strace $0x80000047;
	s0 =	smax.u32 s0, $0x1;
	s31 =	sadd.s32 $0x200, s7;
	v0 =	vsel vm12, $0x1180, v0;
	v1 =	vsel vm12, $0x3180, v1  }
0xe: {  	vm14 =	vcmask $0x3734;
	[dreg:$0x5] =	wrdreg s0;
	s7 =	sadd.s32 s1, s7;
	s2 =	sand.u32 $0x1FFFFE00, s31;
	v0 =	vsel vm13, $0x1200, v0;
	v1 =	vsel vm13, $0x3200, v1  }
0xf: {  	s9 =	sadd.s32 $0xF4200, s1;
	vm15 =	vcmask $0x3B38;
	[dreg:$0x3] =	wrdreg s7;
	s2 =	sadd.s32 s1, s2;
	v0 =	vsel vm14, $0x1280, v0;
	v1 =	vsel vm14, $0x3280, v1  }
0x10: {  	s6 =	simm.s32 @!p0 $0x3D;
	[dreg:$0x4] =	wrdreg s2;
	s2 =	simm.s32 $0x0;
	v0 =	vsel vm15, $0x1300, v0;
	v1 =	vsel vm15, $0x3300, v1  }
.LBB2_1:
0x11: {  	[dreg:$0x6] =	wrdreg s2  }
0x12: {  	s0 =	rddreg [dreg:$0x3];
	s30 =	simm.s32 $0x1000;
	s7 =	simm.s32 $0x7A1400  }
0x13: {  	[tilespmem:s3], [sflag:$0x1] =	stream.strided.gather [hbm4b:s0+s30], $0x4000, s7, s30, $0x38;
	[tilespmem:$0x10000] =	vst v63  }
0x14: {  	s31 =	rddreg [dreg:$0x4];
	s21 =	simm.s32 $0x0  }
0x15: {  	[tilespmem:s13], [sflag:$0x2] =	stream.strided.gather [hbm4b:s31+s30], $0x4000, s7, s30, $0x38;
	[tilespmem:$0x10000] =	vst v63  }
.LBB2_2:
0x16: {  	s0 =	simm.s32 $0x0  }
0x17: {  	s25 =	simm.s32 $0x1;
	s2 =	simm.s32 $0x2;
	s26 =	simm.s32 $0x3;
	v2 =	vmov s0  }
0x18: {  	s11 =	simm.s32 $0x4;
	s7 =	simm.s32 $0x5;
	s8 =	simm.s32 $0x6;
	v4 =	vmov s25;
	v5 =	vmov s2;
	v6 =	vmov s26  }
0x19: {  	s10 =	simm.s32 $0x7;
	s12 =	simm.s32 $0x9;
	s15 =	simm.s32 $0xA;
	v7 =	vmov s11;
	v8 =	vmov s7;
	v9 =	vmov s8  }
0x1a: {  	s20 =	simm.s32 $0xB;
	s22 =	simm.s32 $0xC;
	s23 =	simm.s32 $0xD;
	v10 =	vmov s10;
	v12 =	vmov s12;
	v13 =	vmov s15  }
0x1b: {  	s11 =	simm.s32 $0x8;
	v14 =	vmov s20;
	v15 =	vmov s22;
	v16 =	vmov s23  }
0x1c: {  	v3 =	vand.u32 $0x70, v2;
	v2 =	vshll.u32 v2, $0x3;
	v11 =	vmov s11  }
0x1d: {  	v17 =	vand.u32 $0x71, v4;
	v18 =	vand.u32 $0x72, v5;
	v19 =	vand.u32 $0x73, v6  }
0x1e: {  	v20 =	vand.u32 $0x74, v7;
	v21 =	vand.u32 $0x75, v8;
	v22 =	vand.u32 $0x76, v9  }
0x1f: {  	v23 =	vand.u32 $0x77, v10;
	v25 =	vand.u32 $0x79, v12;
	v26 =	vand.u32 $0x7A, v13  }
0x20: {  	v27 =	vand.u32 $0x7B, v14;
	v28 =	vand.u32 $0x7C, v15;
	v29 =	vand.u32 $0x7D, v16  }
0x21: {  	v4 =	vshll.u32 v4, $0x3;
	v5 =	vshll.u32 v5, $0x3;
	v6 =	vshll.u32 v6, $0x3  }
0x22: {  	v7 =	vshll.u32 v7, $0x3;
	v8 =	vshll.u32 v8, $0x3;
	v9 =	vshll.u32 v9, $0x3  }
0x23: {  	s25 =	simm.s32 $0x11;
	v10 =	vshll.u32 v10, $0x3;
	v12 =	vshll.u32 v12, $0x3;
	v13 =	vshll.u32 v13, $0x3  }
0x24: {  	s26 =	simm.s32 $0x12;
	s7 =	simm.s32 $0x13;
	s8 =	simm.s32 $0x14;
	v14 =	vshll.u32 v14, $0x3;
	v15 =	vshll.u32 v15, $0x3;
	v34 =	vmov s25  }
0x25: {  	s10 =	simm.s32 $0x15;
	s12 =	simm.s32 $0x16;
	s15 =	simm.s32 $0x17;
	v35 =	vmov s26;
	v36 =	vmov s7;
	v37 =	vmov s8  }
0x26: {  	v38 =	vmov s10;
	v40 =	vmov s12;
	v62 =	vmov s15  }
0x27: {  	v2 =	vand.u32 $0xC00, v2;
	v24 =	vand.u32 $0x78, v11;
	v11 =	vshll.u32 v11, $0x3  }
0x28: {  	v5 =	vand.u32 $0xC00, v5;
	v6 =	vand.u32 $0xC00, v6;
	v7 =	vand.u32 $0xC00, v7  }
0x29: {  	v8 =	vand.u32 $0xC00, v8;
	v9 =	vand.u32 $0xC00, v9;
	v10 =	vand.u32 $0xC00, v10  }
0x2a: {  	v12 =	vand.u32 $0xC00, v12;
	v13 =	vand.u32 $0xC00, v13;
	v14 =	vand.u32 $0xC00, v14  }
0x2b: {  	v2 =	vor.u32 v3, v2;
	v3 =	vand.u32 $0xC00, v4;
	v4 =	vshll.u32 v16, $0x3  }
0x2c: {  	v5 =	vor.u32 v18, v5;
	v6 =	vor.u32 v19, v6;
	v16 =	vor.u32 v0, v2  }
0x2d: {  	s24 =	simm.s32 $0xF;
	v7 =	vor.u32 v20, v7;
	v8 =	vor.u32 v21, v8;
	v18 =	vor.u32 v0, v5  }
0x2e: {  	_ =	swait.ge [sflag:s14], $0x4000;
	v21 =	vor.u32 v22, v9;
	v9 =	vmov s24;
	v19 =	vor.u32 v0, v6  }
0x2f: {  	[sflag:s14] =	ssyncset.done $0x0;
	v10 =	vor.u32 v23, v10;
	v20 =	vor.u32 v0, v7;
	v23 =	vshll.u32 v9, $0x3  }
0x30: {  	[sflag:s14] =	ssyncadd.s32 $0xFFFFC000;
	v22 =	vor.u32 v0, v8;
	v9 =	vand.u32 $0x7F, v9;
	v23 =	vand.u32 $0xC00, v23  }
0x31: {  	s11 =	simm.s32 $0xE;
	v15 =	vand.u32 $0xC00, v15;
	v30 =	vor.u32 v0, v21;
	v23 =	vor.u32 v9, v23;
	v9 =	vld.idx.msk [tilespmem:v16+s3+$0x0], $0xffff  }
0x32: {  	s25 =	simm.s32 $0x1A;
	v39 =	vmov s11;
	v12 =	vor.u32 v25, v12;
	v31 =	vor.u32 v0, v10;
	v18 =	vld.idx.msk [tilespmem:v18+s3+$0x0], $0xffff  }
0x33: {  	v42 =	vmov s25;
	v15 =	vor.u32 v28, v15;
	v25 =	vor.u32 v0, v12;
	v19 =	vld.idx.msk [tilespmem:v19+s3+$0x0], $0xffff  }
0x34: {  	s26 =	simm.s32 $0x1B;
	v11 =	vand.u32 $0xC00, v11;
	v3 =	vor.u32 v17, v3;
	v28 =	vor.u32 v0, v15;
	v20 =	vld.idx.msk [tilespmem:v20+s3+$0x0], $0xffff  }
0x35: {  	s7 =	simm.s32 $0x1C;
	v43 =	vmov s26;
	v11 =	vor.u32 v24, v11;
	v17 =	vor.u32 v0, v3;
	v22 =	vld.idx.msk [tilespmem:v22+s3+$0x0], $0xffff  }
0x36: {  	s8 =	simm.s32 $0x1D;
	v63 =	vmov s7;
	v4 =	vand.u32 $0xC00, v4;
	v24 =	vor.u32 v0, v11;
	v30 =	vld.idx.msk [tilespmem:v30+s3+$0x0], $0xffff  }
0x37: {  	v44 =	vmov s8;
	v4 =	vor.u32 v29, v4;
	v16 =	vor.u32 v0, v23;
	v31 =	vld.idx.msk [tilespmem:v31+s3+$0x0], $0xffff  }
0x38: {  	v46 =	vand.u32 $0x71, v34;
	v47 =	vand.u32 $0x72, v35;
	v32 =	vor.u32 v0, v4;
	v25 =	vld.idx.msk [tilespmem:v25+s3+$0x0], $0xffff  }
0x39: {  	s23 =	simm.s32 $0x8100;
	v48 =	vand.u32 $0x73, v36;
	v50 =	vand.u32 $0x74, v37;
	v5 =	vor.u32 v1, v5;
	v28 =	vld.idx.msk [tilespmem:v28+s3+$0x0], $0xffff  }
0x3a: {  	v51 =	vand.u32 $0x75, v38;
	v58 =	vshll.u32 v35, $0x3;
	v6 =	vor.u32 v1, v6;
	v17 =	vld.idx.msk [tilespmem:v17+s3+$0x0], $0xffff;
	[tilespmem:s23+$0xFFFFFF40] =	vst v18  }
0x3b: {  	v59 =	vshll.u32 v36, $0x3;
	v13 =	vor.u32 v26, v13;
	v7 =	vor.u32 v1, v7;
	v24 =	vld.idx.msk [tilespmem:v24+s3+$0x0], $0xffff;
	[tilespmem:s23+$0xFFFFFF60] =	vst v19  }
0x3c: {  	v60 =	vshll.u32 v38, $0x3;
	v14 =	vor.u32 v27, v14;
	v15 =	vor.u32 v1, v15;
	v16 =	vld.idx.msk [tilespmem:v16+s3+$0x0], $0xffff;
	[tilespmem:s23+$0xFFFFFF80] =	vst v20  }
0x3d: {  	v61 =	vshll.u32 v40, $0x3;
	v26 =	vor.u32 v0, v13;
	v3 =	vor.u32 v1, v3;
	v20 =	vld.idx.msk [tilespmem:v32+s3+$0x0], $0xffff;
	[tilespmem:s23+$0xFFFFFFA0] =	vst v22  }
0x3e: {  	v41 =	vshll.u32 v39, $0x3;
	v27 =	vor.u32 v0, v14;
	v12 =	vor.u32 v1, v12;
	[tilespmem:s23+$0xFFFFFFC0] =	vst v30;
	v30 =	vld.idx.msk [tilespmem:v5+s3+$0x0], $0xffff  }
0x3f: {  	s22 =	simm.s32 $0x10;
	v35 =	vand.u32 $0xC00, v61;
	v14 =	vor.u32 v1, v14;
	v18 =	vor.u32 v1, v21;
	[tilespmem:s23+$0xFFFFFFE0] =	vst v31;
	v49 =	vld.idx.msk [tilespmem:v6+s3+$0x0], $0xffff  }
0x40: {  	v56 =	vor.u32 v1, v2;
	v29 =	vmov s22;
	v19 =	vor.u32 v1, v10;
	[tilespmem:s23+$0x80] =	vst v28;
	v31 =	vld.idx.msk [tilespmem:v7+s3+$0x0], $0xffff  }
0x41: {  	v33 =	vand.u32 $0x70, v29;
	v29 =	vshll.u32 v29, $0x3;
	v23 =	vor.u32 v1, v23;
	[tilespmem:s23+$0xFFFFFF20] =	vst v17;
	v28 =	vld.idx.msk [tilespmem:v15+s3+$0x0], $0xffff  }
0x42: {  	v11 =	vor.u32 v1, v11;
	v53 =	vor.u32 v1, v4;
	v29 =	vand.u32 $0xC00, v29;
	[tilespmem:s23+$0x20] =	vst v25;
	v45 =	vld.idx.msk [tilespmem:v3+s3+$0x0], $0xffff  }
0x43: {  	v17 =	vor.u32 v1, v8;
	v8 =	vand.u32 $0x7E, v39;
	[tilespmem:s23+$0xE0] =	vst v16;
	v16 =	vld.idx.msk [tilespmem:v26+s3+$0x0], $0xffff;
	v26 =	vand.u32 $0xC00, v41  }
0x44: {  	v4 =	vand.u32 $0x7C, v63;
	v2 =	vor.u32 v33, v29;
	[tilespmem:s23+$0xFFFFFF00] =	vst v9;
	v55 =	vld.idx.msk [tilespmem:v18+s3+$0x0], $0xffff;
	v21 =	vor.u32 v8, v26  }
0x45: {  	v22 =	vor.u32 v1, v13;
	v13 =	vand.u32 $0x76, v40;
	[tilespmem:s23+$0x0] =	vst v24;
	v19 =	vld.idx.msk [tilespmem:v19+s3+$0x0], $0xffff;
	v8 =	vor.u32 v0, v21  }
0x46: {  	v10 =	vand.u32 $0x77, v62;
	v62 =	vshll.u32 v62, $0x3;
	v9 =	vor.u32 v0, v2;
	[tilespmem:s23+$0xA0] =	vst v20;
	v23 =	vld.idx.msk [tilespmem:v23+s3+$0x0], $0xffff  }
0x47: {  	v7 =	vand.u32 $0x7A, v42;
	v5 =	vand.u32 $0x7B, v43;
	v15 =	vand.u32 $0xC00, v59;
	v26 =	vld.idx.msk [tilespmem:v27+s3+$0x0], $0xffff;
	[tilespmem:s23+$0xFFFFFF50] =	vst v30  }
0x48: {  	s24 =	simm.s32 $0x19;
	v36 =	vand.u32 $0xC00, v62;
	v3 =	vand.u32 $0x7D, v44;
	v15 =	vor.u32 v48, v15;
	v54 =	vld.idx.msk [tilespmem:v17+s3+$0x0], $0xffff;
	[tilespmem:s23+$0xFFFFFF70] =	vst v49  }
0x49: {  	s20 =	simm.s32 $0x18;
	v33 =	vor.u32 v0, v15;
	v41 =	vmov s24;
	s24 =	simm.s32 $0x1E0;
	[tilespmem:s23+$0x40] =	vst v16;
	v16 =	vor.u32 v1, v21;
	v21 =	vld.idx.msk [tilespmem:v11+s3+$0x0], $0xffff  }
0x4a: {  	s28 =	simm.s32 $0x1A0;
	v18 =	vshll.u32 v34, $0x3;
	v20 =	vshll.u32 v43, $0x3;
	v27 =	vmov s20;
	s10 =	sor.u32 $0x70, s24;
	[tilespmem:s23+$0xFFFFFF90] =	vst v31;
	v52 =	vld.idx.msk [tilespmem:v8+s3+$0x0], $0xffff  }
0x4b: {  	s28 =	sor.u32 $0x30, s28;
	s15 =	simm.s32 $0xC0;
	v6 =	vand.u32 $0x79, v41;
	v24 =	vshll.u32 v41, $0x3;
	v17 =	vshll.u32 v63, $0x3;
	[tilespmem:s10+$0x8000] =	vst v23;
	v23 =	vld.idx.msk [tilespmem:v12+s3+$0x0], $0xffff  }
0x4c: {  	s12 =	simm.s32 $0x120;
	s11 =	simm.s32 $0xA0;
	s25 =	simm.s32 $0x140;
	v63 =	vand.u32 $0xC00, v60;
	v11 =	vshll.u32 v37, $0x3;
	[tilespmem:s23+$0x60] =	vst v26;
	v25 =	vld.idx.msk [tilespmem:v22+s3+$0x0], $0xffff;
	v12 =	vand.u32 $0xC00, v18  }
0x4d: {  	s26 =	simm.s32 $0x160;
	s7 =	simm.s32 $0x1C0;
	s8 =	sor.u32 $0x50, s15;
	[tilespmem:s23+$0xFFFFFF30] =	vst v45;
	v22 =	vshll.u32 v42, $0x3;
	v26 =	vld.idx.msk [tilespmem:v14+s3+$0x0], $0xffff;
	v14 =	vand.u32 $0xC00, v58;
	v12 =	vor.u32 v46, v12  }
0x4e: {  	s31 =	sor.u32 $0x30, s12;
	s0 =	sor.u32 $0x30, s11;
	s30 =	sor.u32 $0x50, s25;
	v29 =	vld.idx.msk [tilespmem:v53+s3+$0x0], $0xffff;
	[tilespmem:s8+$0x8000] =	vst v55;
	v18 =	vshll.u32 v44, $0x3;
	v32 =	vor.u32 v0, v12;
	v14 =	vor.u32 v47, v14  }
0x4f: {  	s29 =	sor.u32 $0x70, s26;
	s26 =	sor.u32 $0x50, s7;
	s20 =	simm.s32 $0xE0;
	v31 =	vld.idx.msk [tilespmem:v56+s3+$0x0], $0xffff;
	v11 =	vand.u32 $0xC00, v11;
	v8 =	vand.u32 $0x78, v27;
	v34 =	vor.u32 v0, v14;
	[tilespmem:s23+$0xC0] =	vst v52  }
0x50: {  	s11 =	simm.s32 $0x1F;
	s25 =	simm.s32 $0x20;
	s2 =	sor.u32 $0x70, s20;
	[tilespmem:s0+$0x8000] =	vst v54;
	v27 =	vshll.u32 v27, $0x3;
	v30 =	vld.idx.msk [tilespmem:v16+s3+$0x0], $0xffff;
	v16 =	vor.u32 v50, v11;
	v11 =	vor.u32 v51, v63  }
.LBB2_3:
0x51: {  	p0 =	slt.u32 s25, $0x1F0;
	v37 =	vor.u32 v0, v16;
	v13 =	vor.u32 v13, v35;
	v35 =	vmov s11;
	[tilespmem:s2+$0x8000] =	vst v19  }
0x52: {  	v19 =	vor.u32 v0, v11;
	v10 =	vor.u32 v10, v36;
	v9 =	vld.idx.msk [tilespmem:v9+s3+$0x0], $0xffff;
	v36 =	vshll.u32 v35, $0x3;
	[tilespmem:s23+$0x10] =	vst v21  }
0x53: {  	v35 =	vand.u32 $0x7F, v35;
	v21 =	vld.idx.msk [tilespmem:v32+s3+$0x0], $0xffff;
	v32 =	vor.u32 v0, v13;
	v36 =	vand.u32 $0xC00, v36;
	[tilespmem:s31+$0x8000] =	vst v23  }
0x54: {  	v27 =	vand.u32 $0xC00, v27;
	v23 =	vld.idx.msk [tilespmem:v34+s3+$0x0], $0xffff;
	v34 =	vor.u32 v0, v10;
	v35 =	vor.u32 v35, v36;
	[tilespmem:s30+$0x8000] =	vst v25  }
0x55: {  	v24 =	vand.u32 $0xC00, v24;
	v8 =	vor.u32 v8, v27;
	v25 =	vld.idx.msk [tilespmem:v33+s3+$0x0], $0xffff;
	v27 =	vor.u32 v0, v35;
	[tilespmem:s29+$0x8000] =	vst v26  }
0x56: {  	v22 =	vand.u32 $0xC00, v22;
	v6 =	vor.u32 v6, v24;
	v33 =	vor.u32 v0, v8;
	v26 =	vld.idx.msk [tilespmem:v37+s3+$0x0], $0xffff;
	[tilespmem:s23+$0x90] =	vst v28  }
0x57: {  	v20 =	vand.u32 $0xC00, v20;
	v7 =	vor.u32 v7, v22;
	v24 =	vor.u32 v0, v6;
	v19 =	vld.idx.msk [tilespmem:v19+s3+$0x0], $0xffff;
	[tilespmem:s28+$0x8000] =	vst v29  }
0x58: {  	v17 =	vand.u32 $0xC00, v17;
	v5 =	vor.u32 v5, v20;
	v28 =	vor.u32 v0, v7;
	v22 =	vld.idx.msk [tilespmem:v32+s3+$0x0], $0xffff;
	[tilespmem:s26+$0x8000] =	vst v30  }
0x59: {  	v4 =	vor.u32 v4, v17;
	v17 =	vand.u32 $0xC00, v18;
	v29 =	vor.u32 v0, v5;
	v20 =	vld.idx.msk [tilespmem:v34+s3+$0x0], $0xffff;
	[tilespmem:s23+$0xFFFFFF10] =	vst v31  }
0x5a: {  	v3 =	vor.u32 v3, v17;
	v30 =	vor.u32 v0, v4;
	v17 =	vld.idx.msk [tilespmem:v27+s3+$0x0], $0xffff  }
0x5b: {  	v32 =	vor.u32 v0, v3;
	v27 =	vmov s25;
	v31 =	vld.idx.msk [tilespmem:v33+s3+$0x0], $0xffff  }
0x5c: {  	s0 =	sadd.s32 $0x1, s25;
	s2 =	sadd.s32 $0x2, s25;
	v18 =	vand.u32 $0x70, v27;
	v27 =	vshll.u32 v27, $0x3;
	v33 =	vor.u32 v1, v35;
	v24 =	vld.idx.msk [tilespmem:v24+s3+$0x0], $0xffff  }
0x5d: {  	v12 =	vor.u32 v1, v12;
	v34 =	vmov s0;
	s0 =	sadd.s32 $0x3, s25;
	v35 =	vmov s2;
	s2 =	sadd.s32 $0x4, s25;
	v28 =	vld.idx.msk [tilespmem:v28+s3+$0x0], $0xffff  }
0x5e: {  	v14 =	vor.u32 v1, v14;
	v36 =	vmov s0;
	s0 =	sadd.s32 $0x5, s25;
	v37 =	vmov s2;
	s2 =	sadd.s32 $0xE, s22;
	s22 =	smov.u32 s25;
	v29 =	vld.idx.msk [tilespmem:v29+s3+$0x0], $0xffff  }
0x5f: {  	v15 =	vor.u32 v1, v15;
	s23 =	sadd.s32 $0x200, s23;
	v38 =	vmov s0;
	s0 =	sadd.s32 $0x6, s25;
	v39 =	vmov s2;
	v30 =	vld.idx.msk [tilespmem:v30+s3+$0x0], $0xffff  }
0x60: {  	v16 =	vor.u32 v1, v16;
	v40 =	vmov s0;
	v41 =	vshll.u32 v39, $0x3;
	v32 =	vld.idx.msk [tilespmem:v32+s3+$0x0], $0xffff;
	[tilespmem:s23+$0xE0] =	vst v17  }
0x61: {  	v11 =	vor.u32 v1, v11;
	s0 =	sadd.s32 $0x7, s25;
	v17 =	vand.u32 $0x7E, v39;
	[tilespmem:s23+$0xFFFFFF20] =	vst v21;
	v21 =	vand.u32 $0xC00, v41;
	v33 =	vld.idx.msk [tilespmem:v33+s3+$0x0], $0xffff  }
0x62: {  	v13 =	vor.u32 v1, v13;
	s2 =	sadd.s32 $0x9, s25;
	v39 =	vmov s0;
	s0 =	sadd.s32 $0x8, s25;
	v12 =	vld.idx.msk [tilespmem:v12+s3+$0x0], $0xffff;
	[tilespmem:s23+$0xFFFFFF40] =	vst v23;
	v17 =	vor.u32 v17, v21  }
0x63: {  	v42 =	vmov s2;
	s2 =	sadd.s32 $0xB, s25;
	v41 =	vmov s0;
	s0 =	sadd.s32 $0xA, s25;
	v14 =	vld.idx.msk [tilespmem:v14+s3+$0x0], $0xffff;
	[tilespmem:s23+$0xFFFFFF60] =	vst v25;
	v21 =	vor.u32 v0, v17  }
0x64: {  	v44 =	vmov s2;
	s2 =	sadd.s32 $0xD, s25;
	v43 =	vmov s0;
	s0 =	sadd.s32 $0xC, s25;
	v23 =	vor.u32 v1, v10;
	v15 =	vld.idx.msk [tilespmem:v15+s3+$0x0], $0xffff;
	[tilespmem:s23+$0xFFFFFF80] =	vst v26  }
0x65: {  	s24 =	sadd.s32 $0x200, s24;
	v46 =	vmov s2;
	v45 =	vmov s0;
	v25 =	vor.u32 v1, v8;
	v16 =	vld.idx.msk [tilespmem:v16+s3+$0x0], $0xffff;
	[tilespmem:s23+$0xFFFFFFA0] =	vst v19  }
0x66: {  	s7 =	sor.u32 $0x70, s24;
	v48 =	vand.u32 $0x71, v34;
	v47 =	vand.u32 $0xC00, v27;
	s2 =	sadd.s32 $0xFFFFFEE0, s24;
	s0 =	sadd.s32 $0xFFFFFEC0, s24;
	v11 =	vld.idx.msk [tilespmem:v11+s3+$0x0], $0xffff;
	[tilespmem:s23+$0xFFFFFFC0] =	vst v22;
	v22 =	vor.u32 v1, v6  }
0x67: {  	s8 =	sadd.s32 $0xFFFFFF00, s24;
	s12 =	sadd.s32 $0xFFFFFF40, s24;
	s26 =	sadd.s32 $0xFFFFFF60, s24;
	v50 =	vand.u32 $0x73, v36;
	v49 =	vand.u32 $0x72, v35;
	v26 =	vor.u32 v1, v7;
	v51 =	vld.idx.msk [tilespmem:v13+s3+$0x0], $0xffff;
	[tilespmem:s7+$0x8000] =	vst v33  }
0x68: {  	s10 =	sadd.s32 $0xFFFFFFE0, s24;
	s28 =	sadd.s32 $0xFFFFFFC0, s24;
	v53 =	vand.u32 $0x75, v38;
	v52 =	vand.u32 $0x74, v37;
	s7 =	sadd.s32 $0xFFFFFF80, s24;
	[tilespmem:s23+$0xFFFFFFE0] =	vst v20;
	v20 =	vor.u32 v1, v5;
	v33 =	vld.idx.msk [tilespmem:v21+s3+$0x0], $0xffff  }
0x69: {  	v27 =	vor.u32 v1, v4;
	v10 =	vand.u32 $0x77, v39;
	s11 =	sor.u32 $0x30, s0;
	s0 =	sor.u32 $0x50, s2;
	s2 =	sor.u32 $0x70, s8;
	v13 =	vand.u32 $0x76, v40;
	v19 =	vld.idx.msk [tilespmem:v23+s3+$0x0], $0xffff;
	[tilespmem:s23+$0x0] =	vst v31  }
0x6a: {  	s31 =	sor.u32 $0x30, s12;
	s30 =	sor.u32 $0x50, s26;
	v8 =	vand.u32 $0x78, v41;
	v6 =	vand.u32 $0x79, v42;
	s29 =	sor.u32 $0x70, s7;
	v31 =	vor.u32 v1, v3;
	v21 =	vld.idx.msk [tilespmem:v25+s3+$0x0], $0xffff;
	[tilespmem:s23+$0x20] =	vst v24  }
0x6b: {  	s28 =	sor.u32 $0x30, s28;
	s26 =	sor.u32 $0x50, s10;
	v54 =	vor.u32 v1, v17;
	v7 =	vand.u32 $0x7A, v43;
	v5 =	vand.u32 $0x7B, v44;
	v23 =	vld.idx.msk [tilespmem:v22+s3+$0x0], $0xffff;
	[tilespmem:s23+$0x40] =	vst v28  }
0x6c: {  	v55 =	vor.u32 v1, v2;
	v4 =	vand.u32 $0x7C, v45;
	v3 =	vand.u32 $0x7D, v46;
	v25 =	vld.idx.msk [tilespmem:v26+s3+$0x0], $0xffff;
	[tilespmem:s23+$0x60] =	vst v29  }
0x6d: {  	v34 =	vshll.u32 v34, $0x3;
	v36 =	vshll.u32 v36, $0x3;
	v35 =	vshll.u32 v35, $0x3;
	v26 =	vld.idx.msk [tilespmem:v20+s3+$0x0], $0xffff;
	[tilespmem:s23+$0x80] =	vst v30  }
0x6e: {  	v38 =	vshll.u32 v38, $0x3;
	v37 =	vshll.u32 v37, $0x3;
	v40 =	vshll.u32 v40, $0x3;
	v28 =	vld.idx.msk [tilespmem:v27+s3+$0x0], $0xffff;
	[tilespmem:s23+$0xA0] =	vst v32  }
0x6f: {  	v39 =	vshll.u32 v39, $0x3;
	v24 =	vshll.u32 v42, $0x3;
	v27 =	vshll.u32 v41, $0x3;
	v29 =	vld.idx.msk [tilespmem:v31+s3+$0x0], $0xffff;
	[tilespmem:s23+$0xC0] =	vst v33  }
0x70: {  	v17 =	vshll.u32 v45, $0x3;
	v22 =	vshll.u32 v43, $0x3;
	v20 =	vshll.u32 v44, $0x3;
	[tilespmem:s23+$0xFFFFFF00] =	vst v9;
	v30 =	vld.idx.msk [tilespmem:v54+s3+$0x0], $0xffff  }
0x71: {  	v2 =	vor.u32 v18, v47;
	v18 =	vshll.u32 v46, $0x3;
	v32 =	vand.u32 $0xC00, v34;
	v31 =	vld.idx.msk [tilespmem:v55+s3+$0x0], $0xffff;
	[tilespmem:s23+$0xFFFFFF30] =	vst v12  }
.Ltmp0:
0x72: {  	v36 =	vand.u32 $0xC00, v36;
	v37 =	vand.u32 $0xC00, v37;
	v33 =	vand.u32 $0xC00, v35;
	[tilespmem:s23+$0xFFFFFF50] =	vst v14;
	(pc) =	sbr.rel @p0 .LBB2_3-.Ltmp0, $4  }
0x73: {  	v38 =	vand.u32 $0xC00, v38;
	v9 =	vor.u32 v0, v2;
	v12 =	vor.u32 v48, v32;
	[tilespmem:s23+$0xFFFFFF70] =	vst v15  }
0x74: {  	v35 =	vand.u32 $0xC00, v40;
	v32 =	vor.u32 v0, v12;
	v14 =	vor.u32 v49, v33;
	[tilespmem:s23+$0xFFFFFF90] =	vst v16  }
0x75: {  	v34 =	vor.u32 v0, v14;
	v15 =	vor.u32 v50, v36;
	v36 =	vand.u32 $0xC00, v39;
	[tilespmem:s11+$0x8000] =	vst v11  }
0x76: {  	s25 =	sadd.s32 $0x10, s25;
	v33 =	vor.u32 v0, v15;
	v16 =	vor.u32 v52, v37;
	v11 =	vor.u32 v53, v38;
	s11 =	sadd.s32 $0xF, s22;
	[tilespmem:s0+$0x8000] =	vst v51  }
0x77: {  	[tilespmem:s2+$0x8000] =	vst v19  }
0x78: {  	[tilespmem:s23+$0x10] =	vst v21  }
0x79: {  	[tilespmem:s31+$0x8000] =	vst v23  }
0x7a: {  	v19 =	vor.u32 v0, v16;
	[tilespmem:s30+$0x8000] =	vst v25  }
0x7b: {  	v13 =	vor.u32 v13, v35;
	v21 =	vor.u32 v0, v11;
	[tilespmem:s29+$0x8000] =	vst v26;
	v25 =	vld.idx.msk [tilespmem:v32+s3+$0x0], $0xffff  }
0x7c: {  	v10 =	vor.u32 v10, v36;
	[tilespmem:s23+$0x90] =	vst v28;
	v28 =	vld.idx.msk [tilespmem:v34+s3+$0x0], $0xffff;
	v26 =	vor.u32 v0, v13  }
0x7d: {  	v37 =	vmov s11;
	[tilespmem:s28+$0x8000] =	vst v29;
	v29 =	vld.idx.msk [tilespmem:v33+s3+$0x0], $0xffff;
	v57 =	vor.u32 v0, v10  }
0x7e: {  	v27 =	vand.u32 $0xC00, v27;
	v24 =	vand.u32 $0xC00, v24;
	[tilespmem:s26+$0x8000] =	vst v30;
	v12 =	vor.u32 v1, v12;
	v9 =	vld.idx.msk [tilespmem:v9+s3+$0x0], $0xffff  }
0x7f: {  	v22 =	vand.u32 $0xC00, v22;
	v20 =	vand.u32 $0xC00, v20;
	[tilespmem:s23+$0xFFFFFF10] =	vst v31;
	s0 =	sadd.s32 $0x200, s23;
	v14 =	vor.u32 v1, v14;
	v19 =	vld.idx.msk [tilespmem:v19+s3+$0x0], $0xffff  }
0x80: {  	v15 =	vor.u32 v1, v15;
	v2 =	vor.u32 v1, v2;
	v38 =	vshll.u32 v37, $0x3;
	v21 =	vld.idx.msk [tilespmem:v21+s3+$0x0], $0xffff;
	[tilespmem:s0+$0xFFFFFF20] =	vst v25  }
0x81: {  	v37 =	vand.u32 $0x7F, v37;
	v8 =	vor.u32 v8, v27;
	v5 =	vor.u32 v5, v20;
	[tilespmem:s0+$0xFFFFFF40] =	vst v28;
	v20 =	vld.idx.msk [tilespmem:v26+s3+$0x0], $0xffff  }
0x82: {  	v6 =	vor.u32 v6, v24;
	v38 =	vand.u32 $0xC00, v38;
	v58 =	vor.u32 v0, v8;
	[tilespmem:s0+$0xFFFFFF60] =	vst v29;
	v28 =	vld.idx.msk [tilespmem:v57+s3+$0x0], $0xffff  }
0x83: {  	v17 =	vand.u32 $0xC00, v17;
	v24 =	vor.u32 v0, v6;
	v37 =	vor.u32 v37, v38;
	[tilespmem:s0+$0xFFFFFF00] =	vst v9;
	v12 =	vld.idx.msk [tilespmem:v12+s3+$0x0], $0xffff  }
0x84: {  	s10 =	sadd.s32 $0xE, s22;
	v18 =	vand.u32 $0xC00, v18;
	v7 =	vor.u32 v7, v22;
	v38 =	vor.u32 v0, v37;
	v14 =	vld.idx.msk [tilespmem:v14+s3+$0x0], $0xffff;
	[tilespmem:s0+$0xFFFFFF80] =	vst v19  }
0x85: {  	v4 =	vor.u32 v4, v17;
	v17 =	vmov s10;
	v22 =	vor.u32 v0, v7;
	v15 =	vld.idx.msk [tilespmem:v15+s3+$0x0], $0xffff;
	[tilespmem:s0+$0xFFFFFFA0] =	vst v21  }
0x86: {  	v16 =	vor.u32 v1, v16;
	v25 =	vor.u32 v0, v4;
	v26 =	vshll.u32 v17, $0x3;
	v2 =	vld.idx.msk [tilespmem:v2+s3+$0x0], $0xffff;
	[tilespmem:s0+$0xFFFFFFC0] =	vst v20  }
0x87: {  	v3 =	vor.u32 v3, v18;
	v17 =	vand.u32 $0x7E, v17;
	v18 =	vand.u32 $0xC00, v26;
	v26 =	vld.idx.msk [tilespmem:v58+s3+$0x0], $0xffff;
	[tilespmem:s0+$0xFFFFFFE0] =	vst v28  }
0x88: {  	v13 =	vor.u32 v1, v13;
	v17 =	vor.u32 v17, v18;
	v18 =	vld.idx.msk [tilespmem:v24+s3+$0x0], $0xffff;
	[tilespmem:s0+$0xFFFFFF30] =	vst v12  }
0x89: {  	v10 =	vor.u32 v1, v10;
	v23 =	vld.idx.msk [tilespmem:v38+s3+$0x0], $0xffff;
	[tilespmem:s0+$0xFFFFFF50] =	vst v14  }
0x8a: {  	v8 =	vor.u32 v1, v8;
	v21 =	vld.idx.msk [tilespmem:v22+s3+$0x0], $0xffff;
	[tilespmem:s0+$0xFFFFFF70] =	vst v15  }
0x8b: {  	v27 =	vor.u32 v1, v37;
	v22 =	vld.idx.msk [tilespmem:v25+s3+$0x0], $0xffff;
	[tilespmem:s0+$0xFFFFFF10] =	vst v2  }
0x8c: {  	v19 =	vor.u32 v0, v17;
	v16 =	vld.idx.msk [tilespmem:v16+s3+$0x0], $0xffff;
	[tilespmem:s0+$0x0] =	vst v26  }
0x8d: {  	v11 =	vor.u32 v1, v11;
	v9 =	vld.idx.msk [tilespmem:v13+s3+$0x0], $0xffff;
	[tilespmem:s0+$0x20] =	vst v18  }
0x8e: {  	v10 =	vld.idx.msk [tilespmem:v10+s3+$0x0], $0xffff;
	[tilespmem:s0+$0xE0] =	vst v23;
	v23 =	vor.u32 v0, v5  }
0x8f: {  	s11 =	sadd.s32 $0x200, s24;
	v29 =	vor.u32 v0, v3;
	v8 =	vld.idx.msk [tilespmem:v8+s3+$0x0], $0xffff;
	[tilespmem:s0+$0x40] =	vst v21  }
0x90: {  	s8 =	sadd.s32 $0xFFFFFEE0, s11;
	v7 =	vor.u32 v1, v7;
	v27 =	vld.idx.msk [tilespmem:v27+s3+$0x0], $0xffff;
	[tilespmem:s0+$0x80] =	vst v22  }
0x91: {  	s10 =	sadd.s32 $0xFFFFFF00, s11;
	v6 =	vor.u32 v1, v6;
	s8 =	sor.u32 $0x50, s8;
	v19 =	vld.idx.msk [tilespmem:v19+s3+$0x0], $0xffff;
	[tilespmem:s0+$0xFFFFFF90] =	vst v16  }
0x92: {  	s15 =	sor.u32 $0x70, s10;
	v4 =	vor.u32 v1, v4;
	v11 =	vld.idx.msk [tilespmem:v11+s3+$0x0], $0xffff;
	[tilespmem:s8+$0x8000] =	vst v9  }
0x93: {  	v12 =	vor.u32 v1, v17;
	[tilespmem:s15+$0x8000] =	vst v10;
	v20 =	vld.idx.msk [tilespmem:v23+s3+$0x0], $0xffff  }
0x94: {  	s7 =	sor.u32 $0x70, s11;
	v5 =	vor.u32 v1, v5;
	[tilespmem:s0+$0x10] =	vst v8;
	v23 =	vld.idx.msk [tilespmem:v29+s3+$0x0], $0xffff  }
0x95: {  	s12 =	sadd.s32 $0xFFFFFEC0, s11;
	v3 =	vor.u32 v1, v3;
	v7 =	vld.idx.msk [tilespmem:v7+s3+$0x0], $0xffff;
	[tilespmem:s7+$0x8000] =	vst v27  }
0x96: {  	v6 =	vld.idx.msk [tilespmem:v6+s3+$0x0], $0xffff;
	[tilespmem:s0+$0xC0] =	vst v19;
	s7 =	sor.u32 $0x30, s12  }
0x97: {  	v4 =	vld.idx.msk [tilespmem:v4+s3+$0x0], $0xffff;
	[tilespmem:s7+$0x8000] =	vst v11  }
0x98: {  	s22 =	sadd.s32 $0xFFFFFF60, s11;
	v8 =	vld.idx.msk [tilespmem:v12+s3+$0x0], $0xffff;
	[tilespmem:s0+$0x60] =	vst v20  }
0x99: {  	s20 =	sadd.s32 $0xFFFFFF40, s11;
	s7 =	sor.u32 $0x50, s22;
	s22 =	sshll.u32 s21, $0x1;
	[tilespmem:s0+$0xA0] =	vst v23;
	v5 =	vld.idx.msk [tilespmem:v5+s3+$0x0], $0xffff  }
0x9a: {  	s8 =	sor.u32 $0x30, s20;
	[tilespmem:s7+$0x8000] =	vst v7;
	p0 =	slt.u32 s22, s6;
	s7 =	smov.u32 s22;
	v3 =	vld.idx.msk [tilespmem:v3+s3+$0x0], $0xffff  }
0x9b: {  	s23 =	sadd.s32 $0xFFFFFF80, s11;
	s2 =	sadd.s32 $0xFFFFFFE0, s11;
	[tilespmem:s8+$0x8000] =	vst v6;
	s7 =	simm.s32 @!p0 $0x0  }
0x9c: {  	s25 =	sadd.s32 $0xFFFFFFC0, s11;
	s2 =	sor.u32 $0x50, s2;
	[tilespmem:s0+$0x90] =	vst v4;
	s7 =	sadd.s32 s4, s7  }
0x9d: {  	s24 =	sor.u32 $0x70, s23;
	s0 =	sadd.s32 $0x2, s22;
	s7 =	sshll.u32 s7, $0xB;
	[tilespmem:s2+$0x8000] =	vst v8  }
0x9e: {  	s26 =	sor.u32 $0x30, s25;
	p0 =	slt.u32 s0, s6;
	s10 =	sand.u32 $0x1FFFF800, s7;
	[tilespmem:s24+$0x8000] =	vst v5  }
0x9f: {  	s12 =	simm.s32 $0x8000;
	s0 =	simm.s32 @!p0 $0x0;
	s11 =	sadd.s32 s5, s10;
	[tilespmem:s26+$0x8000] =	vst v3  }
0xa0: {  	[hbm4b:s11+s3] =	stream.linear.scatter [tilespmem:s12], [sflag:$0x3], $0x4000, $0x38;
	[tilespmem:$0x10000] =	vst v63  }
0xa1: {  	s0 =	sadd.s32 s4, s0;
	_ =	swait.ge [sflag:s16], $0x4000  }
0xa2: {  	p0 =	seq.s32 s0, $0x7A1;
	[sflag:s16] =	ssyncset.done $0x0  }
0xa3: {  	s2 =	simm.s32 @p0 $0x0;
	[sflag:s16] =	ssyncadd.s32 $0xFFFFC000  }
0xa4: {  	[tilespmem:s2], [sflag:$0x1] =	stream.linear.gather @p0 [hbm4b:s9+s2], $0x400, $0x38;
	[tilespmem:$0x10000] =	vst v63  }
0xa5: {  	s7 =	simm.s32 @p0 $0x1000;
	s12 =	sadd.s32 @p0 $0xF4280, s9  }
0xa6: {  	[tilespmem:s7], [sflag:$0x1] =	stream.linear.gather @p0 [hbm4b:s12+s2], $0x400, $0x38;
	[tilespmem:$0x10000] =	vst v63  }
0xa7: {  	s11 =	sadd.s32 @p0 $0x1E8500, s9;
	s7 =	simm.s32 @p0 $0x2000  }
0xa8: {  	[tilespmem:s7], [sflag:$0x1] =	stream.linear.gather @p0 [hbm4b:s11+s2], $0x400, $0x38;
	[tilespmem:$0x10000] =	vst v63  }
0xa9: {  	s15 =	simm.s32 $0x0;
	s23 =	sadd.s32 @p0 $0x2DC780, s9;
	s7 =	simm.s32 @p0 $0x3000  }
0xaa: {  	[tilespmem:s7], [sflag:$0x1] =	stream.linear.gather @p0 [hbm4b:s23+s2], $0x400, $0x38;
	[tilespmem:$0x10000] =	vst v63  }
0xab: {  	s25 =	simm.s32 $0x3;
	v2 =	vmov s15;
	s15 =	simm.s32 $0x6;
	s7 =	simm.s32 @p0 $0x400  }
0xac: {  	[tilespmem:s7], [sflag:$0x1] =	stream.linear.gather @p0 [hbm4b:s9+s2], $0x400, $0x38;
	[tilespmem:$0x10000] =	vst v63  }
0xad: {  	s20 =	simm.s32 $0x1;
	v9 =	vmov s15;
	s15 =	simm.s32 $0xB;
	s7 =	simm.s32 @p0 $0x1400  }
0xae: {  	[tilespmem:s7], [sflag:$0x1] =	stream.linear.gather @p0 [hbm4b:s12+s2], $0x400, $0x38;
	[tilespmem:$0x10000] =	vst v63  }
0xaf: {  	v6 =	vmov s25;
	s25 =	simm.s32 $0x9;
	v14 =	vmov s15;
	s15 =	simm.s32 $0x14;
	s7 =	simm.s32 @p0 $0x2400  }
0xb0: {  	v19 =	vand.u32 $0x73, v6;
	v22 =	vand.u32 $0x76, v9;
	v6 =	vshll.u32 v6, $0x3;
	[tilespmem:s7], [sflag:$0x1] =	stream.linear.gather @p0 [hbm4b:s11+s2], $0x400, $0x38;
	[tilespmem:$0x10000] =	vst v63  }
0xb1: {  	v9 =	vshll.u32 v9, $0x3;
	v4 =	vmov s20;
	s20 =	simm.s32 $0x7;
	v12 =	vmov s25;
	s25 =	simm.s32 $0xD;
	s7 =	simm.s32 @p0 $0x3400  }
0xb2: {  	v27 =	vand.u32 $0x7B, v14;
	v14 =	vshll.u32 v14, $0x3;
	v6 =	vand.u32 $0xC00, v6;
	[tilespmem:s7], [sflag:$0x1] =	stream.linear.gather @p0 [hbm4b:s23+s2], $0x400, $0x38;
	[tilespmem:$0x10000] =	vst v63  }
0xb3: {  	v9 =	vand.u32 $0xC00, v9;
	v60 =	vmov s15;
	s15 =	simm.s32 $0x1C;
	v10 =	vmov s20;
	s24 =	simm.s32 $0x2;
	s7 =	simm.s32 @p0 $0x800  }
0xb4: {  	v16 =	vmov s25;
	v17 =	vand.u32 $0x71, v4;
	v25 =	vand.u32 $0x79, v12;
	[tilespmem:s7], [sflag:$0x1] =	stream.linear.gather @p0 [hbm4b:s9+s2], $0x400, $0x38;
	[tilespmem:$0x10000] =	vst v63  }
0xb5: {  	s20 =	simm.s32 $0xC;
	v4 =	vshll.u32 v4, $0x3;
	v12 =	vshll.u32 v12, $0x3;
	v5 =	vmov s24;
	s24 =	simm.s32 $0x8;
	s7 =	simm.s32 @p0 $0x1800  }
0xb6: {  	v6 =	vor.u32 v19, v6;
	v14 =	vand.u32 $0xC00, v14;
	v63 =	vmov s15;
	[tilespmem:s7], [sflag:$0x1] =	stream.linear.gather @p0 [hbm4b:s12+s2], $0x400, $0x38;
	[tilespmem:$0x10000] =	vst v63  }
0xb7: {  	s25 =	simm.s32 $0xE;
	v50 =	vand.u32 $0x74, v60;
	v15 =	vmov s20;
	v11 =	vmov s24;
	s24 =	simm.s32 @p0 $0x2800  }
0xb8: {  	v29 =	vand.u32 $0x7D, v16;
	v19 =	vor.u32 v0, v6;
	v12 =	vand.u32 $0xC00, v12;
	[tilespmem:s24], [sflag:$0x1] =	stream.linear.gather @p0 [hbm4b:s11+s2], $0x400, $0x38;
	[tilespmem:$0x10000] =	vst v63  }
0xb9: {  	v14 =	vor.u32 v27, v14;
	v6 =	vor.u32 v1, v6;
	v39 =	vmov s25;
	s7 =	simm.s32 @p0 $0x3800  }
0xba: {  	v23 =	vand.u32 $0x77, v10;
	v28 =	vand.u32 $0x7C, v15;
	v10 =	vshll.u32 v10, $0x3;
	[tilespmem:s7], [sflag:$0x1] =	stream.linear.gather @p0 [hbm4b:s23+s2], $0x400, $0x38;
	[tilespmem:$0x10000] =	vst v63  }
0xbb: {  	s20 =	simm.s32 $0x15;
	v15 =	vshll.u32 v15, $0x3;
	v12 =	vor.u32 v25, v12;
	v27 =	vor.u32 v0, v14;
	s10 =	simm.s32 $0x5;
	s7 =	simm.s32 @p0 $0xC00  }
0xbc: {  	v61 =	vmov s20;
	v10 =	vand.u32 $0xC00, v10;
	v8 =	vmov s10;
	[tilespmem:s7], [sflag:$0x1] =	stream.linear.gather @p0 [hbm4b:s9+s2], $0x400, $0x38;
	[tilespmem:$0x10000] =	vst v63  }
0xbd: {  	v41 =	vshll.u32 v39, $0x3;
	v10 =	vor.u32 v23, v10;
	v21 =	vand.u32 $0x75, v8;
	s0 =	sshll.u32 @!p0 s0, $0x9;
	s26 =	simm.s32 $0x4;
	s7 =	simm.s32 @p0 $0x1C00  }
0xbe: {  	v8 =	vshll.u32 v8, $0x3;
	v3 =	vand.u32 $0x70, v2;
	v2 =	vshll.u32 v2, $0x3;
	[tilespmem:s7], [sflag:$0x1] =	stream.linear.gather @p0 [hbm4b:s12+s2], $0x400, $0x38;
	[tilespmem:$0x10000] =	vst v63  }
0xbf: {  	v8 =	vand.u32 $0xC00, v8;
	s0 =	sand.u32 @!p0 $0x1FFFFE00, s0;
	v7 =	vmov s26;
	s26 =	simm.s32 $0xA;
	v2 =	vand.u32 $0xC00, v2;
	s7 =	simm.s32 @p0 $0x2C00  }
0xc0: {  	v8 =	vor.u32 v21, v8;
	v21 =	vor.u32 v22, v9;
	v13 =	vmov s26;
	[tilespmem:s7], [sflag:$0x1] =	stream.linear.gather @p0 [hbm4b:s11+s2], $0x400, $0x38;
	[tilespmem:$0x10000] =	vst v63  }
0xc1: {  	s8 =	simm.s32 @!p0 $0x0;
	s0 =	sadd.s32 @!p0 s1, s0;
	v18 =	vand.u32 $0x72, v5;
	v20 =	vand.u32 $0x74, v7;
	v5 =	vshll.u32 v5, $0x3;
	s7 =	simm.s32 @p0 $0x3C00  }
0xc2: {  	v2 =	vor.u32 v3, v2;
	v3 =	vand.u32 $0xC00, v4;
	v4 =	vshll.u32 v16, $0x3;
	[tilespmem:s7], [sflag:$0x1] =	stream.linear.gather @p0 [hbm4b:s23+s2], $0x400, $0x38;
	[tilespmem:$0x10000] =	vst v63  }
0xc3: {  	s26 =	simm.s32 $0xF;
	v5 =	vand.u32 $0xC00, v5;
	v16 =	vor.u32 v0, v2;
	v3 =	vor.u32 v17, v3;
	s2 =	simm.s32 @!p0 $0x1000;
	s7 =	simm.s32 @!p0 $0x7A1400  }
0xc4: {  	v7 =	vshll.u32 v7, $0x3;
	v5 =	vor.u32 v18, v5;
	v17 =	vor.u32 v0, v3;
	[tilespmem:s8], [sflag:$0x1] =	stream.strided.gather @!p0 [hbm4b:s0+s2], $0x4000, s7, s2, $0x38;
	[tilespmem:$0x10000] =	vst v63  }
0xc5: {  	v7 =	vand.u32 $0xC00, v7;
	v9 =	vmov s26;
	v18 =	vor.u32 v0, v5;
	_ =	swait.ge [sflag:s17], $0x4000  }
0xc6: {  	v22 =	vor.u32 v0, v8;
	v7 =	vor.u32 v20, v7;
	v23 =	vshll.u32 v9, $0x3;
	[sflag:s17] =	ssyncset.done $0x0  }
0xc7: {  	v9 =	vand.u32 $0x7F, v9;
	v20 =	vor.u32 v0, v7;
	v23 =	vand.u32 $0xC00, v23;
	[sflag:s17] =	ssyncadd.s32 $0xFFFFC000  }
0xc8: {  	v24 =	vand.u32 $0x78, v11;
	v11 =	vshll.u32 v11, $0x3;
	v23 =	vor.u32 v9, v23;
	v9 =	vld.idx.msk [tilespmem:v16+s13+$0x0], $0xffff  }
0xc9: {  	v14 =	vor.u32 v1, v14;
	v30 =	vor.u32 v0, v21;
	v11 =	vand.u32 $0xC00, v11;
	v17 =	vld.idx.msk [tilespmem:v17+s13+$0x0], $0xffff  }
0xca: {  	s20 =	simm.s32 $0x1D;
	v25 =	vor.u32 v0, v12;
	v31 =	vor.u32 v0, v10;
	v11 =	vor.u32 v24, v11;
	v18 =	vld.idx.msk [tilespmem:v18+s13+$0x0], $0xffff  }
0xcb: {  	v15 =	vand.u32 $0xC00, v15;
	v44 =	vmov s20;
	v24 =	vor.u32 v0, v11;
	v19 =	vld.idx.msk [tilespmem:v19+s13+$0x0], $0xffff  }
0xcc: {  	v12 =	vor.u32 v1, v12;
	v51 =	vand.u32 $0x75, v61;
	v15 =	vor.u32 v28, v15;
	v20 =	vld.idx.msk [tilespmem:v20+s13+$0x0], $0xffff  }
0xcd: {  	v28 =	vor.u32 v0, v15;
	v15 =	vor.u32 v1, v15;
	s10 =	simm.s32 $0x11;
	v4 =	vand.u32 $0xC00, v4;
	v22 =	vld.idx.msk [tilespmem:v22+s13+$0x0], $0xffff  }
0xce: {  	v34 =	vmov s10;
	v4 =	vor.u32 v29, v4;
	v16 =	vor.u32 v0, v23;
	v30 =	vld.idx.msk [tilespmem:v30+s13+$0x0], $0xffff  }
0xcf: {  	v26 =	vand.u32 $0x7A, v13;
	v13 =	vshll.u32 v13, $0x3;
	v59 =	vor.u32 v0, v4;
	v31 =	vld.idx.msk [tilespmem:v31+s13+$0x0], $0xffff  }
0xd0: {  	v56 =	vor.u32 v1, v2;
	v13 =	vand.u32 $0xC00, v13;
	v3 =	vor.u32 v1, v3;
	s24 =	simm.s32 $0xC100;
	v24 =	vld.idx.msk [tilespmem:v24+s13+$0x0], $0xffff  }
0xd1: {  	v46 =	vand.u32 $0x71, v34;
	s26 =	simm.s32 $0x16;
	v13 =	vor.u32 v26, v13;
	v5 =	vor.u32 v1, v5;
	v25 =	vld.idx.msk [tilespmem:v25+s13+$0x0], $0xffff;
	[tilespmem:s24+$0xFFFFFF20] =	vst v17  }
0xd2: {  	v40 =	vmov s26;
	v7 =	vor.u32 v1, v7;
	v53 =	vor.u32 v1, v4;
	s12 =	simm.s32 $0x13;
	v28 =	vld.idx.msk [tilespmem:v28+s13+$0x0], $0xffff;
	[tilespmem:s24+$0xFFFFFF40] =	vst v18  }
0xd3: {  	v4 =	vand.u32 $0x7C, v63;
	v26 =	vor.u32 v0, v13;
	v36 =	vmov s12;
	s12 =	simm.s32 $0x1B;
	s11 =	simm.s32 $0x12;
	v16 =	vld.idx.msk [tilespmem:v16+s13+$0x0], $0xffff;
	[tilespmem:s24+$0xFFFFFF60] =	vst v19  }
0xd4: {  	v11 =	vor.u32 v1, v11;
	v43 =	vmov s12;
	v35 =	vmov s11;
	s11 =	simm.s32 $0x1A;
	[tilespmem:s24+$0xFFFFFF80] =	vst v20;
	v20 =	vld.idx.msk [tilespmem:v59+s13+$0x0], $0xffff  }
0xd5: {  	v48 =	vand.u32 $0x73, v36;
	s23 =	simm.s32 $0x10;
	v42 =	vmov s11;
	v47 =	vand.u32 $0x72, v35;
	[tilespmem:s24+$0xFFFFFFA0] =	vst v22;
	v45 =	vld.idx.msk [tilespmem:v3+s13+$0x0], $0xffff  }
0xd6: {  	v58 =	vshll.u32 v35, $0x3;
	v29 =	vmov s23;
	v17 =	vor.u32 v1, v8;
	[tilespmem:s24+$0xFFFFFFC0] =	vst v30;
	v30 =	vld.idx.msk [tilespmem:v5+s13+$0x0], $0xffff  }
0xd7: {  	v33 =	vand.u32 $0x70, v29;
	v29 =	vshll.u32 v29, $0x3;
	s7 =	simm.s32 $0x17;
	v18 =	vor.u32 v1, v21;
	[tilespmem:s24+$0xFFFFFFE0] =	vst v31;
	v49 =	vld.idx.msk [tilespmem:v6+s13+$0x0], $0xffff  }
0xd8: {  	v62 =	vmov s7;
	v29 =	vand.u32 $0xC00, v29;
	v23 =	vor.u32 v1, v23;
	[tilespmem:s24+$0x80] =	vst v28;
	v31 =	vld.idx.msk [tilespmem:v7+s13+$0x0], $0xffff  }
0xd9: {  	v2 =	vor.u32 v33, v29;
	v8 =	vand.u32 $0x7E, v39;
	v19 =	vor.u32 v1, v10;
	[tilespmem:s24+$0x0] =	vst v24;
	v28 =	vld.idx.msk [tilespmem:v15+s13+$0x0], $0xffff  }
0xda: {  	v22 =	vor.u32 v1, v13;
	v13 =	vand.u32 $0x76, v40;
	[tilespmem:s24+$0xE0] =	vst v16;
	v16 =	vld.idx.msk [tilespmem:v26+s13+$0x0], $0xffff;
	v26 =	vand.u32 $0xC00, v41  }
0xdb: {  	v10 =	vand.u32 $0x77, v62;
	[tilespmem:s24+$0x20] =	vst v25;
	v59 =	vshll.u32 v36, $0x3;
	v54 =	vld.idx.msk [tilespmem:v17+s13+$0x0], $0xffff;
	v21 =	vor.u32 v8, v26  }
0xdc: {  	v62 =	vshll.u32 v62, $0x3;
	[tilespmem:s24+$0xFFFFFF00] =	vst v9;
	v9 =	vor.u32 v0, v2;
	v55 =	vld.idx.msk [tilespmem:v18+s13+$0x0], $0xffff;
	v8 =	vor.u32 v0, v21  }
0xdd: {  	v7 =	vand.u32 $0x7A, v42;
	v5 =	vand.u32 $0x7B, v43;
	v15 =	vand.u32 $0xC00, v59;
	[tilespmem:s24+$0xA0] =	vst v20;
	v23 =	vld.idx.msk [tilespmem:v23+s13+$0x0], $0xffff  }
0xde: {  	s10 =	simm.s32 $0x19;
	v3 =	vand.u32 $0x7D, v44;
	v36 =	vand.u32 $0xC00, v62;
	v15 =	vor.u32 v48, v15;
	v26 =	vld.idx.msk [tilespmem:v27+s13+$0x0], $0xffff;
	[tilespmem:s24+$0xFFFFFF30] =	vst v45  }
0xdf: {  	v33 =	vor.u32 v0, v15;
	v41 =	vmov s10;
	v19 =	vld.idx.msk [tilespmem:v19+s13+$0x0], $0xffff;
	v18 =	vshll.u32 v34, $0x3;
	[tilespmem:s24+$0xFFFFFF50] =	vst v30  }
0xe0: {  	s25 =	simm.s32 $0x1E0;
	s8 =	simm.s32 $0x18;
	v20 =	vshll.u32 v43, $0x3;
	v17 =	vshll.u32 v63, $0x3;
	[tilespmem:s24+$0x40] =	vst v16;
	v16 =	vor.u32 v1, v21;
	v21 =	vld.idx.msk [tilespmem:v11+s13+$0x0], $0xffff  }
0xe1: {  	s26 =	sor.u32 $0x70, s25;
	s12 =	simm.s32 $0x160;
	v27 =	vmov s8;
	v6 =	vand.u32 $0x79, v41;
	v24 =	vshll.u32 v41, $0x3;
	[tilespmem:s24+$0xFFFFFF70] =	vst v49;
	v52 =	vld.idx.msk [tilespmem:v8+s13+$0x0], $0xffff  }
0xe2: {  	s15 =	simm.s32 $0x1C0;
	s30 =	sor.u32 $0x70, s12;
	v11 =	vshll.u32 v60, $0x3;
	v60 =	vshll.u32 v61, $0x3;
	v61 =	vshll.u32 v40, $0x3;
	[tilespmem:s26+$0xC000] =	vst v23;
	v23 =	vld.idx.msk [tilespmem:v12+s13+$0x0], $0xffff  }
0xe3: {  	s12 =	simm.s32 $0x1F;
	s11 =	simm.s32 $0x140;
	s2 =	simm.s32 $0xA0;
	[tilespmem:s24+$0x60] =	vst v26;
	v25 =	vld.idx.msk [tilespmem:v22+s13+$0x0], $0xffff;
	v22 =	vshll.u32 v42, $0x3;
	v12 =	vand.u32 $0xC00, v18;
	v18 =	vshll.u32 v44, $0x3  }
0xe4: {  	s31 =	sor.u32 $0x50, s11;
	s7 =	simm.s32 $0xC0;
	s28 =	sor.u32 $0x30, s2;
	[tilespmem:s24+$0xFFFFFF90] =	vst v31;
	v11 =	vand.u32 $0xC00, v11;
	v26 =	vld.idx.msk [tilespmem:v14+s13+$0x0], $0xffff;
	v14 =	vand.u32 $0xC00, v58;
	v12 =	vor.u32 v46, v12  }
0xe5: {  	s20 =	sor.u32 $0x50, s7;
	s10 =	simm.s32 $0x120;
	s8 =	simm.s32 $0xE0;
	v29 =	vld.idx.msk [tilespmem:v53+s13+$0x0], $0xffff;
	[tilespmem:s28+$0xC000] =	vst v54;
	v63 =	vand.u32 $0xC00, v60;
	v32 =	vor.u32 v0, v12;
	v14 =	vor.u32 v47, v14  }
0xe6: {  	s2 =	sor.u32 $0x30, s10;
	v31 =	vld.idx.msk [tilespmem:v56+s13+$0x0], $0xffff;
	s0 =	sor.u32 $0x70, s8;
	s26 =	simm.s32 $0x1A0;
	v35 =	vand.u32 $0xC00, v61;
	v8 =	vand.u32 $0x78, v27;
	v34 =	vor.u32 v0, v14;
	[tilespmem:s24+$0xC0] =	vst v52  }
0xe7: {  	s28 =	sor.u32 $0x50, s15;
	[tilespmem:s20+$0xC000] =	vst v55;
	v27 =	vshll.u32 v27, $0x3;
	s29 =	sor.u32 $0x30, s26;
	s26 =	simm.s32 $0x20;
	v30 =	vld.idx.msk [tilespmem:v16+s13+$0x0], $0xffff;
	v16 =	vor.u32 v50, v11;
	v11 =	vor.u32 v51, v63  }
.LBB2_5:
0xe8: {  	p0 =	slt.u32 s26, $0x1F0;
	v37 =	vor.u32 v0, v16;
	v13 =	vor.u32 v13, v35;
	v35 =	vmov s12;
	[tilespmem:s0+$0xC000] =	vst v19  }
0xe9: {  	v19 =	vor.u32 v0, v11;
	v10 =	vor.u32 v10, v36;
	v9 =	vld.idx.msk [tilespmem:v9+s13+$0x0], $0xffff;
	v36 =	vshll.u32 v35, $0x3;
	[tilespmem:s24+$0x10] =	vst v21  }
0xea: {  	v35 =	vand.u32 $0x7F, v35;
	v21 =	vld.idx.msk [tilespmem:v32+s13+$0x0], $0xffff;
	v32 =	vor.u32 v0, v13;
	v36 =	vand.u32 $0xC00, v36;
	[tilespmem:s2+$0xC000] =	vst v23  }
0xeb: {  	v27 =	vand.u32 $0xC00, v27;
	v23 =	vld.idx.msk [tilespmem:v34+s13+$0x0], $0xffff;
	v34 =	vor.u32 v0, v10;
	v35 =	vor.u32 v35, v36;
	[tilespmem:s31+$0xC000] =	vst v25  }
0xec: {  	v24 =	vand.u32 $0xC00, v24;
	v8 =	vor.u32 v8, v27;
	v25 =	vld.idx.msk [tilespmem:v33+s13+$0x0], $0xffff;
	v27 =	vor.u32 v0, v35;
	[tilespmem:s30+$0xC000] =	vst v26  }
0xed: {  	v22 =	vand.u32 $0xC00, v22;
	v6 =	vor.u32 v6, v24;
	v33 =	vor.u32 v0, v8;
	v26 =	vld.idx.msk [tilespmem:v37+s13+$0x0], $0xffff;
	[tilespmem:s24+$0x90] =	vst v28  }
0xee: {  	v20 =	vand.u32 $0xC00, v20;
	v7 =	vor.u32 v7, v22;
	v24 =	vor.u32 v0, v6;
	v19 =	vld.idx.msk [tilespmem:v19+s13+$0x0], $0xffff;
	[tilespmem:s29+$0xC000] =	vst v29  }
0xef: {  	v17 =	vand.u32 $0xC00, v17;
	v5 =	vor.u32 v5, v20;
	v28 =	vor.u32 v0, v7;
	v22 =	vld.idx.msk [tilespmem:v32+s13+$0x0], $0xffff;
	[tilespmem:s28+$0xC000] =	vst v30  }
0xf0: {  	v4 =	vor.u32 v4, v17;
	v17 =	vand.u32 $0xC00, v18;
	v29 =	vor.u32 v0, v5;
	v20 =	vld.idx.msk [tilespmem:v34+s13+$0x0], $0xffff;
	[tilespmem:s24+$0xFFFFFF10] =	vst v31  }
0xf1: {  	v3 =	vor.u32 v3, v17;
	v30 =	vor.u32 v0, v4;
	v17 =	vld.idx.msk [tilespmem:v27+s13+$0x0], $0xffff  }
0xf2: {  	v32 =	vor.u32 v0, v3;
	v27 =	vmov s26;
	v31 =	vld.idx.msk [tilespmem:v33+s13+$0x0], $0xffff  }
0xf3: {  	s0 =	sadd.s32 $0x1, s26;
	s2 =	sadd.s32 $0x2, s26;
	v18 =	vand.u32 $0x70, v27;
	v27 =	vshll.u32 v27, $0x3;
	v33 =	vor.u32 v1, v35;
	v24 =	vld.idx.msk [tilespmem:v24+s13+$0x0], $0xffff  }
0xf4: {  	v12 =	vor.u32 v1, v12;
	v34 =	vmov s0;
	s0 =	sadd.s32 $0x3, s26;
	v35 =	vmov s2;
	s2 =	sadd.s32 $0x4, s26;
	v28 =	vld.idx.msk [tilespmem:v28+s13+$0x0], $0xffff  }
0xf5: {  	v14 =	vor.u32 v1, v14;
	v36 =	vmov s0;
	s0 =	sadd.s32 $0x5, s26;
	v37 =	vmov s2;
	s2 =	sadd.s32 $0xE, s23;
	s23 =	smov.u32 s26;
	v29 =	vld.idx.msk [tilespmem:v29+s13+$0x0], $0xffff  }
0xf6: {  	v15 =	vor.u32 v1, v15;
	s24 =	sadd.s32 $0x200, s24;
	v38 =	vmov s0;
	s0 =	sadd.s32 $0x6, s26;
	v39 =	vmov s2;
	v30 =	vld.idx.msk [tilespmem:v30+s13+$0x0], $0xffff  }
0xf7: {  	v16 =	vor.u32 v1, v16;
	v40 =	vmov s0;
	v41 =	vshll.u32 v39, $0x3;
	v32 =	vld.idx.msk [tilespmem:v32+s13+$0x0], $0xffff;
	[tilespmem:s24+$0xE0] =	vst v17  }
0xf8: {  	v11 =	vor.u32 v1, v11;
	s0 =	sadd.s32 $0x7, s26;
	v17 =	vand.u32 $0x7E, v39;
	[tilespmem:s24+$0xFFFFFF20] =	vst v21;
	v21 =	vand.u32 $0xC00, v41;
	v33 =	vld.idx.msk [tilespmem:v33+s13+$0x0], $0xffff  }
0xf9: {  	v13 =	vor.u32 v1, v13;
	s2 =	sadd.s32 $0x9, s26;
	v39 =	vmov s0;
	s0 =	sadd.s32 $0x8, s26;
	v12 =	vld.idx.msk [tilespmem:v12+s13+$0x0], $0xffff;
	[tilespmem:s24+$0xFFFFFF40] =	vst v23;
	v17 =	vor.u32 v17, v21  }
0xfa: {  	v42 =	vmov s2;
	s2 =	sadd.s32 $0xB, s26;
	v41 =	vmov s0;
	s0 =	sadd.s32 $0xA, s26;
	v14 =	vld.idx.msk [tilespmem:v14+s13+$0x0], $0xffff;
	[tilespmem:s24+$0xFFFFFF60] =	vst v25;
	v21 =	vor.u32 v0, v17  }
0xfb: {  	v44 =	vmov s2;
	s2 =	sadd.s32 $0xD, s26;
	v43 =	vmov s0;
	s0 =	sadd.s32 $0xC, s26;
	v23 =	vor.u32 v1, v10;
	v15 =	vld.idx.msk [tilespmem:v15+s13+$0x0], $0xffff;
	[tilespmem:s24+$0xFFFFFF80] =	vst v26  }
0xfc: {  	s25 =	sadd.s32 $0x200, s25;
	v46 =	vmov s2;
	v45 =	vmov s0;
	v25 =	vor.u32 v1, v8;
	v16 =	vld.idx.msk [tilespmem:v16+s13+$0x0], $0xffff;
	[tilespmem:s24+$0xFFFFFFA0] =	vst v19  }
0xfd: {  	s7 =	sor.u32 $0x70, s25;
	v48 =	vand.u32 $0x71, v34;
	v47 =	vand.u32 $0xC00, v27;
	s2 =	sadd.s32 $0xFFFFFEE0, s25;
	s0 =	sadd.s32 $0xFFFFFEC0, s25;
	v11 =	vld.idx.msk [tilespmem:v11+s13+$0x0], $0xffff;
	[tilespmem:s24+$0xFFFFFFC0] =	vst v22;
	v22 =	vor.u32 v1, v6  }
0xfe: {  	s8 =	sadd.s32 $0xFFFFFF00, s25;
	s10 =	sadd.s32 $0xFFFFFF40, s25;
	s20 =	sadd.s32 $0xFFFFFF60, s25;
	v50 =	vand.u32 $0x73, v36;
	v49 =	vand.u32 $0x72, v35;
	v26 =	vor.u32 v1, v7;
	v51 =	vld.idx.msk [tilespmem:v13+s13+$0x0], $0xffff;
	[tilespmem:s7+$0xC000] =	vst v33  }
0xff: {  	s15 =	sadd.s32 $0xFFFFFFE0, s25;
	s28 =	sadd.s32 $0xFFFFFFC0, s25;
	v53 =	vand.u32 $0x75, v38;
	v52 =	vand.u32 $0x74, v37;
	s7 =	sadd.s32 $0xFFFFFF80, s25;
	[tilespmem:s24+$0xFFFFFFE0] =	vst v20;
	v20 =	vor.u32 v1, v5;
	v33 =	vld.idx.msk [tilespmem:v21+s13+$0x0], $0xffff  }
0x100: {  	v27 =	vor.u32 v1, v4;
	s11 =	sor.u32 $0x50, s2;
	v10 =	vand.u32 $0x77, v39;
	s12 =	sor.u32 $0x30, s0;
	s0 =	sor.u32 $0x70, s8;
	v13 =	vand.u32 $0x76, v40;
	v19 =	vld.idx.msk [tilespmem:v23+s13+$0x0], $0xffff;
	[tilespmem:s24+$0x0] =	vst v31  }
0x101: {  	s31 =	sor.u32 $0x50, s20;
	s2 =	sor.u32 $0x30, s10;
	v8 =	vand.u32 $0x78, v41;
	v6 =	vand.u32 $0x79, v42;
	s30 =	sor.u32 $0x70, s7;
	v31 =	vor.u32 v1, v3;
	v21 =	vld.idx.msk [tilespmem:v25+s13+$0x0], $0xffff;
	[tilespmem:s24+$0x20] =	vst v24  }
0x102: {  	s29 =	sor.u32 $0x30, s28;
	s28 =	sor.u32 $0x50, s15;
	v54 =	vor.u32 v1, v17;
	v7 =	vand.u32 $0x7A, v43;
	v5 =	vand.u32 $0x7B, v44;
	v23 =	vld.idx.msk [tilespmem:v22+s13+$0x0], $0xffff;
	[tilespmem:s24+$0x40] =	vst v28  }
0x103: {  	v55 =	vor.u32 v1, v2;
	v4 =	vand.u32 $0x7C, v45;
	v3 =	vand.u32 $0x7D, v46;
	v25 =	vld.idx.msk [tilespmem:v26+s13+$0x0], $0xffff;
	[tilespmem:s24+$0x60] =	vst v29  }
0x104: {  	v34 =	vshll.u32 v34, $0x3;
	v36 =	vshll.u32 v36, $0x3;
	v35 =	vshll.u32 v35, $0x3;
	v26 =	vld.idx.msk [tilespmem:v20+s13+$0x0], $0xffff;
	[tilespmem:s24+$0x80] =	vst v30  }
0x105: {  	v38 =	vshll.u32 v38, $0x3;
	v37 =	vshll.u32 v37, $0x3;
	v40 =	vshll.u32 v40, $0x3;
	v28 =	vld.idx.msk [tilespmem:v27+s13+$0x0], $0xffff;
	[tilespmem:s24+$0xA0] =	vst v32  }
0x106: {  	v39 =	vshll.u32 v39, $0x3;
	v24 =	vshll.u32 v42, $0x3;
	v27 =	vshll.u32 v41, $0x3;
	v29 =	vld.idx.msk [tilespmem:v31+s13+$0x0], $0xffff;
	[tilespmem:s24+$0xC0] =	vst v33  }
0x107: {  	v17 =	vshll.u32 v45, $0x3;
	v22 =	vshll.u32 v43, $0x3;
	v20 =	vshll.u32 v44, $0x3;
	[tilespmem:s24+$0xFFFFFF00] =	vst v9;
	v30 =	vld.idx.msk [tilespmem:v54+s13+$0x0], $0xffff  }
0x108: {  	v2 =	vor.u32 v18, v47;
	v18 =	vshll.u32 v46, $0x3;
	v32 =	vand.u32 $0xC00, v34;
	v31 =	vld.idx.msk [tilespmem:v55+s13+$0x0], $0xffff;
	[tilespmem:s24+$0xFFFFFF30] =	vst v12  }
.Ltmp1:
0x109: {  	v36 =	vand.u32 $0xC00, v36;
	v37 =	vand.u32 $0xC00, v37;
	v33 =	vand.u32 $0xC00, v35;
	[tilespmem:s24+$0xFFFFFF50] =	vst v14;
	(pc) =	sbr.rel @p0 .LBB2_5-.Ltmp1, $4  }
0x10a: {  	v38 =	vand.u32 $0xC00, v38;
	v9 =	vor.u32 v0, v2;
	v12 =	vor.u32 v48, v32;
	[tilespmem:s24+$0xFFFFFF70] =	vst v15  }
0x10b: {  	v35 =	vand.u32 $0xC00, v40;
	v32 =	vor.u32 v0, v12;
	v14 =	vor.u32 v49, v33;
	[tilespmem:s24+$0xFFFFFF90] =	vst v16  }
0x10c: {  	v34 =	vor.u32 v0, v14;
	v15 =	vor.u32 v50, v36;
	v36 =	vand.u32 $0xC00, v39;
	[tilespmem:s12+$0xC000] =	vst v11  }
0x10d: {  	s26 =	sadd.s32 $0x10, s26;
	v33 =	vor.u32 v0, v15;
	v16 =	vor.u32 v52, v37;
	v11 =	vor.u32 v53, v38;
	s12 =	sadd.s32 $0xF, s23;
	[tilespmem:s11+$0xC000] =	vst v51  }
0x10e: {  	_ = 	snop  }
0x10f: {  	[tilespmem:s0+$0xC000] =	vst v19  }
0x110: {  	[tilespmem:s24+$0x10] =	vst v21  }
0x111: {  	[tilespmem:s2+$0xC000] =	vst v23;
	v61 =	vor.u32 v0, v16  }
0x112: {  	[tilespmem:s31+$0xC000] =	vst v25;
	v62 =	vor.u32 v0, v11;
	v10 =	vor.u32 v10, v36;
	v36 =	vld.idx.msk [tilespmem:v32+s13+$0x0], $0xffff  }
0x113: {  	[tilespmem:s30+$0xC000] =	vst v26;
	v40 =	vld.idx.msk [tilespmem:v34+s13+$0x0], $0xffff;
	v39 =	vor.u32 v0, v10  }
0x114: {  	[tilespmem:s24+$0x90] =	vst v28;
	v42 =	vld.idx.msk [tilespmem:v33+s13+$0x0], $0xffff;
	v12 =	vor.u32 v1, v12  }
0x115: {  	v37 =	vmov s12;
	v27 =	vand.u32 $0xC00, v27;
	[tilespmem:s29+$0xC000] =	vst v29;
	v14 =	vor.u32 v1, v14;
	v9 =	vld.idx.msk [tilespmem:v9+s13+$0x0], $0xffff  }
0x116: {  	v24 =	vand.u32 $0xC00, v24;
	v22 =	vand.u32 $0xC00, v22;
	[tilespmem:s28+$0xC000] =	vst v30;
	v15 =	vor.u32 v1, v15;
	v19 =	vld.idx.msk [tilespmem:v61+s13+$0x0], $0xffff  }
0x117: {  	[tilespmem:s24+$0xFFFFFF10] =	vst v31;
	s11 =	sadd.s32 $0x200, s24;
	v2 =	vor.u32 v1, v2;
	v38 =	vshll.u32 v37, $0x3;
	v8 =	vor.u32 v8, v27;
	v21 =	vld.idx.msk [tilespmem:v62+s13+$0x0], $0xffff  }
0x118: {  	v37 =	vand.u32 $0x7F, v37;
	v6 =	vor.u32 v6, v24;
	v43 =	vor.u32 v0, v8;
	[tilespmem:s11+$0xFFFFFF20] =	vst v36;
	v49 =	vld.idx.msk [tilespmem:v39+s13+$0x0], $0xffff  }
0x119: {  	v7 =	vor.u32 v7, v22;
	v38 =	vand.u32 $0xC00, v38;
	v24 =	vor.u32 v0, v6;
	[tilespmem:s11+$0xFFFFFF40] =	vst v40;
	v12 =	vld.idx.msk [tilespmem:v12+s13+$0x0], $0xffff  }
0x11a: {  	v20 =	vand.u32 $0xC00, v20;
	v22 =	vor.u32 v0, v7;
	v37 =	vor.u32 v37, v38;
	[tilespmem:s11+$0xFFFFFF60] =	vst v42;
	v14 =	vld.idx.msk [tilespmem:v14+s13+$0x0], $0xffff  }
0x11b: {  	v17 =	vand.u32 $0xC00, v17;
	v5 =	vor.u32 v5, v20;
	v38 =	vor.u32 v0, v37;
	[tilespmem:s11+$0xFFFFFF00] =	vst v9;
	v15 =	vld.idx.msk [tilespmem:v15+s13+$0x0], $0xffff  }
0x11c: {  	s12 =	sadd.s32 $0xE, s23;
	v18 =	vand.u32 $0xC00, v18;
	v4 =	vor.u32 v4, v17;
	v45 =	vor.u32 v0, v5;
	v2 =	vld.idx.msk [tilespmem:v2+s13+$0x0], $0xffff;
	[tilespmem:s11+$0xFFFFFF80] =	vst v19  }
0x11d: {  	v46 =	vmov s12;
	v3 =	vor.u32 v3, v18;
	v47 =	vor.u32 v0, v4;
	v51 =	vld.idx.msk [tilespmem:v43+s13+$0x0], $0xffff;
	[tilespmem:s11+$0xFFFFFFA0] =	vst v21  }
0x11e: {  	v48 =	vshll.u32 v46, $0x3;
	v52 =	vor.u32 v0, v3;
	v53 =	vld.idx.msk [tilespmem:v24+s13+$0x0], $0xffff;
	[tilespmem:s11+$0xFFFFFFE0] =	vst v49  }
0x11f: {  	v13 =	vor.u32 v13, v35;
	v17 =	vand.u32 $0x7E, v46;
	v50 =	vand.u32 $0xC00, v48;
	v55 =	vld.idx.msk [tilespmem:v22+s13+$0x0], $0xffff;
	[tilespmem:s11+$0xFFFFFF30] =	vst v12  }
0x120: {  	v17 =	vor.u32 v17, v50;
	v63 =	vld.idx.msk [tilespmem:v38+s13+$0x0], $0xffff;
	v38 =	vor.u32 v0, v13;
	[tilespmem:s11+$0xFFFFFF50] =	vst v14  }
0x121: {  	v54 =	vor.u32 v0, v17;
	v56 =	vld.idx.msk [tilespmem:v45+s13+$0x0], $0xffff;
	[tilespmem:s11+$0xFFFFFF70] =	vst v15  }
0x122: {  	v59 =	vor.u32 v1, v16;
	v57 =	vld.idx.msk [tilespmem:v47+s13+$0x0], $0xffff;
	[tilespmem:s11+$0xFFFFFF10] =	vst v2  }
0x123: {  	v10 =	vor.u32 v1, v10;
	v58 =	vld.idx.msk [tilespmem:v52+s13+$0x0], $0xffff;
	[tilespmem:s11+$0x0] =	vst v51  }
0x124: {  	v8 =	vor.u32 v1, v8;
	[tilespmem:s11+$0x20] =	vst v53  }
0x125: {  	v5 =	vor.u32 v1, v5;
	[tilespmem:s11+$0x40] =	vst v55;
	v44 =	vld.idx.msk [tilespmem:v38+s13+$0x0], $0xffff  }
0x126: {  	v13 =	vor.u32 v1, v13;
	v19 =	vld.idx.msk [tilespmem:v54+s13+$0x0], $0xffff;
	[tilespmem:s11+$0x60] =	vst v56  }
0x127: {  	v6 =	vor.u32 v1, v6;
	v16 =	vld.idx.msk [tilespmem:v59+s13+$0x0], $0xffff;
	[tilespmem:s11+$0x80] =	vst v57  }
0x128: {  	v4 =	vor.u32 v1, v4;
	[tilespmem:s11+$0xA0] =	vst v58;
	v10 =	vld.idx.msk [tilespmem:v10+s13+$0x0], $0xffff  }
0x129: {  	v41 =	vor.u32 v1, v37;
	v8 =	vld.idx.msk [tilespmem:v8+s13+$0x0], $0xffff;
	[tilespmem:s11+$0xE0] =	vst v63  }
0x12a: {  	s15 =	sadd.s32 $0x200, s25;
	v60 =	vor.u32 v1, v11;
	v5 =	vld.idx.msk [tilespmem:v5+s13+$0x0], $0xffff;
	[tilespmem:s11+$0xFFFFFFC0] =	vst v44  }
0x12b: {  	s10 =	sadd.s32 $0xFFFFFF00, s15;
	v62 =	vor.u32 v1, v17;
	[tilespmem:s11+$0xC0] =	vst v19;
	v61 =	vld.idx.msk [tilespmem:v13+s13+$0x0], $0xffff  }
0x12c: {  	v7 =	vor.u32 v1, v7;
	s23 =	sor.u32 $0x70, s10;
	v6 =	vld.idx.msk [tilespmem:v6+s13+$0x0], $0xffff;
	[tilespmem:s11+$0xFFFFFF90] =	vst v16  }
0x12d: {  	s26 =	sadd.s32 $0xFFFFFF80, s15;
	v3 =	vor.u32 v1, v3;
	v4 =	vld.idx.msk [tilespmem:v4+s13+$0x0], $0xffff;
	[tilespmem:s23+$0xC000] =	vst v10  }
0x12e: {  	s8 =	sadd.s32 $0xFFFFFEE0, s15;
	s10 =	sor.u32 $0x70, s26;
	v27 =	vld.idx.msk [tilespmem:v41+s13+$0x0], $0xffff;
	[tilespmem:s11+$0x10] =	vst v8  }
0x12f: {  	s24 =	sadd.s32 $0xFFFFFF40, s15;
	s8 =	sor.u32 $0x50, s8;
	v11 =	vld.idx.msk [tilespmem:v60+s13+$0x0], $0xffff;
	[tilespmem:s10+$0xC000] =	vst v5  }
0x130: {  	v63 =	vld.idx.msk [tilespmem:v62+s13+$0x0], $0xffff;
	[tilespmem:s8+$0xC000] =	vst v61;
	s8 =	sor.u32 $0x30, s24  }
0x131: {  	s0 =	sadd.s32 $0x3, s22;
	v7 =	vld.idx.msk [tilespmem:v7+s13+$0x0], $0xffff;
	[tilespmem:s8+$0xC000] =	vst v6;
	s8 =	sor.u32 $0x1, s22  }
0x132: {  	s7 =	sor.u32 $0x70, s15;
	s20 =	sadd.s32 $0xFFFFFEC0, s15;
	v3 =	vld.idx.msk [tilespmem:v3+s13+$0x0], $0xffff;
	[tilespmem:s11+$0x90] =	vst v4;
	p0 =	slt.u32 s8, s6  }
0x133: {  	s2 =	sadd.s32 $0xFFFFFFE0, s15;
	[tilespmem:s7+$0xC000] =	vst v27;
	s7 =	sor.u32 $0x30, s20;
	s8 =	simm.s32 @!p0 $0x0  }
0x134: {  	s25 =	sadd.s32 $0xFFFFFF60, s15;
	s2 =	sor.u32 $0x50, s2;
	[tilespmem:s7+$0xC000] =	vst v11;
	s8 =	sadd.s32 s4, s8  }
0x135: {  	s28 =	sadd.s32 $0xFFFFFFC0, s15;
	s7 =	sor.u32 $0x50, s25;
	[tilespmem:s2+$0xC000] =	vst v63;
	s29 =	sshll.u32 s8, $0xB  }
0x136: {  	[tilespmem:s7+$0xC000] =	vst v7;
	s7 =	sor.u32 $0x30, s28;
	p0 =	slt.u32 s0, s6;
	s30 =	sand.u32 $0x1FFFF800, s29  }
0x137: {  	[tilespmem:s7+$0xC000] =	vst v3;
	s0 =	simm.s32 @!p0 $0x0;
	s31 =	sadd.s32 s5, s30  }
0x138: {  	[hbm4b:s31+s3] =	stream.linear.scatter [tilespmem:s18], [sflag:$0x4], $0x4000, $0x38;
	[tilespmem:$0x10000] =	vst v63  }
0x139: {  	s0 =	sadd.s32 s4, s0;
	_ =	swait.ge [sflag:s19], $0x4000  }
0x13a: {  	p0 =	seq.s32 s0, $0x7A1;
	[sflag:s19] =	ssyncset.done $0x0  }
0x13b: {  	s2 =	simm.s32 @p0 $0x0;
	s7 =	simm.s32 @p0 $0x4000;
	[sflag:s19] =	ssyncadd.s32 $0xFFFFC000  }
0x13c: {  	[tilespmem:s7], [sflag:$0x2] =	stream.linear.gather @p0 [hbm4b:s9+s2], $0x400, $0x38;
	[tilespmem:$0x10000] =	vst v63  }
0x13d: {  	s8 =	simm.s32 @p0 $0x5000;
	s7 =	sadd.s32 @p0 $0xF4280, s9  }
0x13e: {  	[tilespmem:s8], [sflag:$0x2] =	stream.linear.gather @p0 [hbm4b:s7+s2], $0x400, $0x38;
	[tilespmem:$0x10000] =	vst v63  }
0x13f: {  	s10 =	simm.s32 @p0 $0x6000;
	s8 =	sadd.s32 @p0 $0x1E8500, s9  }
0x140: {  	[tilespmem:s10], [sflag:$0x2] =	stream.linear.gather @p0 [hbm4b:s8+s2], $0x400, $0x38;
	[tilespmem:$0x10000] =	vst v63  }
0x141: {  	s11 =	simm.s32 @p0 $0x7000;
	s10 =	sadd.s32 @p0 $0x2DC780, s9  }
0x142: {  	[tilespmem:s11], [sflag:$0x2] =	stream.linear.gather @p0 [hbm4b:s10+s2], $0x400, $0x38;
	[tilespmem:$0x10000] =	vst v63  }
0x143: {  	s11 =	simm.s32 @p0 $0x4400  }
0x144: {  	[tilespmem:s11], [sflag:$0x2] =	stream.linear.gather @p0 [hbm4b:s9+s2], $0x400, $0x38;
	[tilespmem:$0x10000] =	vst v63  }
0x145: {  	s11 =	simm.s32 @p0 $0x5400  }
0x146: {  	[tilespmem:s11], [sflag:$0x2] =	stream.linear.gather @p0 [hbm4b:s7+s2], $0x400, $0x38;
	[tilespmem:$0x10000] =	vst v63  }
0x147: {  	s11 =	simm.s32 @p0 $0x6400  }
0x148: {  	[tilespmem:s11], [sflag:$0x2] =	stream.linear.gather @p0 [hbm4b:s8+s2], $0x400, $0x38;
	[tilespmem:$0x10000] =	vst v63  }
0x149: {  	s11 =	simm.s32 @p0 $0x7400  }
0x14a: {  	[tilespmem:s11], [sflag:$0x2] =	stream.linear.gather @p0 [hbm4b:s10+s2], $0x400, $0x38;
	[tilespmem:$0x10000] =	vst v63  }
0x14b: {  	s11 =	simm.s32 @p0 $0x4800  }
0x14c: {  	[tilespmem:s11], [sflag:$0x2] =	stream.linear.gather @p0 [hbm4b:s9+s2], $0x400, $0x38;
	[tilespmem:$0x10000] =	vst v63  }
0x14d: {  	s11 =	simm.s32 @p0 $0x5800  }
0x14e: {  	[tilespmem:s11], [sflag:$0x2] =	stream.linear.gather @p0 [hbm4b:s7+s2], $0x400, $0x38;
	[tilespmem:$0x10000] =	vst v63  }
0x14f: {  	s11 =	simm.s32 @p0 $0x6800  }
0x150: {  	[tilespmem:s11], [sflag:$0x2] =	stream.linear.gather @p0 [hbm4b:s8+s2], $0x400, $0x38;
	[tilespmem:$0x10000] =	vst v63  }
0x151: {  	s11 =	simm.s32 @p0 $0x7800  }
0x152: {  	[tilespmem:s11], [sflag:$0x2] =	stream.linear.gather @p0 [hbm4b:s10+s2], $0x400, $0x38;
	[tilespmem:$0x10000] =	vst v63  }
0x153: {  	s11 =	simm.s32 @p0 $0x4C00  }
0x154: {  	[tilespmem:s11], [sflag:$0x2] =	stream.linear.gather @p0 [hbm4b:s9+s2], $0x400, $0x38;
	[tilespmem:$0x10000] =	vst v63  }
0x155: {  	s0 =	sshll.u32 @!p0 s0, $0x9;
	s11 =	simm.s32 @p0 $0x5C00  }
0x156: {  	[tilespmem:s11], [sflag:$0x2] =	stream.linear.gather @p0 [hbm4b:s7+s2], $0x400, $0x38;
	[tilespmem:$0x10000] =	vst v63  }
0x157: {  	s0 =	sand.u32 @!p0 $0x1FFFFE00, s0;
	s7 =	simm.s32 @p0 $0x6C00  }
0x158: {  	[tilespmem:s7], [sflag:$0x2] =	stream.linear.gather @p0 [hbm4b:s8+s2], $0x400, $0x38;
	[tilespmem:$0x10000] =	vst v63  }
0x159: {  	s21 =	sadd.s32 $0x1, s21;
	s0 =	sadd.s32 @!p0 s1, s0;
	s7 =	simm.s32 @p0 $0x7C00  }
0x15a: {  	[tilespmem:s7], [sflag:$0x2] =	stream.linear.gather @p0 [hbm4b:s10+s2], $0x400, $0x38;
	[tilespmem:$0x10000] =	vst v63  }
0x15b: {  	s8 =	simm.s32 @!p0 $0x4000;
	s2 =	simm.s32 @!p0 $0x1000;
	s7 =	simm.s32 @!p0 $0x7A1400  }
0x15c: {  	[tilespmem:s8], [sflag:$0x2] =	stream.strided.gather @!p0 [hbm4b:s0+s2], $0x4000, s7, s2, $0x38;
	[tilespmem:$0x10000] =	vst v63  }
0x15d: {  	p0 =	sne.s32 s21, $0x1F  }
.Ltmp2:
0x15e: {  	_ = 	snop;
	(pc) =	sbr.rel @p0 .LBB2_2-.Ltmp2, $1  }
0x15f: {  	_ =	sdelay $0x3  }
0x160: {  	_ =	swait.ge [sflag:s14], $0x4000  }
0x161: {  	[sflag:s14] =	ssyncset.done $0x0  }
0x162: {  	[sflag:s14] =	ssyncadd.s32 $0xFFFFC000  }
0x163: {  	_ =	swait.ge [sflag:s17], $0x4000  }
0x164: {  	s2 =	rddreg [dreg:$0x6]  }
0x165: {  	s0 =	rddreg [dreg:$0x5];
	s2 =	sadd.s32 $0x1, s2  }
0x166: {  	p0 =	sne.s32 s2, s0  }
.Ltmp3:
0x167: {  	_ = 	snop;
	(pc) =	sbr.rel @p0 .LBB2_1-.Ltmp3, $3  }
0x168: {  	_ =	sdelay $0x1  }
0x169: {  	[sflag:s17] =	ssyncset.done $0x0  }
0x16a: {  	[sflag:s17] =	ssyncadd.s32 $0xFFFFC000  }
0x16b: {  	_ =	sfence.sel $0x180000  }
0x16c: {  	[bflag:$0x0] =	sbarrier.arrive $0xFFFF  }
0x16d: {  	_ =	strace $0x90000047  }
0x16e: {  	s0 =	stileid.u32;
	[bflag:$0x2] =	sbarrier.arrive $0xFFFF  }
0x16f: {  	p0 =	sne.s32 s0, $0x0;
	s0 =	rddreg [dreg:$0x2]  }
0x170: {  	s0 =	sadd.s32 @!p0 $0x100000, s0  }
0x171: {  	[sflag:s0] =	ssyncadd.tile.s32 @!p0 $0x1;
	_ =	shalt  }
.Lfunc_end2:
_tile_overlayer_lowered:
.L_overlay_start_2:
0x172: {  	(tag) =	ssettag $0x2  }
0x173: {  	s0 =	rddreg [dreg:$0x0];
	s2 =	stileid.u32  }
0x174: {  	s1 =	rddreg [dreg:$0x1];
	p0 =	sne.s32 s2, $0x0  }
0x175: {  	s3 =	rddreg [dreg:$0x2];
	[bflag:$0x3] =	sbarrier.arrive $0xFFFF;
	s2 =	simm.s32 @!p0 $0x1C05  }
0x176: {  	[timem:s3], [sflag:s2] =	dma.local @!p0 [hbm:s0], s1  }
0x177: {  	s0 =	simm.s32 @!p0 $0x5  }
0x178: {  	_ =	swait.ge @!p0 [sflag:s0], s1  }
0x179: {  	s1 =	ssub.s32 @!p0 $0x0, s1;
	[sflag:s0] =	ssyncset.done @!p0 $0x0  }
0x17a: {  	[sflag:s0] =	ssyncadd.s32 @!p0 s1  }
0x17b: {  	[bflag:$0x3] =	sbarrier.arrive $0xFFFF  }
0x17c: {  	_ =	shalt  }

// kernel: kernel.7.cloned.1.call-start
scs
__scs_entry_jumppad:
0x0: {  	(pc) =	sbr.rel $0x88, $3  }
0x1: {  	(tag) =	ssettag $0x0;
	lr =	simm.s32 $0x1  }
0x2: {  	[smem:$0x3F9F] =	sst lr;
	_ =	strace $0xD0000000  }
0x3: {  	_ = 	snop  }
0x4: {  	_ = 	snop  }
0x5: {  	_ = 	snop  }
0x6: {  	_ = 	snop  }
0x7: {  	_ = 	snop  }
__scs_overlays_trampoline_lowered:
0x8: {  	[smem:$0x3FAE] =	sst s0  }
0x9: {  	[smem:$0x3FAF] =	sst s1  }
0xa: {  	[smem:$0x3FB0] =	sst s2  }
0xb: {  	[smem:$0x3FB1] =	sst s3  }
0xc: {  	[smem:$0x3FB2] =	sst s4  }
0xd: {  	[smem:$0x3FB3] =	sst s5  }
0xe: {  	[smem:$0x3FB4] =	sst s6  }
0xf: {  	[smem:$0x3FB5] =	sst s7  }
0x10: {  	[smem:$0x3FB6] =	sst s8  }
0x11: {  	[smem:$0x3FB7] =	sst s9;
	s0 =	simm.s32 @!p0 $0x0  }
0x12: {  	s1 =	sld [smem:$0x3F9D];
	s0 =	simm.s32 @p0 $0x1  }
0x13: {  	[smem:$0x3FB8] =	sst s0;
	s0 =	simm.s32 @!p1 $0x0  }
0x14: {  	s2 =	sld [smem:$0x3F9C];
	s0 =	simm.s32 @p1 $0x1  }
0x15: {  	[smem:$0x3FB9] =	sst s0;
	s0 =	simm.s32 @!p2 $0x0  }
0x16: {  	s3 =	sld [smem:$0x3FDB];
	s0 =	simm.s32 @p2 $0x1  }
0x17: {  	s4 =	simm.s32 $0x1BF5;
	[smem:$0x3FBB] =	sst s0  }
0x18: {  	s0 =	sld [smem:$0x3F9E];
	_ =	swait.ge [sflag:s4], $0x0  }
0x19: {  	s7 =	sld [smem:$0x3F9F]  }
0x1a: {  	s8 =	sadd.s32 $0xFFFFE003, lr  }
0x1b: {  	s9 =	sadd.s32 $0xFFFFFEF7, lr;
	s5 =	simm.s32 $0xFFFFFFFF;
	p2 =	slt.u32 s8, $0xFFFFF086  }
0x1c: {  	p1 =	slt.u32 s9, $0xF7A;
	s5 =	simm.s32 @!p2 $0x0  }
0x1d: {  	s5 =	simm.s32 @p1 $0x1;
	p0 =	seq.s32 s7, s2  }
0x1e: {  	s7 =	smul.u32 @!p0 $0xF7A, s2;
	p2 =	seq.s32 @!p0 s5, $0x0  }
0x1f: {  	s9 =	smul.u32 $0xF7A, s1;
	s8 =	simm.s32 @!p0 $0x1BF5;
	p2 =	por !p2, p0  }
0x20: {  	[sflag:s8] =	ssyncset.s32 @!p0 $0xFFFFF086;
	s6 =	sadd.s32 @!p0 s3, s7;
	s7 =	simm.s32 @!p0 $0x108  }
0x21: {  	s3 =	sadd.s32 s3, s9;
	s6 =	sadd.s32 @!p0 $0x88, s6;
	s7 =	simm.s32 @p2 $0x1082  }
0x22: {  	[simem:s7], [sflag:s8] =	dma.local @!p0 [hbm:s6], $0xF7A  }
0x23: {  	s9 =	sor.u32 $0xD0000000, s2;
	s6 =	simm.s32 $0x108;
	_ =	swait.ge @!p0 [sflag:s8], $0x0  }
0x24: {  	s3 =	sadd.s32 $0x88, s3;
	s6 =	simm.s32 @!p1 $0x1082;
	[sflag:s4] =	ssyncset.s32 $0xFFFFF086  }
0x25: {  	[simem:s6], [sflag:s4] =	dma.local [hbm:s3], $0xF7A  }
0x26: {  	[smem:$0x3F9F] =	sst s1;
	(tag) =	ssettag s2;
	_ =	strace s9  }
0x27: {  	s1 =	sld [smem:$0x3FAF]  }
0x28: {  	s2 =	sld [smem:$0x3FB0]  }
0x29: {  	s4 =	sld [smem:$0x3FB2]  }
0x2a: {  	p0 =	seq.s32 s5, $0x0;
	s5 =	sld [smem:$0x3FB3]  }
0x2b: {  	s6 =	sld [smem:$0x3FB4]  }
0x2c: {  	s7 =	sld [smem:$0x3FB5]  }
0x2d: {  	s3 =	simm.s32 $0x108;
	s8 =	sld [smem:$0x3FB6]  }
0x2e: {  	s3 =	simm.s32 @!p0 $0x1082;
	s9 =	sld [smem:$0x3FB7]  }
0x2f: {  	lr =	sadd.s32 s0, s3;
	s0 =	sld [smem:$0x3FAE]  }
0x30: {  	s3 =	sld [smem:$0x3FB1]  }
0x31: {  	[smem:$0x3FBA] =	sst s10  }
0x32: {  	s10 =	sld [smem:$0x3FB8];
	_ =	sdelay $0x3  }
0x33: {  	p0 =	seq.s32 s10, $0x1;
	s10 =	sld [smem:$0x3FBA];
	_ =	sdelay $0x3  }
0x34: {  	[smem:$0x3FBA] =	sst s10  }
0x35: {  	s10 =	sld [smem:$0x3FB9];
	_ =	sdelay $0x3  }
0x36: {  	p1 =	seq.s32 s10, $0x1;
	s10 =	sld [smem:$0x3FBA];
	_ =	sdelay $0x3  }
0x37: {  	[smem:$0x3FBA] =	sst s10  }
0x38: {  	s10 =	sld [smem:$0x3FBB]  }
0x39: {  	_ = 	snop;
	(pc) =	sbr.ind lr, $3  }
0x3a: {  	_ = 	snop  }
0x3b: {  	_ = 	snop  }
0x3c: {  	p2 =	seq.s32 s10, $0x1;
	s10 =	sld [smem:$0x3FBA]  }
0x3d: {  	_ =	shalt  }
0x3e: {  	_ =	shalt  }
0x3f: {  	_ =	shalt  }
0x40: {  	_ =	shalt  }
0x41: {  	_ =	shalt  }
0x42: {  	_ =	shalt  }
0x43: {  	_ =	shalt  }
0x44: {  	_ =	shalt  }
0x45: {  	_ =	shalt  }
0x46: {  	_ =	shalt  }
0x47: {  	_ =	shalt  }
0x48: {  	_ =	shalt  }
0x49: {  	_ =	shalt  }
0x4a: {  	_ =	shalt  }
0x4b: {  	_ =	shalt  }
0x4c: {  	_ =	shalt  }
0x4d: {  	_ =	shalt  }
0x4e: {  	_ =	shalt  }
0x4f: {  	_ =	shalt  }
0x50: {  	_ =	shalt  }
0x51: {  	_ =	shalt  }
0x52: {  	_ =	shalt  }
0x53: {  	_ =	shalt  }
0x54: {  	_ =	shalt  }
0x55: {  	_ =	shalt  }
0x56: {  	_ =	shalt  }
0x57: {  	_ =	shalt  }
0x58: {  	_ =	shalt  }
0x59: {  	_ =	shalt  }
0x5a: {  	_ =	shalt  }
0x5b: {  	_ =	shalt  }
0x5c: {  	_ =	shalt  }
0x5d: {  	_ =	shalt  }
0x5e: {  	_ =	shalt  }
0x5f: {  	_ =	shalt  }
0x60: {  	_ =	shalt  }
0x61: {  	_ =	shalt  }
0x62: {  	_ =	shalt  }
0x63: {  	_ =	shalt  }
0x64: {  	_ =	shalt  }
0x65: {  	_ =	shalt  }
0x66: {  	_ =	shalt  }
0x67: {  	_ =	shalt  }
0x68: {  	_ =	shalt  }
0x69: {  	_ =	shalt  }
0x6a: {  	_ =	shalt  }
0x6b: {  	_ =	shalt  }
0x6c: {  	_ =	shalt  }
0x6d: {  	_ =	shalt  }
0x6e: {  	_ =	shalt  }
0x6f: {  	_ =	shalt  }
0x70: {  	_ =	shalt  }
0x71: {  	_ =	shalt  }
0x72: {  	_ =	shalt  }
0x73: {  	_ =	shalt  }
0x74: {  	_ =	shalt  }
0x75: {  	_ =	shalt  }
0x76: {  	_ =	shalt  }
0x77: {  	_ =	shalt  }
0x78: {  	_ =	shalt  }
0x79: {  	_ =	shalt  }
0x7a: {  	_ =	shalt  }
0x7b: {  	_ =	shalt  }
0x7c: {  	_ =	shalt  }
0x7d: {  	_ =	shalt  }
0x7e: {  	_ =	shalt  }
0x7f: {  	_ =	shalt  }
0x80: {  	_ =	shalt  }
0x81: {  	_ =	shalt  }
0x82: {  	_ =	shalt  }
0x83: {  	_ =	shalt  }
0x84: {  	_ =	shalt  }
0x85: {  	_ =	shalt  }
0x86: {  	_ =	shalt  }
0x87: {  	_ =	shalt  }
.Lfunc_end0:
.L_simem_size_0:
called_computation.2_lowered:
.L_overlay_start_0:
0x88: {  	s2 =	sld [smem:$0x3FD9]  }
0x89: {  	s3 =	sld [smem:$0x3FFE];
	_ =	sdelay $0x1  }
0x8a: {  	s1 =	srdreg.scid  }
0x8b: {  	s0 =	sand.u32 $0x1, s1  }
0x8c: {  	s17 =	sshll.u32 s0, $0xA;
	s2 =	sadd.s32 s3, s2  }
0x8d: {  	s2 =	sadd.s32 s2, s17  }
0x8e: {  	[smem:$0x3FC6] =	sst s2  }
0x8f: {  	_ = 	snop  }
0x90: {  	s2 =	sld [smem:$0x3FD0];
	(tm) =	ssettm $0x1  }
0x91: {  	s18 =	sld [smem:$0x3FFB];
	_ =	sdelay $0x3  }
0x92: {  	_ =	strace s18  }
0x93: {  	s3 =	sld [smem:$0x3FFC];
	_ =	sdelay $0x3  }
0x94: {  	_ =	strace s3  }
0x95: {  	s3 =	sld [smem:$0x3FFD];
	_ =	sdelay $0x3  }
0x96: {  	_ =	strace s3  }
0x97: {  	_ =	strace $0x8FFFFFFF  }
0x98: {  	s19 =	sld [smem:$0x3FDB];
	_ =	sdelay $0x1  }
0x99: {  	s4 =	simm.s32 $_scs_section_size  }
0x9a: {  	s5 =	simm.s32 $_size__tile_overlayer_lowered;
	s6 =	simm.s32 $_tile_overlayer_lowered  }
0x9b: {  	s22 =	simm.s32 $0x1BFF;
	s21 =	sshll.u32 s6, $0x1;
	s3 =	sadd.s32 s4, s19  }
0x9c: {  	s7 =	simm.s32 $0x0;
	s20 =	sshll.u32 s5, $0x1;
	s5 =	sadd.s32 s21, s3  }
0x9d: {  	[timem:s7], [sflag:s22] =	dma.local [hbm:s5], s20  }
0x9e: {  	_ =	swait.ge [sflag:s22], s20  }
0x9f: {  	s4 =	ssub.s32 $0x0, s20;
	[sflag:s22] =	ssyncset.done $0x0  }
0xa0: {  	[sflag:s22] =	ssyncadd.s32 s4;
	_ =	sdelay $0x1  }
0xa1: {  	s23 =	simm.s32 $0x1B8B  }
0xa2: {  	_ =	swait.ge [sflag:s23], $0x1  }
0xa3: {  	[sflag:s23] =	ssyncset.done $0x0  }
0xa4: {  	s25 =	simm.s32 $0x1B8E;
	s24 =	sld [smem:$0x3FFE];
	[sflag:s23] =	ssyncadd.s32 $0xFFFFFFFF  }
0xa5: {  	s26 =	simm.s32 $execute0_lowered;
	[smem:$0x3FD2] =	sst s25  }
0xa6: {  	s5 =	sshll.u32 s26, $0x1;
	_ =	strace $0x80000049;
	[dreg:$0x1] =	wrdreg $0xFFFFFFFF  }
0xa7: {  	s28 =	simm.s32 $_size_execute0_lowered;
	s3 =	sadd.s32 s3, s5;
	[dreg:$0x0] =	wrdreg $0x0  }
0xa8: {  	s5 =	sshll.u32 s28, $0x1;
	[dreg:$0x2] =	wrdreg s3  }
0xa9: {  	[dreg:$0x3] =	wrdreg s5  }
0xaa: {  	[dreg:$0x4] =	wrdreg $0xC0  }
0xab: {  	_ =	task [dreg:s7], $0x5FFFF  }
0xac: {  	[dreg:$0x1] =	wrdreg $0xFFFFFFFF  }
0xad: {  	[dreg:$0x0] =	wrdreg $0x60  }
0xae: {  	[dreg:$0x2] =	wrdreg s24  }
0xaf: {  	[dreg:$0x3] =	wrdreg s2  }
0xb0: {  	[dreg:$0x4] =	wrdreg $0x9  }
0xb1: {  	_ =	task.clear_ibuf [dreg:s7], $0x5FFFF;
	_ =	strace $0x90000049  }
0xb2: {  	s29 =	simm.s32 $0x9;
	_ =	strace $0x8000004B  }
0xb3: {  	_ =	swait.ge [sflag:s29], $0x1  }
0xb4: {  	[sflag:s29] =	ssyncadd.s32 $0xFFFFFFFF  }
0xb5: {  	_ =	strace $0x9000004B  }
0xb6: {  	_ =	sfence  }
0xb7: {  	s30 =	sld [smem:$0x0];
	_ =	sdelay $0x2  }
0xb8: {  	s31 =	sshll.u32 s1, $0xD;
	s1 =	sshrl.u32 s1, $0x2  }
0xb9: {  	s3 =	sand.u32 $0x4000, s31;
	s1 =	sadd.s32 s1, s30  }
0xba: {  	s0 =	sor.u32 s3, s0;
	s1 =	sshll.u32 s1, $0x11  }
0xbb: {  	s0 =	sor.u32 s1, s0  }
0xbc: {  	s0 =	sadd.s32 $0x8F2B, s0  }
0xbd: {  	[sflag:s0] =	ssyncadd.remote.s32 $0x1  }
0xbe: {  	_ =	sfence.sel $0xFFFF  }
0xbf: {  	[dreg:$0x0] =	wrdreg $0xFFFFFFFF;
	(pc) =	sbr.abs _section_cstart, $3  }
0xc0: {  	[dreg:$0x1] =	wrdreg $0xFFFFFFFF  }
0xc1: {  	_ =	task.clear_ibuf [dreg:s7], $0x2FFFF;
	_ =	strace $0x9FFFFFFF  }
0xc2: {  	(tm) =	ssettm $0x7FFFFFFF  }
0xc3: {  	_ =	shalt  }
tec
execute0_lowered:
.L_overlay_start_1:
0x0: {  	(tag) =	ssettag $0x1  }
0x1: {  	s0 =	srdreg.scid  }
0x2: {  	s7 =	stileid.u32;
	s0 =	sand.u32 $0x1, s0  }
0x3: {  	s4 =	sshll.u32 s7, $0xA;
	s5 =	sshll.u32 s0, $0x9  }
0x4: {  	s1 =	rddreg [dreg:$0x0];
	s4 =	sor.u32 s5, s4  }
0x5: {  	s2 =	rddreg [dreg:$0x1];
	s3 =	simm.s32 $0x0;
	s5 =	sshrl.u32 s4, $0x3  }
0x6: {  	[smem:$0x7FF] =	sst s3;
	s6 =	sshll.u32 s4, $0x2;
	s5 =	sadd.s32 s5, s1  }
0x7: {  	s4 =	sadd.s32 $0xE00, s1;
	s1 =	sadd.s32 s6, s2;
	s21 =	sadd.s32 $0x3D1E00, s5  }
0x8: {  	_ =	strace $0x8000004A;
	s6 =	sadd.s32 $0x100000, s1;
	[dreg:$0x13] =	wrdreg s21  }
0x9: {  	s28 =	simm.s32 $0x2800;
	s23 =	sadd.s32 $0x100200, s1;
	[dreg:$0x14] =	wrdreg s6  }
0xa: {  	s29 =	simm.s32 $0x3800;
	s8 =	sadd.s32 $0x100400, s1;
	[dreg:$0x15] =	wrdreg s23  }
0xb: {  	s31 =	simm.s32 $0x4800;
	s25 =	sadd.s32 $0x100600, s1;
	[dreg:$0x16] =	wrdreg s8  }
0xc: {  	s30 =	simm.s32 $0x8800;
	s26 =	sadd.s32 $0x110200, s1;
	[dreg:$0x17] =	wrdreg s25  }
0xd: {  	s13 =	sshll.u32 s7, $0xF;
	s9 =	sadd.s32 $0x110000, s1;
	[dreg:$0x18] =	wrdreg s26  }
0xe: {  	s22 =	ssub.s32 $0x2, s0;
	s10 =	sadd.s32 $0x110600, s1;
	[dreg:$0x1a] =	wrdreg s9  }
0xf: {  	s0 =	sshll.u32 s0, $0xE;
	s11 =	sadd.s32 $0x120000, s1;
	[dreg:$0x1b] =	wrdreg s10  }
0x10: {  	s24 =	sshrl.u32 s22, $0x1;
	s12 =	sadd.s32 $0x120200, s1;
	[dreg:$0x1c] =	wrdreg s11  }
0x11: {  	s0 =	sor.u32 s0, s13;
	s14 =	sadd.s32 $0x120400, s1;
	[dreg:$0x1d] =	wrdreg s12  }
0x12: {  	s18 =	sor.u32 $0x103000, s0;
	s15 =	sadd.s32 $0x120600, s1;
	[dreg:$0x1e] =	wrdreg s14  }
0x13: {  	s20 =	sor.u32 $0x102000, s0;
	s16 =	sadd.s32 $0x130000, s1;
	[dreg:$0x1f] =	wrdreg s15  }
0x14: {  	s5 =	ssub.s32 s22, s24;
	s17 =	sadd.s32 $0x130200, s1;
	[smem:$0x7F9] =	sst s16  }
0x15: {  	s19 =	sadd.s32 $0x130400, s1;
	s22 =	sor.u32 $0x101000, s0;
	[smem:$0x7FA] =	sst s17  }
0x16: {  	s24 =	sor.u32 $0x100000, s0;
	s8 =	sadd.s32 $0x110400, s1;
	[smem:$0x7FB] =	sst s19  }
0x17: {  	s6 =	sshrl.u32 s18, $0x3;
	s21 =	sshrl.u32 s20, $0x3;
	s23 =	sshrl.u32 s22, $0x3  }
0x18: {  	s25 =	sshrl.u32 s24, $0x3;
	s26 =	sor.u32 $0x183000, s0;
	[dreg:$0x19] =	wrdreg s8  }
0x19: {  	s10 =	sor.u32 $0x181000, s0;
	s12 =	sor.u32 $0x180000, s0;
	[dreg:$0x3] =	wrdreg s6  }
0x1a: {  	s1 =	sadd.s32 $0x130600, s1;
	s14 =	sshrl.u32 s0, $0x3;
	[dreg:$0x4] =	wrdreg s21  }
0x1b: {  	s15 =	sor.u32 $0x1000, s0;
	s17 =	sor.u32 $0x2000, s0;
	[dreg:$0x5] =	wrdreg s23  }
0x1c: {  	s19 =	sor.u32 $0x3000, s0;
	s5 =	smax.u32 s5, $0x1;
	[dreg:$0x6] =	wrdreg s25  }
0x1d: {  	s7 =	sshrl.u32 s26, $0x3;
	s8 =	sor.u32 $0x182000, s0;
	[smem:$0x7FC] =	sst s1  }
0x1e: {  	s11 =	sshrl.u32 s10, $0x3;
	s13 =	sshrl.u32 s12, $0x3;
	[dreg:$0xb] =	wrdreg s14  }
0x1f: {  	s16 =	sshrl.u32 s15, $0x3;
	s18 =	sshrl.u32 s17, $0x3;
	s20 =	sshrl.u32 s19, $0x3  }
0x20: {  	s21 =	sor.u32 $0x83000, s0;
	s23 =	sor.u32 $0x82000, s0;
	[smem:$0x7FD] =	sst s5  }
0x21: {  	s25 =	sor.u32 $0x81000, s0;
	s0 =	sor.u32 $0x80000, s0;
	[dreg:$0x7] =	wrdreg s7  }
0x22: {  	s1 =	simm.s32 $0x7800;
	s5 =	simm.s32 $0x9800;
	[dreg:$0x9] =	wrdreg s11  }
0x23: {  	s6 =	simm.s32 $0xA800;
	s10 =	simm.s32 $0xE800;
	[dreg:$0xa] =	wrdreg s13  }
0x24: {  	s12 =	simm.s32 $0x10800;
	s14 =	simm.s32 $0x1;
	[dreg:$0xc] =	wrdreg s16  }
0x25: {  	s15 =	simm.s32 $0x2;
	s17 =	simm.s32 $0x4;
	[dreg:$0xd] =	wrdreg s18  }
0x26: {  	s9 =	sshrl.u32 s8, $0x3;
	[dreg:$0xe] =	wrdreg s20;
	s22 =	sshrl.u32 s21, $0x3  }
0x27: {  	s24 =	sshrl.u32 s23, $0x3;
	s26 =	sshrl.u32 s25, $0x3;
	[dreg:$0x8] =	wrdreg s9  }
0x28: {  	s0 =	sshrl.u32 s0, $0x3;
	s7 =	simm.s32 $0xB800;
	[dreg:$0xf] =	wrdreg s22  }
0x29: {  	s8 =	simm.s32 $0xC800;
	s11 =	simm.s32 $0xF800;
	[dreg:$0x10] =	wrdreg s24  }
0x2a: {  	s13 =	simm.s32 $0x11800;
	s16 =	simm.s32 $0x3;
	[dreg:$0x11] =	wrdreg s26  }
0x2b: {  	s18 =	simm.s32 $0x0;
	[dreg:$0x12] =	wrdreg s0;
	s26 =	simm.s32 $0x80  }
0x2c: {  	s0 =	simm.s32 $0x5800;
	s24 =	simm.s32 $0x6800;
	s9 =	simm.s32 $0xD800  }
.LBB2_1:
0x2d: {  	s19 =	rddreg [dreg:$0x13]  }
0x2e: {  	s20 =	simm.s32 $0x200;
	s21 =	simm.s32 $0x4000;
	s22 =	simm.s32 $0x5  }
0x2f: {  	[tilespmem:s3], [sflag:$0x5] =	stream.strided.gather [hbm4b:s19+s20], $0x2800, s21, s20, $0x38;
	[tilespmem:$0x12800] =	vst v63  }
0x30: {  	_ =	swait.ge [sflag:s22], $0x2800  }
0x31: {  	[sflag:s22] =	ssyncset.done $0x0  }
0x32: {  	[sflag:s22] =	ssyncadd.s32 $0xFFFFD800  }
0x33: {  	[tilespmem:s28], [sflag:$0x1] =	stream.indirect.gather [hbm4b:s4+s26], $0x20, s3, s26, $0xb8;
	[tilespmem:$0x12800] =	vst v63  }
0x34: {  	_ = 	snop  }
0x35: {  	[tilespmem:s29], [sflag:$0x1] =	stream.indirect.gather [hbm4b:s4+s26], $0x20, s26, s26, $0xb8;
	[tilespmem:$0x12800] =	vst v63  }
0x36: {  	s23 =	simm.s32 $0x100  }
0x37: {  	[tilespmem:s31], [sflag:$0x1] =	stream.indirect.gather [hbm4b:s4+s26], $0x20, s23, s26, $0xb8;
	[tilespmem:$0x12800] =	vst v63  }
0x38: {  	s25 =	simm.s32 $0x180  }
0x39: {  	[tilespmem:s0], [sflag:$0x1] =	stream.indirect.gather [hbm4b:s4+s26], $0x20, s25, s26, $0xb8;
	[tilespmem:$0x12800] =	vst v63  }
0x3a: {  	_ = 	snop  }
0x3b: {  	[tilespmem:s24], [sflag:$0x1] =	stream.indirect.gather [hbm4b:s4+s26], $0x20, s20, s26, $0xb8;
	[tilespmem:$0x12800] =	vst v63  }
0x3c: {  	s21 =	simm.s32 $0x280  }
0x3d: {  	[tilespmem:s1], [sflag:$0x1] =	stream.indirect.gather [hbm4b:s4+s26], $0x20, s21, s26, $0xb8;
	[tilespmem:$0x12800] =	vst v63  }
0x3e: {  	s22 =	simm.s32 $0x300  }
0x3f: {  	[tilespmem:s30], [sflag:$0x1] =	stream.indirect.gather [hbm4b:s4+s26], $0x20, s22, s26, $0xb8;
	[tilespmem:$0x12800] =	vst v63  }
0x40: {  	s23 =	simm.s32 $0x380  }
0x41: {  	[tilespmem:s5], [sflag:$0x1] =	stream.indirect.gather [hbm4b:s4+s26], $0x20, s23, s26, $0xb8;
	[tilespmem:$0x12800] =	vst v63  }
0x42: {  	s25 =	simm.s32 $0x400  }
0x43: {  	[tilespmem:s6], [sflag:$0x2] =	stream.indirect.gather [hbm4b:s4+s26], $0x20, s25, s26, $0xb8;
	[tilespmem:$0x12800] =	vst v63  }
0x44: {  	s20 =	simm.s32 $0x480  }
0x45: {  	[tilespmem:s7], [sflag:$0x2] =	stream.indirect.gather [hbm4b:s4+s26], $0x20, s20, s26, $0xb8;
	[tilespmem:$0x12800] =	vst v63  }
0x46: {  	s21 =	simm.s32 $0x500  }
0x47: {  	[tilespmem:s8], [sflag:$0x2] =	stream.indirect.gather [hbm4b:s4+s26], $0x20, s21, s26, $0xb8;
	[tilespmem:$0x12800] =	vst v63  }
0x48: {  	s22 =	simm.s32 $0x580  }
0x49: {  	[tilespmem:s9], [sflag:$0x2] =	stream.indirect.gather [hbm4b:s4+s26], $0x20, s22, s26, $0xb8;
	[tilespmem:$0x12800] =	vst v63  }
0x4a: {  	s23 =	simm.s32 $0x600  }
0x4b: {  	[tilespmem:s10], [sflag:$0x2] =	stream.indirect.gather [hbm4b:s4+s26], $0x20, s23, s26, $0xb8;
	[tilespmem:$0x12800] =	vst v63  }
0x4c: {  	s25 =	simm.s32 $0x680  }
0x4d: {  	[tilespmem:s11], [sflag:$0x2] =	stream.indirect.gather [hbm4b:s4+s26], $0x20, s25, s26, $0xb8;
	[tilespmem:$0x12800] =	vst v63  }
0x4e: {  	s20 =	simm.s32 $0x700  }
0x4f: {  	[tilespmem:s12], [sflag:$0x2] =	stream.indirect.gather [hbm4b:s4+s26], $0x20, s20, s26, $0xb8;
	[tilespmem:$0x12800] =	vst v63  }
0x50: {  	s21 =	simm.s32 $0x780  }
0x51: {  	[tilespmem:s13], [sflag:$0x2] =	stream.indirect.gather [hbm4b:s4+s26], $0x20, s21, s26, $0xb8;
	[tilespmem:$0x12800] =	vst v63  }
0x52: {  	_ =	swait.ge [sflag:s14], $0x8000  }
0x53: {  	s22 =	rddreg [dreg:$0xb];
	[sflag:s14] =	ssyncset.done $0x0  }
0x54: {  	s23 =	rddreg [dreg:$0xc];
	[sflag:s14] =	ssyncadd.s32 $0xFFFF8000;
	s19 =	sadd.s32 s2, s22  }
0x55: {  	[hbm4b:s19+s3] =	stream.linear.scatter [tilespmem:s28], [sflag:$0x3], $0x1000, $0x38;
	[tilespmem:$0x12800] =	vst v63  }
0x56: {  	s25 =	rddreg [dreg:$0xd];
	s20 =	sadd.s32 s2, s23  }
0x57: {  	[hbm4b:s20+s3] =	stream.linear.scatter [tilespmem:s29], [sflag:$0x3], $0x1000, $0x38;
	[tilespmem:$0x12800] =	vst v63  }
0x58: {  	s22 =	rddreg [dreg:$0xe];
	s23 =	sadd.s32 s2, s25  }
0x59: {  	[hbm4b:s23+s3] =	stream.linear.scatter [tilespmem:s31], [sflag:$0x3], $0x1000, $0x38;
	[tilespmem:$0x12800] =	vst v63  }
0x5a: {  	s25 =	rddreg [dreg:$0x12];
	s20 =	sadd.s32 s2, s22  }
0x5b: {  	[hbm4b:s20+s3] =	stream.linear.scatter [tilespmem:s0], [sflag:$0x3], $0x1000, $0x38;
	[tilespmem:$0x12800] =	vst v63  }
0x5c: {  	s22 =	rddreg [dreg:$0x11];
	s23 =	sadd.s32 s2, s25  }
0x5d: {  	[hbm4b:s23+s3] =	stream.linear.scatter [tilespmem:s24], [sflag:$0x3], $0x1000, $0x38;
	[tilespmem:$0x12800] =	vst v63  }
0x5e: {  	s22 =	sadd.s32 s2, s22;
	s25 =	rddreg [dreg:$0x10]  }
0x5f: {  	[hbm4b:s22+s3] =	stream.linear.scatter [tilespmem:s1], [sflag:$0x3], $0x1000, $0x38;
	[tilespmem:$0x12800] =	vst v63  }
0x60: {  	s25 =	sadd.s32 s2, s25;
	s23 =	rddreg [dreg:$0xf]  }
0x61: {  	[hbm4b:s25+s3] =	stream.linear.scatter [tilespmem:s30], [sflag:$0x3], $0x1000, $0x38;
	[tilespmem:$0x12800] =	vst v63  }
0x62: {  	s21 =	sadd.s32 s2, s23  }
0x63: {  	[hbm4b:s21+s3] =	stream.linear.scatter [tilespmem:s5], [sflag:$0x3], $0x1000, $0x38;
	[tilespmem:$0x12800] =	vst v63  }
0x64: {  	_ =	swait.ge [sflag:s15], $0x8000  }
0x65: {  	s22 =	rddreg [dreg:$0x6];
	[sflag:s15] =	ssyncset.done $0x0  }
0x66: {  	s23 =	rddreg [dreg:$0x5];
	[sflag:s15] =	ssyncadd.s32 $0xFFFF8000;
	s19 =	sadd.s32 s2, s22  }
0x67: {  	[hbm4b:s19+s3] =	stream.linear.scatter [tilespmem:s6], [sflag:$0x4], $0x1000, $0x38;
	[tilespmem:$0x12800] =	vst v63  }
0x68: {  	s25 =	rddreg [dreg:$0x4];
	s20 =	sadd.s32 s2, s23  }
0x69: {  	[hbm4b:s20+s3] =	stream.linear.scatter [tilespmem:s7], [sflag:$0x4], $0x1000, $0x38;
	[tilespmem:$0x12800] =	vst v63  }
0x6a: {  	s22 =	rddreg [dreg:$0x3];
	s23 =	sadd.s32 s2, s25  }
0x6b: {  	[hbm4b:s23+s3] =	stream.linear.scatter [tilespmem:s8], [sflag:$0x4], $0x1000, $0x38;
	[tilespmem:$0x12800] =	vst v63  }
0x6c: {  	s25 =	rddreg [dreg:$0xa];
	s20 =	sadd.s32 s2, s22  }
0x6d: {  	[hbm4b:s20+s3] =	stream.linear.scatter [tilespmem:s9], [sflag:$0x4], $0x1000, $0x38;
	[tilespmem:$0x12800] =	vst v63  }
0x6e: {  	s22 =	rddreg [dreg:$0x9];
	s23 =	sadd.s32 s2, s25  }
0x6f: {  	[hbm4b:s23+s3] =	stream.linear.scatter [tilespmem:s10], [sflag:$0x4], $0x1000, $0x38;
	[tilespmem:$0x12800] =	vst v63  }
0x70: {  	s25 =	rddreg [dreg:$0x8];
	s20 =	sadd.s32 s2, s22  }
0x71: {  	[hbm4b:s20+s3] =	stream.linear.scatter [tilespmem:s11], [sflag:$0x4], $0x1000, $0x38;
	[tilespmem:$0x12800] =	vst v63  }
0x72: {  	s22 =	rddreg [dreg:$0x7];
	s23 =	sadd.s32 s2, s25  }
0x73: {  	[hbm4b:s23+s3] =	stream.linear.scatter [tilespmem:s12], [sflag:$0x4], $0x1000, $0x38;
	[tilespmem:$0x12800] =	vst v63  }
0x74: {  	s25 =	sadd.s32 s2, s22  }
0x75: {  	[hbm4b:s25+s3] =	stream.linear.scatter [tilespmem:s13], [sflag:$0x4], $0x1000, $0x38;
	[tilespmem:$0x12800] =	vst v63  }
0x76: {  	_ =	swait.ge [sflag:s16], $0x8000  }
0x77: {  	[sflag:s16] =	ssyncset.done $0x0  }
0x78: {  	s20 =	simm.s32 $0x800;
	[sflag:s16] =	ssyncadd.s32 $0xFFFF8000  }
0x79: {  	[tilespmem:s28], [sflag:$0x1] =	stream.indirect.gather [hbm4b:s4+s26], $0x20, s20, s26, $0xb8;
	[tilespmem:$0x12800] =	vst v63  }
0x7a: {  	s21 =	simm.s32 $0x880  }
0x7b: {  	[tilespmem:s29], [sflag:$0x1] =	stream.indirect.gather [hbm4b:s4+s26], $0x20, s21, s26, $0xb8;
	[tilespmem:$0x12800] =	vst v63  }
0x7c: {  	s22 =	simm.s32 $0x900  }
0x7d: {  	[tilespmem:s31], [sflag:$0x1] =	stream.indirect.gather [hbm4b:s4+s26], $0x20, s22, s26, $0xb8;
	[tilespmem:$0x12800] =	vst v63  }
0x7e: {  	s23 =	simm.s32 $0x980  }
0x7f: {  	[tilespmem:s0], [sflag:$0x1] =	stream.indirect.gather [hbm4b:s4+s26], $0x20, s23, s26, $0xb8;
	[tilespmem:$0x12800] =	vst v63  }
0x80: {  	s25 =	simm.s32 $0xA00  }
0x81: {  	[tilespmem:s24], [sflag:$0x1] =	stream.indirect.gather [hbm4b:s4+s26], $0x20, s25, s26, $0xb8;
	[tilespmem:$0x12800] =	vst v63  }
0x82: {  	s20 =	simm.s32 $0xA80  }
0x83: {  	[tilespmem:s1], [sflag:$0x1] =	stream.indirect.gather [hbm4b:s4+s26], $0x20, s20, s26, $0xb8;
	[tilespmem:$0x12800] =	vst v63  }
0x84: {  	s21 =	simm.s32 $0xB00  }
0x85: {  	[tilespmem:s30], [sflag:$0x1] =	stream.indirect.gather [hbm4b:s4+s26], $0x20, s21, s26, $0xb8;
	[tilespmem:$0x12800] =	vst v63  }
0x86: {  	s22 =	simm.s32 $0xB80  }
0x87: {  	[tilespmem:s5], [sflag:$0x1] =	stream.indirect.gather [hbm4b:s4+s26], $0x20, s22, s26, $0xb8;
	[tilespmem:$0x12800] =	vst v63  }
0x88: {  	_ =	swait.ge [sflag:s17], $0x8000  }
0x89: {  	[sflag:s17] =	ssyncset.done $0x0  }
0x8a: {  	s23 =	simm.s32 $0xC00;
	[sflag:s17] =	ssyncadd.s32 $0xFFFF8000  }
0x8b: {  	[tilespmem:s6], [sflag:$0x2] =	stream.indirect.gather [hbm4b:s4+s26], $0x20, s23, s26, $0xb8;
	[tilespmem:$0x12800] =	vst v63  }
0x8c: {  	s25 =	simm.s32 $0xC80  }
0x8d: {  	[tilespmem:s7], [sflag:$0x2] =	stream.indirect.gather [hbm4b:s4+s26], $0x20, s25, s26, $0xb8;
	[tilespmem:$0x12800] =	vst v63  }
0x8e: {  	s20 =	simm.s32 $0xD00  }
0x8f: {  	[tilespmem:s8], [sflag:$0x2] =	stream.indirect.gather [hbm4b:s4+s26], $0x20, s20, s26, $0xb8;
	[tilespmem:$0x12800] =	vst v63  }
0x90: {  	s21 =	simm.s32 $0xD80  }
0x91: {  	[tilespmem:s9], [sflag:$0x2] =	stream.indirect.gather [hbm4b:s4+s26], $0x20, s21, s26, $0xb8;
	[tilespmem:$0x12800] =	vst v63  }
0x92: {  	s22 =	simm.s32 $0xE00  }
0x93: {  	[tilespmem:s10], [sflag:$0x2] =	stream.indirect.gather [hbm4b:s4+s26], $0x20, s22, s26, $0xb8;
	[tilespmem:$0x12800] =	vst v63  }
0x94: {  	s19 =	simm.s32 $0x2000;
	s23 =	simm.s32 $0xE80  }
0x95: {  	[tilespmem:s11], [sflag:$0x2] =	stream.indirect.gather [hbm4b:s4+s26], $0x20, s23, s26, $0xb8;
	[tilespmem:$0x12800] =	vst v63  }
0x96: {  	s25 =	simm.s32 $0xF00;
	s20 =	sadd.s32 $0x40000, s2;
	s21 =	simm.s32 $0xF80  }
0x97: {  	[tilespmem:s12], [sflag:$0x2] =	stream.indirect.gather [hbm4b:s4+s26], $0x20, s25, s26, $0xb8;
	[tilespmem:$0x12800] =	vst v63  }
.LBB2_2:
0x98: {  	[tilespmem:s13], [sflag:$0x2] =	stream.indirect.gather [hbm4b:s4+s26], $0x20, s21, s26, $0xb8;
	[tilespmem:$0x12800] =	vst v63  }
0x99: {  	_ =	swait.ge [sflag:s14], $0x8000  }
0x9a: {  	s23 =	rddreg [dreg:$0xb];
	[sflag:s14] =	ssyncset.done $0x0  }
0x9b: {  	s22 =	rddreg [dreg:$0xc];
	[sflag:s14] =	ssyncadd.s32 $0xFFFF8000;
	s23 =	sadd.s32 s20, s23  }
0x9c: {  	[hbm4b:s23+s3] =	stream.linear.scatter [tilespmem:s28], [sflag:$0x3], $0x1000, $0x38;
	[tilespmem:$0x12800] =	vst v63  }
0x9d: {  	s25 =	rddreg [dreg:$0xd];
	s22 =	sadd.s32 s20, s22  }
0x9e: {  	[hbm4b:s22+s3] =	stream.linear.scatter [tilespmem:s29], [sflag:$0x3], $0x1000, $0x38;
	[tilespmem:$0x12800] =	vst v63  }
0x9f: {  	s23 =	rddreg [dreg:$0xe];
	s22 =	sadd.s32 s20, s25  }
0xa0: {  	[hbm4b:s22+s3] =	stream.linear.scatter [tilespmem:s31], [sflag:$0x3], $0x1000, $0x38;
	[tilespmem:$0x12800] =	vst v63  }
0xa1: {  	s25 =	rddreg [dreg:$0x12];
	s22 =	sadd.s32 s20, s23  }
0xa2: {  	[hbm4b:s22+s3] =	stream.linear.scatter [tilespmem:s0], [sflag:$0x3], $0x1000, $0x38;
	[tilespmem:$0x12800] =	vst v63  }
0xa3: {  	s23 =	rddreg [dreg:$0x11];
	s22 =	sadd.s32 s20, s25  }
0xa4: {  	[hbm4b:s22+s3] =	stream.linear.scatter [tilespmem:s24], [sflag:$0x3], $0x1000, $0x38;
	[tilespmem:$0x12800] =	vst v63  }
0xa5: {  	s25 =	rddreg [dreg:$0x10];
	s22 =	sadd.s32 s20, s23  }
0xa6: {  	[hbm4b:s22+s3] =	stream.linear.scatter [tilespmem:s1], [sflag:$0x3], $0x1000, $0x38;
	[tilespmem:$0x12800] =	vst v63  }
0xa7: {  	s25 =	sadd.s32 s20, s25;
	s23 =	rddreg [dreg:$0xf]  }
0xa8: {  	[hbm4b:s25+s3] =	stream.linear.scatter [tilespmem:s30], [sflag:$0x3], $0x1000, $0x38;
	[tilespmem:$0x12800] =	vst v63  }
0xa9: {  	s23 =	sadd.s32 s20, s23  }
0xaa: {  	[hbm4b:s23+s3] =	stream.linear.scatter [tilespmem:s5], [sflag:$0x3], $0x1000, $0x38;
	[tilespmem:$0x12800] =	vst v63  }
0xab: {  	_ =	swait.ge [sflag:s15], $0x8000  }
0xac: {  	s25 =	rddreg [dreg:$0x6];
	[sflag:s15] =	ssyncset.done $0x0  }
0xad: {  	s23 =	rddreg [dreg:$0x5];
	[sflag:s15] =	ssyncadd.s32 $0xFFFF8000;
	s22 =	sadd.s32 s20, s25  }
0xae: {  	[hbm4b:s22+s3] =	stream.linear.scatter [tilespmem:s6], [sflag:$0x4], $0x1000, $0x38;
	[tilespmem:$0x12800] =	vst v63  }
0xaf: {  	s25 =	rddreg [dreg:$0x4];
	s22 =	sadd.s32 s20, s23  }
0xb0: {  	[hbm4b:s22+s3] =	stream.linear.scatter [tilespmem:s7], [sflag:$0x4], $0x1000, $0x38;
	[tilespmem:$0x12800] =	vst v63  }
0xb1: {  	s23 =	rddreg [dreg:$0x3];
	s22 =	sadd.s32 s20, s25  }
0xb2: {  	[hbm4b:s22+s3] =	stream.linear.scatter [tilespmem:s8], [sflag:$0x4], $0x1000, $0x38;
	[tilespmem:$0x12800] =	vst v63  }
0xb3: {  	s25 =	rddreg [dreg:$0xa];
	s22 =	sadd.s32 s20, s23  }
0xb4: {  	[hbm4b:s22+s3] =	stream.linear.scatter [tilespmem:s9], [sflag:$0x4], $0x1000, $0x38;
	[tilespmem:$0x12800] =	vst v63  }
0xb5: {  	s23 =	rddreg [dreg:$0x9];
	s22 =	sadd.s32 s20, s25  }
0xb6: {  	[hbm4b:s22+s3] =	stream.linear.scatter [tilespmem:s10], [sflag:$0x4], $0x1000, $0x38;
	[tilespmem:$0x12800] =	vst v63  }
0xb7: {  	s25 =	rddreg [dreg:$0x8];
	s22 =	sadd.s32 s20, s23  }
0xb8: {  	[hbm4b:s22+s3] =	stream.linear.scatter [tilespmem:s11], [sflag:$0x4], $0x1000, $0x38;
	[tilespmem:$0x12800] =	vst v63  }
0xb9: {  	s25 =	sadd.s32 s20, s25;
	s23 =	rddreg [dreg:$0x7]  }
0xba: {  	[hbm4b:s25+s3] =	stream.linear.scatter [tilespmem:s12], [sflag:$0x4], $0x1000, $0x38;
	[tilespmem:$0x12800] =	vst v63  }
0xbb: {  	s23 =	sadd.s32 s20, s23  }
0xbc: {  	[hbm4b:s23+s3] =	stream.linear.scatter [tilespmem:s13], [sflag:$0x4], $0x1000, $0x38;
	[tilespmem:$0x12800] =	vst v63  }
0xbd: {  	s21 =	smov.u32 s19;
	_ =	swait.ge [sflag:s16], $0x8000  }
0xbe: {  	s21 =	sshra.s32 s21, $0x2;
	[sflag:s16] =	ssyncset.done $0x0  }
0xbf: {  	s25 =	sadd.s32 $0x800, s21;
	[sflag:s16] =	ssyncadd.s32 $0xFFFF8000  }
0xc0: {  	[tilespmem:s28], [sflag:$0x1] =	stream.indirect.gather [hbm4b:s4+s26], $0x20, s25, s26, $0xb8;
	[tilespmem:$0x12800] =	vst v63  }
0xc1: {  	s23 =	sadd.s32 $0x880, s21  }
0xc2: {  	[tilespmem:s29], [sflag:$0x1] =	stream.indirect.gather [hbm4b:s4+s26], $0x20, s23, s26, $0xb8;
	[tilespmem:$0x12800] =	vst v63  }
0xc3: {  	s25 =	sadd.s32 $0x900, s21  }
0xc4: {  	[tilespmem:s31], [sflag:$0x1] =	stream.indirect.gather [hbm4b:s4+s26], $0x20, s25, s26, $0xb8;
	[tilespmem:$0x12800] =	vst v63  }
0xc5: {  	s23 =	sadd.s32 $0x980, s21  }
0xc6: {  	[tilespmem:s0], [sflag:$0x1] =	stream.indirect.gather [hbm4b:s4+s26], $0x20, s23, s26, $0xb8;
	[tilespmem:$0x12800] =	vst v63  }
0xc7: {  	s25 =	sadd.s32 $0xA00, s21  }
0xc8: {  	[tilespmem:s24], [sflag:$0x1] =	stream.indirect.gather [hbm4b:s4+s26], $0x20, s25, s26, $0xb8;
	[tilespmem:$0x12800] =	vst v63  }
0xc9: {  	s23 =	sadd.s32 $0xA80, s21  }
0xca: {  	[tilespmem:s1], [sflag:$0x1] =	stream.indirect.gather [hbm4b:s4+s26], $0x20, s23, s26, $0xb8;
	[tilespmem:$0x12800] =	vst v63  }
0xcb: {  	s25 =	sadd.s32 $0xB00, s21  }
0xcc: {  	[tilespmem:s30], [sflag:$0x1] =	stream.indirect.gather [hbm4b:s4+s26], $0x20, s25, s26, $0xb8;
	[tilespmem:$0x12800] =	vst v63  }
0xcd: {  	s23 =	sadd.s32 $0xB80, s21  }
0xce: {  	[tilespmem:s5], [sflag:$0x1] =	stream.indirect.gather [hbm4b:s4+s26], $0x20, s23, s26, $0xb8;
	[tilespmem:$0x12800] =	vst v63  }
0xcf: {  	_ =	swait.ge [sflag:s17], $0x8000  }
0xd0: {  	[sflag:s17] =	ssyncset.done $0x0  }
0xd1: {  	s25 =	sadd.s32 $0xC00, s21;
	[sflag:s17] =	ssyncadd.s32 $0xFFFF8000  }
0xd2: {  	[tilespmem:s6], [sflag:$0x2] =	stream.indirect.gather [hbm4b:s4+s26], $0x20, s25, s26, $0xb8;
	[tilespmem:$0x12800] =	vst v63  }
0xd3: {  	s23 =	sadd.s32 $0xC80, s21  }
0xd4: {  	[tilespmem:s7], [sflag:$0x2] =	stream.indirect.gather [hbm4b:s4+s26], $0x20, s23, s26, $0xb8;
	[tilespmem:$0x12800] =	vst v63  }
0xd5: {  	s25 =	sadd.s32 $0xD00, s21  }
0xd6: {  	[tilespmem:s8], [sflag:$0x2] =	stream.indirect.gather [hbm4b:s4+s26], $0x20, s25, s26, $0xb8;
	[tilespmem:$0x12800] =	vst v63  }
0xd7: {  	s23 =	sadd.s32 $0xD80, s21  }
0xd8: {  	[tilespmem:s9], [sflag:$0x2] =	stream.indirect.gather [hbm4b:s4+s26], $0x20, s23, s26, $0xb8;
	[tilespmem:$0x12800] =	vst v63  }
0xd9: {  	p0 =	sne.s32 s19, $0x6000;
	s25 =	sadd.s32 $0xE00, s21  }
0xda: {  	[tilespmem:s10], [sflag:$0x2] =	stream.indirect.gather [hbm4b:s4+s26], $0x20, s25, s26, $0xb8;
	[tilespmem:$0x12800] =	vst v63  }
.Ltmp0:
0xdb: {  	_ = 	snop;
	(pc) =	sbr.rel @p0 .LBB2_2-.Ltmp0, $4  }
0xdc: {  	s19 =	sadd.s32 $0x2000, s19;
	s23 =	sadd.s32 $0xE80, s21  }
0xdd: {  	[tilespmem:s11], [sflag:$0x2] =	stream.indirect.gather [hbm4b:s4+s26], $0x20, s23, s26, $0xb8;
	[tilespmem:$0x12800] =	vst v63  }
0xde: {  	s20 =	sadd.s32 $0x40000, s20;
	s25 =	sadd.s32 $0xF00, s21;
	s21 =	sadd.s32 $0xF80, s21  }
0xdf: {  	[tilespmem:s12], [sflag:$0x2] =	stream.indirect.gather [hbm4b:s4+s26], $0x20, s25, s26, $0xb8;
	[tilespmem:$0x12800] =	vst v63  }
0xe0: {  	[tilespmem:s13], [sflag:$0x2] =	stream.indirect.gather [hbm4b:s4+s26], $0x20, s21, s26, $0xb8;
	[tilespmem:$0x12800] =	vst v63  }
0xe1: {  	_ =	swait.ge [sflag:s14], $0x8000  }
0xe2: {  	[sflag:s14] =	ssyncset.done $0x0  }
0xe3: {  	s19 =	rddreg [dreg:$0x14];
	[sflag:s14] =	ssyncadd.s32 $0xFFFF8000  }
0xe4: {  	[hbm4b:s19+s3] =	stream.linear.scatter [tilespmem:s28], [sflag:$0x3], $0x1000, $0x38;
	[tilespmem:$0x12800] =	vst v63  }
0xe5: {  	s25 =	rddreg [dreg:$0x15]  }
0xe6: {  	[hbm4b:s25+s3] =	stream.linear.scatter [tilespmem:s29], [sflag:$0x3], $0x1000, $0x38;
	[tilespmem:$0x12800] =	vst v63  }
0xe7: {  	s20 =	rddreg [dreg:$0x16]  }
0xe8: {  	[hbm4b:s20+s3] =	stream.linear.scatter [tilespmem:s31], [sflag:$0x3], $0x1000, $0x38;
	[tilespmem:$0x12800] =	vst v63  }
0xe9: {  	s21 =	rddreg [dreg:$0x17]  }
0xea: {  	[hbm4b:s21+s3] =	stream.linear.scatter [tilespmem:s0], [sflag:$0x3], $0x1000, $0x38;
	[tilespmem:$0x12800] =	vst v63  }
0xeb: {  	s22 =	rddreg [dreg:$0x1a]  }
0xec: {  	[hbm4b:s22+s3] =	stream.linear.scatter [tilespmem:s24], [sflag:$0x3], $0x1000, $0x38;
	[tilespmem:$0x12800] =	vst v63  }
0xed: {  	s23 =	rddreg [dreg:$0x18]  }
0xee: {  	[hbm4b:s23+s3] =	stream.linear.scatter [tilespmem:s1], [sflag:$0x3], $0x1000, $0x38;
	[tilespmem:$0x12800] =	vst v63  }
0xef: {  	s25 =	rddreg [dreg:$0x19]  }
0xf0: {  	[hbm4b:s25+s3] =	stream.linear.scatter [tilespmem:s30], [sflag:$0x3], $0x1000, $0x38;
	[tilespmem:$0x12800] =	vst v63  }
0xf1: {  	s20 =	rddreg [dreg:$0x1b]  }
0xf2: {  	[hbm4b:s20+s3] =	stream.linear.scatter [tilespmem:s5], [sflag:$0x3], $0x1000, $0x38;
	[tilespmem:$0x12800] =	vst v63  }
0xf3: {  	_ =	swait.ge [sflag:s15], $0x8000  }
0xf4: {  	[sflag:s15] =	ssyncset.done $0x0;
	s21 =	rddreg [dreg:$0x1c]  }
0xf5: {  	s22 =	rddreg [dreg:$0x1d];
	[sflag:s15] =	ssyncadd.s32 $0xFFFF8000  }
0xf6: {  	[hbm4b:s21+s3] =	stream.linear.scatter [tilespmem:s6], [sflag:$0x4], $0x1000, $0x38;
	[tilespmem:$0x12800] =	vst v63  }
0xf7: {  	s23 =	rddreg [dreg:$0x1e]  }
0xf8: {  	[hbm4b:s22+s3] =	stream.linear.scatter [tilespmem:s7], [sflag:$0x4], $0x1000, $0x38;
	[tilespmem:$0x12800] =	vst v63  }
0xf9: {  	s25 =	rddreg [dreg:$0x1f]  }
0xfa: {  	[hbm4b:s23+s3] =	stream.linear.scatter [tilespmem:s8], [sflag:$0x4], $0x1000, $0x38;
	[tilespmem:$0x12800] =	vst v63  }
0xfb: {  	s20 =	sld [smem:$0x7F9]  }
0xfc: {  	[hbm4b:s25+s3] =	stream.linear.scatter [tilespmem:s9], [sflag:$0x4], $0x1000, $0x38;
	[tilespmem:$0x12800] =	vst v63  }
0xfd: {  	s21 =	sld [smem:$0x7FA]  }
0xfe: {  	[hbm4b:s20+s3] =	stream.linear.scatter [tilespmem:s10], [sflag:$0x4], $0x1000, $0x38;
	[tilespmem:$0x12800] =	vst v63  }
0xff: {  	s22 =	sld [smem:$0x7FB]  }
0x100: {  	[hbm4b:s21+s3] =	stream.linear.scatter [tilespmem:s11], [sflag:$0x4], $0x1000, $0x38;
	[tilespmem:$0x12800] =	vst v63  }
0x101: {  	s23 =	sld [smem:$0x7FC]  }
0x102: {  	[hbm4b:s22+s3] =	stream.linear.scatter [tilespmem:s12], [sflag:$0x4], $0x1000, $0x38;
	[tilespmem:$0x12800] =	vst v63  }
0x103: {  	_ = 	snop  }
0x104: {  	[hbm4b:s23+s3] =	stream.linear.scatter [tilespmem:s13], [sflag:$0x4], $0x1000, $0x38;
	[tilespmem:$0x12800] =	vst v63  }
0x105: {  	_ =	swait.ge [sflag:s16], $0x8000  }
0x106: {  	[sflag:s16] =	ssyncset.done $0x0  }
0x107: {  	[sflag:s16] =	ssyncadd.s32 $0xFFFF8000  }
0x108: {  	_ =	swait.ge [sflag:s17], $0x8000  }
0x109: {  	s25 =	sld [smem:$0x7FD];
	_ =	sdelay $0x1  }
0x10a: {  	s18 =	sadd.s32 $0x1, s18  }
0x10b: {  	p0 =	sne.s32 s18, s25  }
.Ltmp1:
0x10c: {  	_ = 	snop;
	(pc) =	sbr.rel @p0 .LBB2_1-.Ltmp1, $3  }
0x10d: {  	_ =	sdelay $0x1  }
0x10e: {  	[sflag:s17] =	ssyncset.done $0x0  }
0x10f: {  	[sflag:s17] =	ssyncadd.s32 $0xFFFF8000  }
0x110: {  	_ =	sfence.sel $0x180000  }
0x111: {  	[bflag:$0x0] =	sbarrier.arrive $0xFFFF  }
0x112: {  	_ =	strace $0x9000004A  }
0x113: {  	s0 =	stileid.u32;
	[bflag:$0x2] =	sbarrier.arrive $0xFFFF  }
0x114: {  	p0 =	sne.s32 s0, $0x0;
	s0 =	rddreg [dreg:$0x2]  }
0x115: {  	s0 =	sadd.s32 @!p0 $0x100000, s0  }
0x116: {  	[sflag:s0] =	ssyncadd.tile.s32 @!p0 $0x1;
	_ =	shalt  }
.Lfunc_end2:
_tile_overlayer_lowered:
.L_overlay_start_2:
0x117: {  	(tag) =	ssettag $0x2  }
0x118: {  	s0 =	rddreg [dreg:$0x0];
	s2 =	stileid.u32  }
0x119: {  	s1 =	rddreg [dreg:$0x1];
	p0 =	sne.s32 s2, $0x0  }
0x11a: {  	s3 =	rddreg [dreg:$0x2];
	[bflag:$0x3] =	sbarrier.arrive $0xFFFF;
	s2 =	simm.s32 @!p0 $0x1C05  }
0x11b: {  	[timem:s3], [sflag:s2] =	dma.local @!p0 [hbm:s0], s1  }
0x11c: {  	s0 =	simm.s32 @!p0 $0x5  }
0x11d: {  	_ =	swait.ge @!p0 [sflag:s0], s1  }
0x11e: {  	s1 =	ssub.s32 @!p0 $0x0, s1;
	[sflag:s0] =	ssyncset.done @!p0 $0x0  }
0x11f: {  	[sflag:s0] =	ssyncadd.s32 @!p0 s1  }
0x120: {  	[bflag:$0x3] =	sbarrier.arrive $0xFFFF  }
0x121: {  	_ =	shalt  }

// kernel: sparse-core-data-format-call.cloned.1.call-start
scs
called_computation_lowered:
.L_overlay_start_0:
0x0: {  	s2 =	sld [smem:$0x3FD9]  }
0x1: {  	s3 =	sld [smem:$0x3FFE];
	_ =	sdelay $0x1  }
0x2: {  	s1 =	srdreg.scid  }
0x3: {  	s0 =	sand.u32 $0x1, s1  }
0x4: {  	s18 =	sshll.u32 s0, $0xA;
	s2 =	sadd.s32 s3, s2  }
0x5: {  	s2 =	sadd.s32 s2, s18  }
0x6: {  	[smem:$0x3FC6] =	sst s2  }
0x7: {  	_ = 	snop  }
0x8: {  	s2 =	sld [smem:$0x3FD0];
	(tm) =	ssettm $0x1  }
0x9: {  	s19 =	sld [smem:$0x3FFB];
	_ =	sdelay $0x3  }
0xa: {  	_ =	strace s19  }
0xb: {  	s3 =	sld [smem:$0x3FFC];
	_ =	sdelay $0x3  }
0xc: {  	_ =	strace s3  }
0xd: {  	s3 =	sld [smem:$0x3FFD];
	_ =	sdelay $0x3  }
0xe: {  	_ =	strace s3  }
0xf: {  	_ =	strace $0x8FFFFFFF  }
0x10: {  	s20 =	sld [smem:$0x3FDB];
	_ =	sdelay $0x1  }
0x11: {  	s4 =	simm.s32 $_scs_section_size  }
0x12: {  	s5 =	simm.s32 $_size__tile_overlayer_lowered;
	s6 =	simm.s32 $_tile_overlayer_lowered  }
0x13: {  	s23 =	simm.s32 $0x1BFF;
	s22 =	sshll.u32 s6, $0x1;
	s3 =	sadd.s32 s4, s20  }
0x14: {  	s7 =	simm.s32 $0x0;
	s21 =	sshll.u32 s5, $0x1;
	s5 =	sadd.s32 s22, s3  }
0x15: {  	[timem:s7], [sflag:s23] =	dma.local [hbm:s5], s21  }
0x16: {  	_ =	swait.ge [sflag:s23], s21  }
0x17: {  	s4 =	ssub.s32 $0x0, s21;
	[sflag:s23] =	ssyncset.done $0x0  }
0x18: {  	[sflag:s23] =	ssyncadd.s32 s4;
	_ =	sdelay $0x1  }
0x19: {  	s24 =	simm.s32 $0x1B8B  }
0x1a: {  	_ =	swait.ge [sflag:s24], $0x1  }
0x1b: {  	[sflag:s24] =	ssyncset.done $0x0  }
0x1c: {  	s26 =	simm.s32 $0x1B8E;
	s25 =	sld [smem:$0x3FFE];
	[sflag:s24] =	ssyncadd.s32 $0xFFFFFFFF  }
0x1d: {  	s27 =	simm.s32 $execute0_lowered;
	[smem:$0x3FD2] =	sst s26  }
0x1e: {  	s5 =	sshll.u32 s27, $0x1;
	_ =	strace $0x8000004C;
	[dreg:$0x1] =	wrdreg $0xFFFFFFFF  }
0x1f: {  	s28 =	simm.s32 $_size_execute0_lowered;
	s3 =	sadd.s32 s3, s5;
	[dreg:$0x0] =	wrdreg $0x0  }
0x20: {  	s5 =	sshll.u32 s28, $0x1;
	[dreg:$0x2] =	wrdreg s3  }
0x21: {  	[dreg:$0x3] =	wrdreg s5  }
0x22: {  	[dreg:$0x4] =	wrdreg $0xC0  }
0x23: {  	_ =	task [dreg:s7], $0x5FFFF  }
0x24: {  	[dreg:$0x1] =	wrdreg $0xFFFFFFFF  }
0x25: {  	[dreg:$0x0] =	wrdreg $0x60  }
0x26: {  	[dreg:$0x2] =	wrdreg s25  }
0x27: {  	[dreg:$0x3] =	wrdreg s2  }
0x28: {  	[dreg:$0x4] =	wrdreg $0x9  }
0x29: {  	_ =	task.clear_ibuf [dreg:s7], $0x5FFFF;
	_ =	strace $0x9000004C  }
0x2a: {  	s29 =	simm.s32 $0x9;
	_ =	strace $0x8000004E  }
0x2b: {  	_ =	swait.ge [sflag:s29], $0x1  }
0x2c: {  	[sflag:s29] =	ssyncadd.s32 $0xFFFFFFFF  }
0x2d: {  	_ =	strace $0x9000004E  }
0x2e: {  	_ =	sfence  }
0x2f: {  	s30 =	sld [smem:$0x0];
	_ =	sdelay $0x2  }
0x30: {  	s31 =	sshll.u32 s1, $0xD;
	s1 =	sshrl.u32 s1, $0x2  }
0x31: {  	s3 =	sand.u32 $0x4000, s31;
	s1 =	sadd.s32 s1, s30  }
0x32: {  	s0 =	sor.u32 s3, s0;
	s1 =	sshll.u32 s1, $0x11  }
0x33: {  	s0 =	sor.u32 s1, s0  }
0x34: {  	s0 =	sadd.s32 $0x8F2B, s0  }
0x35: {  	[sflag:s0] =	ssyncadd.remote.s32 $0x1  }
0x36: {  	_ =	sfence.sel $0xFFFF  }
0x37: {  	[dreg:$0x0] =	wrdreg $0xFFFFFFFF;
	(pc) =	sbr.abs _section_cstart, $3  }
0x38: {  	[dreg:$0x1] =	wrdreg $0xFFFFFFFF  }
0x39: {  	_ =	task.clear_ibuf [dreg:s7], $0x2FFFF;
	_ =	strace $0x9FFFFFFF  }
0x3a: {  	(tm) =	ssettm $0x7FFFFFFF  }
0x3b: {  	_ =	shalt  }
tec
execute0_lowered:
.L_overlay_start_1:
0x0: {  	(tag) =	ssettag $0x1  }
0x1: {  	s0 =	srdreg.scid  }
0x2: {  	s1 =	sshll.u32 s0, $0x4  }
0x3: {  	s9 =	rddreg [dreg:$0x0];
	s0 =	stileid.u32;
	s1 =	sand.u32 $0x10, s1  }
0x4: {  	s3 =	rddreg [dreg:$0x1];
	s5 =	simm.s32 $0x1;
	s1 =	sor.u32 s0, s1  }
0x5: {  	s7 =	simm.s32 $0x2;
	s15 =	simm.s32 $0x0;
	s2 =	sshll.u32 s1, $0x7  }
0x6: {  	s11 =	simm.s32 $0x20000;
	s16 =	simm.s32 $0x0;
	s4 =	ssub.s32 $0x4000, s2  }
0x7: {  	s13 =	simm.s32 $0x0;
	s14 =	simm.s32 $0x0;
	s31 =	sand.u32 $0xF80, s4  }
0x8: {  	s8 =	sadd.s32 $0x80E00, s9;
	s1 =	rddreg [dreg:$0x2];
	p0 =	sne.s32 s31, $0x0  }
.Ltmp0:
0x9: {  	s6 =	sshrl.u32 s4, $0xC;
	s5 =	simm.s32 @!p0 $0x0;
	(pc) =	sbr.rel .LBB1_1-.Ltmp0, $4  }
0xa: {  	_ =	strace $0x8000004D;
	s4 =	simm.s32 $0x1;
	s5 =	sadd.s32 s5, s6  }
0xb: {  	s12 =	smov.u32 s2;
	[sflag:s4] =	ssyncpa.u1 $0x0;
	s5 =	smul.u32 $0x5, s5  }
0xc: {  	[sflag:s7] =	ssyncpa.u1 $0x0;
	s7 =	sadd.s32 $0x40E00, s9;
	p0 =	por $0x0, $0x0  }
0xd: {  	s6 =	sadd.s32 $0xE00, s9;
	s9 =	sadd.s32 $0xC0E00, s9;
	s10 =	sadd.s32 $0x1, s5  }
.LBB1_7:
0xe: {  	s17 =	sadd.s32 $0x1000, s12  }
0xf: {  	s15 =	sadd.s32 $0x4, s13;
	s19 =	smov.u32 s13;
	p2 =	sgt.s32 s17, $0x3FFF  }
0x10: {  	s19 =	smov.u32 @p2 s15  }
0x11: {  	s17 =	smov.u32 @p2 s2;
	p2 =	sgt.s32 s19, $0x13  }
0x12: {  	s19 =	simm.s32 @p2 $0x0;
	p2 =	sne.s32 s14, s10  }
.Ltmp1:
0x13: {  	p1 =	slt.u32 s14, $0x2;
	(pc) =	sbr.rel @!p2 .LBB1_8-.Ltmp1, $4  }
0x14: {  	s18 =	simm.s32 @!p1 $0x2  }
0x15: {  	s16 =	smov.u32 s13;
	p0 =	por !p0, !p0;
	_ =	swait.ge @!p1 [sflag:s18], $0x4000  }
0x16: {  	s15 =	smov.u32 s12;
	[sflag:s18] =	ssyncset.done @!p1 $0x0;
	s12 =	smov.u32 s17  }
0x17: {  	s14 =	sadd.s32 $0x1, s14;
	[sflag:s18] =	ssyncadd.s32 @!p1 $0xFFFFC000;
	s13 =	smov.u32 s19  }
.LBB1_1:
0x18: {  	p1 =	sge.u32 s14, s5  }
0x19: {  	s17 =	sxor.u32 @!p1 $0xFFFFFFFF, s14  }
0x1a: {  	s18 =	sshll.u32 @!p1 s13, $0x12;
	s19 =	sshll.u32 @!p1 s12, $0x4;
	s21 =	simm.s32 @!p1 $0x20  }
0x1b: {  	s17 =	sshll.u32 @!p1 s17, $0xE;
	s19 =	sand.u32 @!p1 $0x3FFF0, s19;
	s20 =	sadd.s32 @!p1 s6, s18  }
0x1c: {  	s22 =	simm.s32 @!p1 $0x80;
	s17 =	sand.u32 @!p1 $0x4000, s17;
	s20 =	sadd.s32 @!p1 s19, s20  }
0x1d: {  	[tilespmem:s17], [sflag:$0x1] =	stream.strided.gather @!p1 [hbm4b:s20+s21], $0x1000, s22, s21, $0x38;
	[tilespmem:$0x10100] =	vst v63  }
0x1e: {  	s20 =	sadd.s32 @!p1 s18, s7  }
0x1f: {  	s23 =	sor.u32 @!p1 $0x1000, s17;
	s20 =	sadd.s32 @!p1 s19, s20  }
0x20: {  	[tilespmem:s23], [sflag:$0x1] =	stream.strided.gather @!p1 [hbm4b:s20+s21], $0x1000, s22, s21, $0x38;
	[tilespmem:$0x10100] =	vst v63  }
0x21: {  	s20 =	sadd.s32 @!p1 s18, s8  }
0x22: {  	s23 =	sor.u32 @!p1 $0x2000, s17;
	s18 =	sadd.s32 @!p1 s18, s9;
	s20 =	sadd.s32 @!p1 s19, s20  }
0x23: {  	[tilespmem:s23], [sflag:$0x1] =	stream.strided.gather @!p1 [hbm4b:s20+s21], $0x1000, s22, s21, $0x38;
	[tilespmem:$0x10100] =	vst v63  }
0x24: {  	s31 =	sadd.s32 $0xFFFFFFFF, s14;
	s17 =	sor.u32 @!p1 $0x3000, s17;
	s18 =	sadd.s32 @!p1 s19, s18  }
0x25: {  	[tilespmem:s17], [sflag:$0x1] =	stream.strided.gather @!p1 [hbm4b:s18+s21], $0x1000, s22, s21, $0x38;
	[tilespmem:$0x10100] =	vst v63  }
0x26: {  	p1 =	sge.u32 s31, s5  }
.Ltmp2:
0x27: {  	_ = 	snop;
	(pc) =	sbr.rel @p1 .LBB1_7-.Ltmp2, $1  }
0x28: {  	_ =	sdelay $0x3  }
0x29: {  	s17 =	simm.s32 $0x1;
	s19 =	sand.u32 $0x1, s14  }
0x2a: {  	_ =	swait.ge [sflag:s4], $0x4000;
	s17 =	simm.s32 @!p0 $0x0;
	s20 =	smul.u32 $0x10200, s19  }
0x2b: {  	[sflag:s4] =	ssyncset.done $0x0;
	s18 =	smul.u32 $0x10200, s17  }
0x2c: {  	s17 =	sshll.u32 s17, $0xE;
	[sflag:s4] =	ssyncadd.s32 $0xFFFFC000  }
0x2d: {  	s19 =	sor.u32 $0x10, s17;
	s31 =	sshrl.u32 s20, $0x2;
	s18 =	sshrl.u32 s18, $0x2  }
0x2e: {  	s20 =	simm.s32 $0x0;
	s17 =	sor.u32 $0x8000, s31;
	s18 =	sor.u32 $0x8000, s18  }
.LBB1_3:
0x2f: {  	v1 =	vld [tilespmem:s19+$0x0]  }
0x30: {  	v0 =	vld [tilespmem:s19+$0xFFFFFFF0];
	_ =	sdelay $0x2  }
0x31: {  	s23 =	sadd.s32 $0x0, s18  }
0x32: {  	s21 =	simm.s32 $0x4;
	s22 =	sadd.s32 $0x20, s19;
	[tilespmem:s23+$0x810 ss:$0x81] =	vst.msk $0xffff, v1  }
.LBB1_4:
0x33: {  	v1 =	vld [tilespmem:s22+$0x0];
	p1 =	sne.s32 s21, $0x1FC;
	[tilespmem:s23+$0x0 ss:$0x81] =	vst.msk $0xffff, v0;
	s23 =	smov.u32 s21;
	s21 =	sadd.s32 $0x4, s21  }
.Ltmp3:
0x34: {  	v0 =	vld [tilespmem:s22+$0xFFFFFFF0];
	(pc) =	sbr.rel @p1 .LBB1_4-.Ltmp3, $4  }
0x35: {  	_ = 	snop  }
0x36: {  	s23 =	sshra.s32 s23, $0x2  }
0x37: {  	s23 =	sadd.s32 s23, s18  }
0x38: {  	s22 =	sadd.s32 $0x20, s22;
	[tilespmem:s23+$0x810 ss:$0x81] =	vst.msk $0xffff, v1  }
0x39: {  	s20 =	sadd.s32 $0x1, s20  }
0x3a: {  	p1 =	sne.s32 s20, $0x4  }
.Ltmp4:
0x3b: {  	_ = 	snop;
	(pc) =	sbr.rel @p1 .LBB1_3-.Ltmp4, $2  }
0x3c: {  	_ =	sdelay $0x2  }
0x3d: {  	[tilespmem:s23+$0x0 ss:$0x81] =	vst.msk $0xffff, v0;
	s18 =	sadd.s32 $0x1020, s18;
	s19 =	sadd.s32 $0x1000, s19  }
0x3e: {  	s18 =	sshll.u32 s15, $0x3;
	s19 =	sand.u32 $0x78, s15;
	s16 =	sshll.u32 s16, $0x10  }
.Ltmp5:
0x3f: {  	s30 =	sand.u32 $0xF800, s15;
	s18 =	sand.u32 $0x3C00, s18;
	(pc) =	sbr.rel .LBB1_7-.Ltmp5, $4  }
0x40: {  	s31 =	sand.u32 $0x7, s15;
	s16 =	sadd.s32 s3, s16;
	s18 =	sor.u32 s19, s18  }
0x41: {  	s15 =	sshll.u32 s31, $0x12;
	s16 =	sadd.s32 s30, s16;
	s18 =	sshrl.u32 s18, $0x3  }
0x42: {  	s15 =	sor.u32 $0x400, s15;
	s16 =	sadd.s32 s18, s16  }
0x43: {  	[hbm4b:s16+s15] =	stream.strided.scatter [tilespmem:s17], [sflag:$0x2], $0x4000, s11, s15, $0x20;
	[tilespmem:$0x10100] =	vst v63  }
.LBB1_8:
0x44: {  	_ =	sfence.sel $0x180000  }
0x45: {  	s2 =	simm.s32 $0x1;
	[bflag:$0x0] =	sbarrier.arrive $0xFFFF  }
0x46: {  	s31 =	simm.s32 $0x2;
	[sflag:s2] =	ssyncpa.u1 $0x1  }
0x47: {  	[sflag:s31] =	ssyncpa.u1 $0x1  }
0x48: {  	p0 =	sne.s32 s0, $0x0;
	_ =	strace $0x9000004D  }
0x49: {  	s0 =	sadd.s32 @!p0 $0x100000, s1;
	[bflag:$0x2] =	sbarrier.arrive $0xFFFF  }
0x4a: {  	[sflag:s0] =	ssyncadd.tile.s32 @!p0 $0x1;
	_ =	shalt  }
.Lfunc_end1:
_tile_overlayer_lowered:
.L_overlay_start_2:
0x4b: {  	(tag) =	ssettag $0x2  }
0x4c: {  	s0 =	rddreg [dreg:$0x0];
	s2 =	stileid.u32  }
0x4d: {  	s1 =	rddreg [dreg:$0x1];
	p0 =	sne.s32 s2, $0x0  }
0x4e: {  	s3 =	rddreg [dreg:$0x2];
	[bflag:$0x3] =	sbarrier.arrive $0xFFFF;
	s2 =	simm.s32 @!p0 $0x1C01  }
0x4f: {  	[timem:s3], [sflag:s2] =	dma.local @!p0 [hbm:s0], s1  }
0x50: {  	s0 =	simm.s32 @!p0 $0x1  }
0x51: {  	_ =	swait.ge @!p0 [sflag:s0], s1  }
0x52: {  	s1 =	ssub.s32 @!p0 $0x0, s1;
	[sflag:s0] =	ssyncset.done @!p0 $0x0  }
0x53: {  	[sflag:s0] =	ssyncadd.s32 @!p0 s1  }
0x54: {  	[bflag:$0x3] =	sbarrier.arrive $0xFFFF  }
0x55: {  	_ =	shalt  }

</sc_bundles>
